<compile_context>
chip_gen: v7x
topology: tpu7x:2x2x1
jax: 0.10.2.dev20260603
libtpu: 0.0.44.dev20260713+nightly
codegen_flags: <defaults>
</compile_context>

<pallas_src>
import functools

import jax
import jax.numpy as jnp
from jax import lax
from jax.experimental import pallas as pl
from jax.experimental.pallas import tpu as pltpu
from jax.experimental.pallas import tpu_sc as plsc

_MARGIN = 0.02
_EPS = 1e-5
_N = 100000
_D = 128
_E = _N - 1

_ROWS = 1024
_ROWS_LOG2 = 10
_N_FULL_CH = _N // _ROWS
_TAIL_ROWS = _N - _N_FULL_CH * _ROWS
_N_CH = _N_FULL_CH + 1
_TBL_COLS = 112
_GCOLS = 8
_G_ROWS = _GCOLS * _ROWS
_N_G = (_N + _G_ROWS - 1) // _G_ROWS
_NBUF = 3

_NC = 2
_NS = 16
_NW = _NC * _NS
_LANES = 16
_CHUNK = 3200
_E_PAD = _NW * _CHUNK
_UNROLL = 8


def _radii_body(x_hbm, o_ref, buf, sems):
    def copy(g):
        slot = g % _NBUF
        r0 = g * _G_ROWS
        rows = min(_G_ROWS, _N - r0)
        return pltpu.make_async_copy(
            x_hbm.at[pl.ds(r0, rows), :],
            buf.at[slot, pl.ds(0, rows)], sems.at[slot])

    for g in range(_NBUF - 1):
        copy(g).start()
    for g in range(_N_G):
        copy(g).wait()
        if g + _NBUF - 1 < _N_G:
            copy(g + _NBUF - 1).start()
        for k in range(_GCOLS):
            col = g * _GCOLS + k
            if col >= _N_CH:
                break
            rows = _ROWS if col < _N_FULL_CH else _TAIL_ROWS
            x = buf[g % _NBUF, pl.ds(k * _ROWS, rows)]
            ss = jnp.sum(x * x, axis=1, keepdims=True)
            r = jnp.minimum(jnp.sqrt(ss), 1.0 - _EPS)
            o_ref[pl.ds(0, rows), col:col + 1] = r


def _compute_radii(embeddings):
    return pl.pallas_call(
        _radii_body,
        in_specs=[pl.BlockSpec(memory_space=pl.ANY)],
        out_specs=pl.BlockSpec(memory_space=pltpu.VMEM),
        out_shape=jax.ShapeDtypeStruct((_ROWS, _D), jnp.float32),
        scratch_shapes=[
            pltpu.VMEM((_NBUF, _G_ROWS, _D), jnp.float32),
            pltpu.SemaphoreType.DMA((_NBUF,)),
        ],
    )(embeddings)


def _loss_body(radii_hbm, idx_hbm, out_hbm, table_v, idx_v, acc_v):
    c = lax.axis_index("c")
    s = lax.axis_index("s")
    wid = s * _NC + c
    base = wid * (2 * _CHUNK)

    pltpu.sync_copy(radii_hbm.at[:, pl.ds(0, _TBL_COLS)], table_v)
    pltpu.sync_copy(idx_hbm.at[pl.ds(base, 2 * _CHUNK)], idx_v)

    iota = lax.iota(jnp.int32, _LANES)
    edge0 = wid * _CHUNK

    def step(j, acc):
        for u in range(_UNROLL):
            off = (j * _UNROLL + u) * _LANES
            pidx = idx_v[pl.ds(off, _LANES)]
            cidx = idx_v[pl.ds(_CHUNK + off, _LANES)]
            pv = plsc.load_gather(
                table_v,
                [jnp.bitwise_and(pidx, _ROWS - 1),
                 lax.shift_right_logical(pidx, _ROWS_LOG2)])
            cv = plsc.load_gather(
                table_v,
                [jnp.bitwise_and(cidx, _ROWS - 1),
                 lax.shift_right_logical(cidx, _ROWS_LOG2)])
            val = jnp.maximum(pv + _MARGIN - cv, 0.0)
            edge = edge0 + off + iota
            val = jnp.where(edge < _E, val, 0.0)
            acc = acc + val
        return acc

    acc = lax.fori_loop(0, _CHUNK // _LANES // _UNROLL, step,
                        jnp.zeros((_LANES,), jnp.float32))
    acc_v[...] = acc
    pltpu.sync_copy(acc_v, out_hbm.at[wid])


@functools.cache
def _make_loss_call():
    return pl.kernel(
        _loss_body,
        out_type=jax.ShapeDtypeStruct((_NW, _LANES), jnp.float32),
        mesh=plsc.VectorSubcoreMesh(core_axis_name="c", subcore_axis_name="s"),
        compiler_params=pltpu.CompilerParams(
            needs_layout_passes=False, use_tc_tiling_on_sc=False),
        scratch_types=[
            pltpu.VMEM((_ROWS, _TBL_COLS), jnp.float32),
            pltpu.VMEM((2 * _CHUNK,), jnp.int32),
            pltpu.VMEM((_LANES,), jnp.float32),
        ],
    )


def kernel(embeddings, child_indices, parent_indices):
    radii2d = _compute_radii(embeddings)
    pad = _E_PAD - _E
    pidx = jnp.pad(parent_indices, (0, pad)).reshape(_NW, _CHUNK)
    cidx = jnp.pad(child_indices, (0, pad)).reshape(_NW, _CHUNK)
    idxs = jnp.concatenate([pidx, cidx], axis=1).reshape(-1)
    partials = _make_loss_call()(radii2d, idxs)
    return jnp.sum(partials) / _E

# --- scband reference (transcript-rebuilt; emitter-appended) ---
"""Pipeline reference for scband-radial-order-loss-37074157699119 (READ-ONLY COPY).

The authoritative reference and input builder live on the scoring server;
editing this copy changes nothing except your own understanding.
"""

import jax, jax.numpy as jnp
import numpy as np

MARGIN = 0.02
EPS = 1e-5
N_NODES = 100000
D_FEAT = 128
N_EDGES = N_NODES - 1  # tree: every node except root has a parent


def project_to_ball(x):
    # Project embeddings into the open unit ball (Poincare-style clipping).
    norm = jnp.linalg.norm(x, axis=-1, keepdims=True)
    max_norm = 1.0 - EPS
    scale = jnp.where(norm > max_norm, max_norm / jnp.maximum(norm, EPS), 1.0)
    return x * scale


def setup_inputs(seed: int = 0) -> dict:
    key = jax.random.key(seed)
    k_emb, k_par = jax.random.split(key)
    embeddings = jax.random.normal(k_emb, (N_NODES, D_FEAT), dtype=jnp.float32)
    # Children are nodes 1..N-1; each child gets a random parent with a
    # smaller index (guarantees a valid forest/tree ordering, like the
    # metadata_rows -> index buffers built in __init__).
    child_indices = jnp.arange(1, N_NODES, dtype=jnp.int32)
    upper = jnp.arange(1, N_NODES, dtype=jnp.int32)
    raw = jax.random.randint(k_par, (N_EDGES,), 0, N_NODES, dtype=jnp.int32)
    parent_indices = jnp.mod(raw, upper)  # parent index in [0, child)
    return {
        "embeddings": embeddings,
        "child_indices": child_indices,
        "parent_indices": parent_indices,
    }


def reference(embeddings, child_indices, parent_indices):
    projected = project_to_ball(embeddings)
    radii = jnp.linalg.norm(projected, axis=-1)
    child_radii = jnp.take(radii, child_indices, axis=0)
    parent_radii = jnp.take(radii, parent_indices, axis=0)
    return jnp.mean(jax.nn.relu(parent_radii + MARGIN - child_radii))

if __name__ == "__main__":
    import jax
    _d = setup_inputs()
    print(jax.jit(kernel)(*tuple(_d.values())))

</pallas_src>

<mosaic_0001>
#map = affine_map<(d0, d1) -> (0, 0)>
#map1 = affine_map<(d0, d1) -> (0)>
module attributes {stable_mosaic.version = 14 : i64} {
  func.func @_loss_body(%arg0: i32, %arg1: i32, %arg2: memref<1024x128xf32, #tpu.memory_space<hbm>>, %arg3: memref<204800xi32, #tpu.memory_space<hbm>>, %arg4: memref<32x16xf32, #tpu.memory_space<hbm>>, %arg5: memref<1024x112xf32, #tpu.memory_space<vmem>>, %arg6: memref<6400xi32, #tpu.memory_space<vmem>>, %arg7: memref<16xf32, #tpu.memory_space<vmem>>) attributes {dimension_semantics = [#tpu.dimension_semantics<core_parallel>, #tpu.dimension_semantics<subcore_parallel>], iteration_bounds = array<i64: 2, 16>, scalar_prefetch = 0 : i64, scratch_operands = 3 : i64, tpu.core_type = #tpu.core_type<sc_vector_subcore>, window_params = [{transform_indices = #map}, {transform_indices = #map1}, {transform_indices = #map}]} {
    %mul3A = arith.constant 2 : i32
    %mul3A_0 = arith.muli %arg1, %mul3A : i32
    %add3A = arith.addi %mul3A_0, %arg0 : i32
    %mul3A_1 = arith.constant 6400 : i32
    %mul3A_2 = arith.muli %add3A, %mul3A_1 : i32
    "tpu.region"() ({
      %run_scoped3A = tpu.sem_alloc : memref<!tpu.dma_semaphore, #tpu.memory_space<semaphore_mem>>
      %dma_start3A = arith.constant 0 : i32
      %dma_start3A_12 = arith.constant 0 : i32
      %dma_start3A_13 = tpu.memref_slice %arg2[%dma_start3A, %dma_start3A_12] : memref<1024x128xf32, #tpu.memory_space<hbm>> -> memref<1024x112xf32, #tpu.memory_space<hbm>>
      %dma_start3A_14 = arith.constant 0 : i32
      %dma_start3A_15 = arith.constant 0 : i32
      %dma_start3A_16 = tpu.memref_slice %arg2[%dma_start3A_14, %dma_start3A_15] : memref<1024x128xf32, #tpu.memory_space<hbm>> -> memref<1024x112xf32, #tpu.memory_space<hbm>>
      tpu.enqueue_dma source(%dma_start3A_16 : memref<1024x112xf32, #tpu.memory_space<hbm>>) target(%arg5 : memref<1024x112xf32, #tpu.memory_space<vmem>>) target_semaphore(%run_scoped3A : memref<!tpu.dma_semaphore, #tpu.memory_space<semaphore_mem>>)
      %dma_wait3A = arith.constant 0 : i32
      %dma_wait3A_17 = arith.constant 0 : i32
      %dma_wait3A_18 = tpu.memref_slice %arg2[%dma_wait3A, %dma_wait3A_17] : memref<1024x128xf32, #tpu.memory_space<hbm>> -> memref<1024x112xf32, #tpu.memory_space<hbm>>
      %dma_wait3A_19 = arith.constant 0 : i32
      %dma_wait3A_20 = arith.constant 0 : i32
      %dma_wait3A_21 = tpu.memref_slice %arg2[%dma_wait3A_19, %dma_wait3A_20] : memref<1024x128xf32, #tpu.memory_space<hbm>> -> memref<1024x112xf32, #tpu.memory_space<hbm>>
      tpu.wait_dma2 semaphore(%run_scoped3A : memref<!tpu.dma_semaphore, #tpu.memory_space<semaphore_mem>>) src(%dma_wait3A_21 : memref<1024x112xf32, #tpu.memory_space<hbm>>) dst(%arg5 : memref<1024x112xf32, #tpu.memory_space<vmem>>)
      tpu.yield
    }) : () -> ()
    "tpu.region"() ({
      %run_scoped3A = tpu.sem_alloc : memref<!tpu.dma_semaphore, #tpu.memory_space<semaphore_mem>>
      %dma_start3A = tpu.memref_slice %arg3[%mul3A_2] : memref<204800xi32, #tpu.memory_space<hbm>> -> memref<6400xi32, #tpu.memory_space<hbm>>
      %dma_start3A_12 = tpu.memref_slice %arg3[%mul3A_2] : memref<204800xi32, #tpu.memory_space<hbm>> -> memref<6400xi32, #tpu.memory_space<hbm>>
      tpu.enqueue_dma source(%dma_start3A_12 : memref<6400xi32, #tpu.memory_space<hbm>>) target(%arg6 : memref<6400xi32, #tpu.memory_space<vmem>>) target_semaphore(%run_scoped3A : memref<!tpu.dma_semaphore, #tpu.memory_space<semaphore_mem>>)
      %dma_wait3A = tpu.memref_slice %arg3[%mul3A_2] : memref<204800xi32, #tpu.memory_space<hbm>> -> memref<6400xi32, #tpu.memory_space<hbm>>
      %dma_wait3A_13 = tpu.memref_slice %arg3[%mul3A_2] : memref<204800xi32, #tpu.memory_space<hbm>> -> memref<6400xi32, #tpu.memory_space<hbm>>
      tpu.wait_dma2 semaphore(%run_scoped3A : memref<!tpu.dma_semaphore, #tpu.memory_space<semaphore_mem>>) src(%dma_wait3A_13 : memref<6400xi32, #tpu.memory_space<hbm>>) dst(%arg6 : memref<6400xi32, #tpu.memory_space<vmem>>)
      tpu.yield
    }) : () -> ()
    %iota3A = tpu.iota {dimensions = array<i32: 0>} : vector<16xi32>
    %mul3A_3 = arith.constant 3200 : i32
    %mul3A_4 = arith.muli %add3A, %mul3A_3 : i32
    %broadcast_in_dim3A = arith.constant 0.000000e+00 : f32
    %broadcast_in_dim3A_5 = vector.broadcast %broadcast_in_dim3A : f32 to vector<16xf32>
    %scan3A = arith.constant 0 : i32
    %scan3A_6 = arith.constant 25 : i32
    %scan3A_7 = arith.addi %scan3A, %scan3A_6 : i32
    %scan3A_8 = arith.constant 1 : i32
    %scan3A_9 = scf.for %scan3A_12 = %scan3A to %scan3A_7 step %scan3A_8 iter_args(%scan3A_13 = %broadcast_in_dim3A_5) -> (vector<16xf32>)  : i32 {
      %mul3A_14 = arith.constant 8 : i32
      %mul3A_15 = arith.muli %scan3A_12, %mul3A_14 : i32
      %add3A_16 = arith.constant 0 : i32
      %add3A_17 = arith.addi %mul3A_15, %add3A_16 : i32
      %mul3A_18 = arith.constant 16 : i32
      %mul3A_19 = arith.muli %add3A_17, %mul3A_18 : i32
      %get3A = arith.index_cast %mul3A_19 : i32 to index
      %get3A_20 = tpu.vector_load %arg6[%get3A] {strides = array<i32>} : memref<6400xi32, #tpu.memory_space<vmem>>, vector<16xi32>,
      %add3A_21 = arith.constant 3200 : i32
      %add3A_22 = arith.addi %add3A_21, %mul3A_19 : i32
      %get3A_23 = arith.index_cast %add3A_22 : i32 to index
      %get3A_24 = tpu.vector_load %arg6[%get3A_23] {strides = array<i32>} : memref<6400xi32, #tpu.memory_space<vmem>>, vector<16xi32>,
      %and3A = arith.constant 1023 : i32
      %and3A_25 = vector.broadcast %and3A : i32 to vector<16xi32>
      %and3A_26 = arith.andi %get3A_20, %and3A_25 : vector<16xi32>
      %shift_right_logical3A = arith.constant 10 : i32
      %shift_right_logical3A_27 = vector.broadcast %shift_right_logical3A : i32 to vector<16xi32>
      %shift_right_logical3A_28 = arith.shrui %get3A_20, %shift_right_logical3A_27 : vector<16xi32>
      %gather3A = tpu.vector_load_idx %arg5[%and3A_26, %shift_right_logical3A_28] : memref<1024x112xf32, #tpu.memory_space<vmem>>[vector<16xi32>, vector<16xi32>], vector<16xf32>,
      %and3A_29 = arith.constant 1023 : i32
      %and3A_30 = vector.broadcast %and3A_29 : i32 to vector<16xi32>
      %and3A_31 = arith.andi %get3A_24, %and3A_30 : vector<16xi32>
      %shift_right_logical3A_32 = arith.constant 10 : i32
      %shift_right_logical3A_33 = vector.broadcast %shift_right_logical3A_32 : i32 to vector<16xi32>
      %shift_right_logical3A_34 = arith.shrui %get3A_24, %shift_right_logical3A_33 : vector<16xi32>
      %gather3A_35 = tpu.vector_load_idx %arg5[%and3A_31, %shift_right_logical3A_34] : memref<1024x112xf32, #tpu.memory_space<vmem>>[vector<16xi32>, vector<16xi32>], vector<16xf32>,
      %add3A_36 = arith.constant 2.000000e-02 : f32
      %add3A_37 = vector.broadcast %add3A_36 : f32 to vector<16xf32>
      %add3A_38 = arith.addf %gather3A, %add3A_37 : vector<16xf32>
      %sub3A = arith.subf %add3A_38, %gather3A_35 : vector<16xf32>
      %max3A = arith.constant 0.000000e+00 : f32
      %max3A_39 = vector.broadcast %max3A : f32 to vector<16xf32>
      %max3A_40 = arith.maximumf %sub3A, %max3A_39 : vector<16xf32>
      %add3A_41 = arith.addi %mul3A_4, %mul3A_19 : i32
      %add3A_42 = vector.broadcast %add3A_41 : i32 to vector<16xi32>
      %add3A_43 = arith.addi %add3A_42, %iota3A : vector<16xi32>
      %lt3A = arith.constant 99999 : i32
      %lt3A_44 = vector.broadcast %lt3A : i32 to vector<16xi32>
      %lt3A_45 = arith.cmpi slt, %add3A_43, %lt3A_44 : vector<16xi32>
      %jit3A = arith.constant 0.000000e+00 : f32
      %broadcast_in_dim3A_46 = vector.broadcast %jit3A : f32 to vector<16xf32>
      %select_n3A = arith.select %lt3A_45, %max3A_40, %broadcast_in_dim3A_46 : vector<16xi1>, vector<16xf32>
      %add3A_47 = arith.addf %scan3A_13, %select_n3A : vector<16xf32>
      %mul3A_48 = arith.constant 8 : i32
      %mul3A_49 = arith.muli %scan3A_12, %mul3A_48 : i32
      %add3A_50 = arith.constant 1 : i32
      %add3A_51 = arith.addi %mul3A_49, %add3A_50 : i32
      %mul3A_52 = arith.constant 16 : i32
      %mul3A_53 = arith.muli %add3A_51, %mul3A_52 : i32
      %get3A_54 = arith.index_cast %mul3A_53 : i32 to index
      %get3A_55 = tpu.vector_load %arg6[%get3A_54] {strides = array<i32>} : memref<6400xi32, #tpu.memory_space<vmem>>, vector<16xi32>,
      %add3A_56 = arith.constant 3200 : i32
      %add3A_57 = arith.addi %add3A_56, %mul3A_53 : i32
      %get3A_58 = arith.index_cast %add3A_57 : i32 to index
      %get3A_59 = tpu.vector_load %arg6[%get3A_58] {strides = array<i32>} : memref<6400xi32, #tpu.memory_space<vmem>>, vector<16xi32>,
      %and3A_60 = arith.constant 1023 : i32
      %and3A_61 = vector.broadcast %and3A_60 : i32 to vector<16xi32>
      %and3A_62 = arith.andi %get3A_55, %and3A_61 : vector<16xi32>
      %shift_right_logical3A_63 = arith.constant 10 : i32
      %shift_right_logical3A_64 = vector.broadcast %shift_right_logical3A_63 : i32 to vector<16xi32>
      %shift_right_logical3A_65 = arith.shrui %get3A_55, %shift_right_logical3A_64 : vector<16xi32>
      %gather3A_66 = tpu.vector_load_idx %arg5[%and3A_62, %shift_right_logical3A_65] : memref<1024x112xf32, #tpu.memory_space<vmem>>[vector<16xi32>, vector<16xi32>], vector<16xf32>,
      %and3A_67 = arith.constant 1023 : i32
      %and3A_68 = vector.broadcast %and3A_67 : i32 to vector<16xi32>
      %and3A_69 = arith.andi %get3A_59, %and3A_68 : vector<16xi32>
      %shift_right_logical3A_70 = arith.constant 10 : i32
      %shift_right_logical3A_71 = vector.broadcast %shift_right_logical3A_70 : i32 to vector<16xi32>
      %shift_right_logical3A_72 = arith.shrui %get3A_59, %shift_right_logical3A_71 : vector<16xi32>
      %gather3A_73 = tpu.vector_load_idx %arg5[%and3A_69, %shift_right_logical3A_72] : memref<1024x112xf32, #tpu.memory_space<vmem>>[vector<16xi32>, vector<16xi32>], vector<16xf32>,
      %add3A_74 = arith.constant 2.000000e-02 : f32
      %add3A_75 = vector.broadcast %add3A_74 : f32 to vector<16xf32>
      %add3A_76 = arith.addf %gather3A_66, %add3A_75 : vector<16xf32>
      %sub3A_77 = arith.subf %add3A_76, %gather3A_73 : vector<16xf32>
      %max3A_78 = arith.constant 0.000000e+00 : f32
      %max3A_79 = vector.broadcast %max3A_78 : f32 to vector<16xf32>
      %max3A_80 = arith.maximumf %sub3A_77, %max3A_79 : vector<16xf32>
      %add3A_81 = arith.addi %mul3A_4, %mul3A_53 : i32
      %add3A_82 = vector.broadcast %add3A_81 : i32 to vector<16xi32>
      %add3A_83 = arith.addi %add3A_82, %iota3A : vector<16xi32>
      %lt3A_84 = arith.constant 99999 : i32
      %lt3A_85 = vector.broadcast %lt3A_84 : i32 to vector<16xi32>
      %lt3A_86 = arith.cmpi slt, %add3A_83, %lt3A_85 : vector<16xi32>
      %jit3A_87 = arith.constant 0.000000e+00 : f32
      %broadcast_in_dim3A_88 = vector.broadcast %jit3A_87 : f32 to vector<16xf32>
      %select_n3A_89 = arith.select %lt3A_86, %max3A_80, %broadcast_in_dim3A_88 : vector<16xi1>, vector<16xf32>
      %add3A_90 = arith.addf %add3A_47, %select_n3A_89 : vector<16xf32>
      %mul3A_91 = arith.constant 8 : i32
      %mul3A_92 = arith.muli %scan3A_12, %mul3A_91 : i32
      %add3A_93 = arith.constant 2 : i32
      %add3A_94 = arith.addi %mul3A_92, %add3A_93 : i32
      %mul3A_95 = arith.constant 16 : i32
      %mul3A_96 = arith.muli %add3A_94, %mul3A_95 : i32
      %get3A_97 = arith.index_cast %mul3A_96 : i32 to index
      %get3A_98 = tpu.vector_load %arg6[%get3A_97] {strides = array<i32>} : memref<6400xi32, #tpu.memory_space<vmem>>, vector<16xi32>,
      %add3A_99 = arith.constant 3200 : i32
      %add3A_100 = arith.addi %add3A_99, %mul3A_96 : i32
      %get3A_101 = arith.index_cast %add3A_100 : i32 to index
      %get3A_102 = tpu.vector_load %arg6[%get3A_101] {strides = array<i32>} : memref<6400xi32, #tpu.memory_space<vmem>>, vector<16xi32>,
      %and3A_103 = arith.constant 1023 : i32
      %and3A_104 = vector.broadcast %and3A_103 : i32 to vector<16xi32>
      %and3A_105 = arith.andi %get3A_98, %and3A_104 : vector<16xi32>
      %shift_right_logical3A_106 = arith.constant 10 : i32
      %shift_right_logical3A_107 = vector.broadcast %shift_right_logical3A_106 : i32 to vector<16xi32>
      %shift_right_logical3A_108 = arith.shrui %get3A_98, %shift_right_logical3A_107 : vector<16xi32>
      %gather3A_109 = tpu.vector_load_idx %arg5[%and3A_105, %shift_right_logical3A_108] : memref<1024x112xf32, #tpu.memory_space<vmem>>[vector<16xi32>, vector<16xi32>], vector<16xf32>,
      %and3A_110 = arith.constant 1023 : i32
      %and3A_111 = vector.broadcast %and3A_110 : i32 to vector<16xi32>
      %and3A_112 = arith.andi %get3A_102, %and3A_111 : vector<16xi32>
      %shift_right_logical3A_113 = arith.constant 10 : i32
      %shift_right_logical3A_114 = vector.broadcast %shift_right_logical3A_113 : i32 to vector<16xi32>
      %shift_right_logical3A_115 = arith.shrui %get3A_102, %shift_right_logical3A_114 : vector<16xi32>
      %gather3A_116 = tpu.vector_load_idx %arg5[%and3A_112, %shift_right_logical3A_115] : memref<1024x112xf32, #tpu.memory_space<vmem>>[vector<16xi32>, vector<16xi32>], vector<16xf32>,
      %add3A_117 = arith.constant 2.000000e-02 : f32
      %add3A_118 = vector.broadcast %add3A_117 : f32 to vector<16xf32>
      %add3A_119 = arith.addf %gather3A_109, %add3A_118 : vector<16xf32>
      %sub3A_120 = arith.subf %add3A_119, %gather3A_116 : vector<16xf32>
      %max3A_121 = arith.constant 0.000000e+00 : f32
      %max3A_122 = vector.broadcast %max3A_121 : f32 to vector<16xf32>
      %max3A_123 = arith.maximumf %sub3A_120, %max3A_122 : vector<16xf32>
      %add3A_124 = arith.addi %mul3A_4, %mul3A_96 : i32
      %add3A_125 = vector.broadcast %add3A_124 : i32 to vector<16xi32>
      %add3A_126 = arith.addi %add3A_125, %iota3A : vector<16xi32>
      %lt3A_127 = arith.constant 99999 : i32
      %lt3A_128 = vector.broadcast %lt3A_127 : i32 to vector<16xi32>
      %lt3A_129 = arith.cmpi slt, %add3A_126, %lt3A_128 : vector<16xi32>
      %jit3A_130 = arith.constant 0.000000e+00 : f32
      %broadcast_in_dim3A_131 = vector.broadcast %jit3A_130 : f32 to vector<16xf32>
      %select_n3A_132 = arith.select %lt3A_129, %max3A_123, %broadcast_in_dim3A_131 : vector<16xi1>, vector<16xf32>
      %add3A_133 = arith.addf %add3A_90, %select_n3A_132 : vector<16xf32>
      %mul3A_134 = arith.constant 8 : i32
      %mul3A_135 = arith.muli %scan3A_12, %mul3A_134 : i32
      %add3A_136 = arith.constant 3 : i32
      %add3A_137 = arith.addi %mul3A_135, %add3A_136 : i32
      %mul3A_138 = arith.constant 16 : i32
      %mul3A_139 = arith.muli %add3A_137, %mul3A_138 : i32
      %get3A_140 = arith.index_cast %mul3A_139 : i32 to index
      %get3A_141 = tpu.vector_load %arg6[%get3A_140] {strides = array<i32>} : memref<6400xi32, #tpu.memory_space<vmem>>, vector<16xi32>,
      %add3A_142 = arith.constant 3200 : i32
      %add3A_143 = arith.addi %add3A_142, %mul3A_139 : i32
      %get3A_144 = arith.index_cast %add3A_143 : i32 to index
      %get3A_145 = tpu.vector_load %arg6[%get3A_144] {strides = array<i32>} : memref<6400xi32, #tpu.memory_space<vmem>>, vector<16xi32>,
      %and3A_146 = arith.constant 1023 : i32
      %and3A_147 = vector.broadcast %and3A_146 : i32 to vector<16xi32>
      %and3A_148 = arith.andi %get3A_141, %and3A_147 : vector<16xi32>
      %shift_right_logical3A_149 = arith.constant 10 : i32
      %shift_right_logical3A_150 = vector.broadcast %shift_right_logical3A_149 : i32 to vector<16xi32>
      %shift_right_logical3A_151 = arith.shrui %get3A_141, %shift_right_logical3A_150 : vector<16xi32>
      %gather3A_152 = tpu.vector_load_idx %arg5[%and3A_148, %shift_right_logical3A_151] : memref<1024x112xf32, #tpu.memory_space<vmem>>[vector<16xi32>, vector<16xi32>], vector<16xf32>,
      %and3A_153 = arith.constant 1023 : i32
      %and3A_154 = vector.broadcast %and3A_153 : i32 to vector<16xi32>
      %and3A_155 = arith.andi %get3A_145, %and3A_154 : vector<16xi32>
      %shift_right_logical3A_156 = arith.constant 10 : i32
      %shift_right_logical3A_157 = vector.broadcast %shift_right_logical3A_156 : i32 to vector<16xi32>
      %shift_right_logical3A_158 = arith.shrui %get3A_145, %shift_right_logical3A_157 : vector<16xi32>
      %gather3A_159 = tpu.vector_load_idx %arg5[%and3A_155, %shift_right_logical3A_158] : memref<1024x112xf32, #tpu.memory_space<vmem>>[vector<16xi32>, vector<16xi32>], vector<16xf32>,
      %add3A_160 = arith.constant 2.000000e-02 : f32
      %add3A_161 = vector.broadcast %add3A_160 : f32 to vector<16xf32>
      %add3A_162 = arith.addf %gather3A_152, %add3A_161 : vector<16xf32>
      %sub3A_163 = arith.subf %add3A_162, %gather3A_159 : vector<16xf32>
      %max3A_164 = arith.constant 0.000000e+00 : f32
      %max3A_165 = vector.broadcast %max3A_164 : f32 to vector<16xf32>
      %max3A_166 = arith.maximumf %sub3A_163, %max3A_165 : vector<16xf32>
      %add3A_167 = arith.addi %mul3A_4, %mul3A_139 : i32
      %add3A_168 = vector.broadcast %add3A_167 : i32 to vector<16xi32>
      %add3A_169 = arith.addi %add3A_168, %iota3A : vector<16xi32>
      %lt3A_170 = arith.constant 99999 : i32
      %lt3A_171 = vector.broadcast %lt3A_170 : i32 to vector<16xi32>
      %lt3A_172 = arith.cmpi slt, %add3A_169, %lt3A_171 : vector<16xi32>
      %jit3A_173 = arith.constant 0.000000e+00 : f32
      %broadcast_in_dim3A_174 = vector.broadcast %jit3A_173 : f32 to vector<16xf32>
      %select_n3A_175 = arith.select %lt3A_172, %max3A_166, %broadcast_in_dim3A_174 : vector<16xi1>, vector<16xf32>
      %add3A_176 = arith.addf %add3A_133, %select_n3A_175 : vector<16xf32>
      %mul3A_177 = arith.constant 8 : i32
      %mul3A_178 = arith.muli %scan3A_12, %mul3A_177 : i32
      %add3A_179 = arith.constant 4 : i32
      %add3A_180 = arith.addi %mul3A_178, %add3A_179 : i32
      %mul3A_181 = arith.constant 16 : i32
      %mul3A_182 = arith.muli %add3A_180, %mul3A_181 : i32
      %get3A_183 = arith.index_cast %mul3A_182 : i32 to index
      %get3A_184 = tpu.vector_load %arg6[%get3A_183] {strides = array<i32>} : memref<6400xi32, #tpu.memory_space<vmem>>, vector<16xi32>,
      %add3A_185 = arith.constant 3200 : i32
      %add3A_186 = arith.addi %add3A_185, %mul3A_182 : i32
      %get3A_187 = arith.index_cast %add3A_186 : i32 to index
      %get3A_188 = tpu.vector_load %arg6[%get3A_187] {strides = array<i32>} : memref<6400xi32, #tpu.memory_space<vmem>>, vector<16xi32>,
      %and3A_189 = arith.constant 1023 : i32
      %and3A_190 = vector.broadcast %and3A_189 : i32 to vector<16xi32>
      %and3A_191 = arith.andi %get3A_184, %and3A_190 : vector<16xi32>
      %shift_right_logical3A_192 = arith.constant 10 : i32
      %shift_right_logical3A_193 = vector.broadcast %shift_right_logical3A_192 : i32 to vector<16xi32>
      %shift_right_logical3A_194 = arith.shrui %get3A_184, %shift_right_logical3A_193 : vector<16xi32>
      %gather3A_195 = tpu.vector_load_idx %arg5[%and3A_191, %shift_right_logical3A_194] : memref<1024x112xf32, #tpu.memory_space<vmem>>[vector<16xi32>, vector<16xi32>], vector<16xf32>,
      %and3A_196 = arith.constant 1023 : i32
      %and3A_197 = vector.broadcast %and3A_196 : i32 to vector<16xi32>
      %and3A_198 = arith.andi %get3A_188, %and3A_197 : vector<16xi32>
      %shift_right_logical3A_199 = arith.constant 10 : i32
      %shift_right_logical3A_200 = vector.broadcast %shift_right_logical3A_199 : i32 to vector<16xi32>
      %shift_right_logical3A_201 = arith.shrui %get3A_188, %shift_right_logical3A_200 : vector<16xi32>
      %gather3A_202 = tpu.vector_load_idx %arg5[%and3A_198, %shift_right_logical3A_201] : memref<1024x112xf32, #tpu.memory_space<vmem>>[vector<16xi32>, vector<16xi32>], vector<16xf32>,
      %add3A_203 = arith.constant 2.000000e-02 : f32
      %add3A_204 = vector.broadcast %add3A_203 : f32 to vector<16xf32>
      %add3A_205 = arith.addf %gather3A_195, %add3A_204 : vector<16xf32>
      %sub3A_206 = arith.subf %add3A_205, %gather3A_202 : vector<16xf32>
      %max3A_207 = arith.constant 0.000000e+00 : f32
      %max3A_208 = vector.broadcast %max3A_207 : f32 to vector<16xf32>
      %max3A_209 = arith.maximumf %sub3A_206, %max3A_208 : vector<16xf32>
      %add3A_210 = arith.addi %mul3A_4, %mul3A_182 : i32
      %add3A_211 = vector.broadcast %add3A_210 : i32 to vector<16xi32>
      %add3A_212 = arith.addi %add3A_211, %iota3A : vector<16xi32>
      %lt3A_213 = arith.constant 99999 : i32
      %lt3A_214 = vector.broadcast %lt3A_213 : i32 to vector<16xi32>
      %lt3A_215 = arith.cmpi slt, %add3A_212, %lt3A_214 : vector<16xi32>
      %jit3A_216 = arith.constant 0.000000e+00 : f32
      %broadcast_in_dim3A_217 = vector.broadcast %jit3A_216 : f32 to vector<16xf32>
      %select_n3A_218 = arith.select %lt3A_215, %max3A_209, %broadcast_in_dim3A_217 : vector<16xi1>, vector<16xf32>
      %add3A_219 = arith.addf %add3A_176, %select_n3A_218 : vector<16xf32>
      %mul3A_220 = arith.constant 8 : i32
      %mul3A_221 = arith.muli %scan3A_12, %mul3A_220 : i32
      %add3A_222 = arith.constant 5 : i32
      %add3A_223 = arith.addi %mul3A_221, %add3A_222 : i32
      %mul3A_224 = arith.constant 16 : i32
      %mul3A_225 = arith.muli %add3A_223, %mul3A_224 : i32
      %get3A_226 = arith.index_cast %mul3A_225 : i32 to index
      %get3A_227 = tpu.vector_load %arg6[%get3A_226] {strides = array<i32>} : memref<6400xi32, #tpu.memory_space<vmem>>, vector<16xi32>,
      %add3A_228 = arith.constant 3200 : i32
      %add3A_229 = arith.addi %add3A_228, %mul3A_225 : i32
      %get3A_230 = arith.index_cast %add3A_229 : i32 to index
      %get3A_231 = tpu.vector_load %arg6[%get3A_230] {strides = array<i32>} : memref<6400xi32, #tpu.memory_space<vmem>>, vector<16xi32>,
      %and3A_232 = arith.constant 1023 : i32
      %and3A_233 = vector.broadcast %and3A_232 : i32 to vector<16xi32>
      %and3A_234 = arith.andi %get3A_227, %and3A_233 : vector<16xi32>
      %shift_right_logical3A_235 = arith.constant 10 : i32
      %shift_right_logical3A_236 = vector.broadcast %shift_right_logical3A_235 : i32 to vector<16xi32>
      %shift_right_logical3A_237 = arith.shrui %get3A_227, %shift_right_logical3A_236 : vector<16xi32>
      %gather3A_238 = tpu.vector_load_idx %arg5[%and3A_234, %shift_right_logical3A_237] : memref<1024x112xf32, #tpu.memory_space<vmem>>[vector<16xi32>, vector<16xi32>], vector<16xf32>,
      %and3A_239 = arith.constant 1023 : i32
      %and3A_240 = vector.broadcast %and3A_239 : i32 to vector<16xi32>
      %and3A_241 = arith.andi %get3A_231, %and3A_240 : vector<16xi32>
      %shift_right_logical3A_242 = arith.constant 10 : i32
      %shift_right_logical3A_243 = vector.broadcast %shift_right_logical3A_242 : i32 to vector<16xi32>
      %shift_right_logical3A_244 = arith.shrui %get3A_231, %shift_right_logical3A_243 : vector<16xi32>
      %gather3A_245 = tpu.vector_load_idx %arg5[%and3A_241, %shift_right_logical3A_244] : memref<1024x112xf32, #tpu.memory_space<vmem>>[vector<16xi32>, vector<16xi32>], vector<16xf32>,
      %add3A_246 = arith.constant 2.000000e-02 : f32
      %add3A_247 = vector.broadcast %add3A_246 : f32 to vector<16xf32>
      %add3A_248 = arith.addf %gather3A_238, %add3A_247 : vector<16xf32>
      %sub3A_249 = arith.subf %add3A_248, %gather3A_245 : vector<16xf32>
      %max3A_250 = arith.constant 0.000000e+00 : f32
      %max3A_251 = vector.broadcast %max3A_250 : f32 to vector<16xf32>
      %max3A_252 = arith.maximumf %sub3A_249, %max3A_251 : vector<16xf32>
      %add3A_253 = arith.addi %mul3A_4, %mul3A_225 : i32
      %add3A_254 = vector.broadcast %add3A_253 : i32 to vector<16xi32>
      %add3A_255 = arith.addi %add3A_254, %iota3A : vector<16xi32>
      %lt3A_256 = arith.constant 99999 : i32
      %lt3A_257 = vector.broadcast %lt3A_256 : i32 to vector<16xi32>
      %lt3A_258 = arith.cmpi slt, %add3A_255, %lt3A_257 : vector<16xi32>
      %jit3A_259 = arith.constant 0.000000e+00 : f32
      %broadcast_in_dim3A_260 = vector.broadcast %jit3A_259 : f32 to vector<16xf32>
      %select_n3A_261 = arith.select %lt3A_258, %max3A_252, %broadcast_in_dim3A_260 : vector<16xi1>, vector<16xf32>
      %add3A_262 = arith.addf %add3A_219, %select_n3A_261 : vector<16xf32>
      %mul3A_263 = arith.constant 8 : i32
      %mul3A_264 = arith.muli %scan3A_12, %mul3A_263 : i32
      %add3A_265 = arith.constant 6 : i32
      %add3A_266 = arith.addi %mul3A_264, %add3A_265 : i32
      %mul3A_267 = arith.constant 16 : i32
      %mul3A_268 = arith.muli %add3A_266, %mul3A_267 : i32
      %get3A_269 = arith.index_cast %mul3A_268 : i32 to index
      %get3A_270 = tpu.vector_load %arg6[%get3A_269] {strides = array<i32>} : memref<6400xi32, #tpu.memory_space<vmem>>, vector<16xi32>,
      %add3A_271 = arith.constant 3200 : i32
      %add3A_272 = arith.addi %add3A_271, %mul3A_268 : i32
      %get3A_273 = arith.index_cast %add3A_272 : i32 to index
      %get3A_274 = tpu.vector_load %arg6[%get3A_273] {strides = array<i32>} : memref<6400xi32, #tpu.memory_space<vmem>>, vector<16xi32>,
      %and3A_275 = arith.constant 1023 : i32
      %and3A_276 = vector.broadcast %and3A_275 : i32 to vector<16xi32>
      %and3A_277 = arith.andi %get3A_270, %and3A_276 : vector<16xi32>
      %shift_right_logical3A_278 = arith.constant 10 : i32
      %shift_right_logical3A_279 = vector.broadcast %shift_right_logical3A_278 : i32 to vector<16xi32>
      %shift_right_logical3A_280 = arith.shrui %get3A_270, %shift_right_logical3A_279 : vector<16xi32>
      %gather3A_281 = tpu.vector_load_idx %arg5[%and3A_277, %shift_right_logical3A_280] : memref<1024x112xf32, #tpu.memory_space<vmem>>[vector<16xi32>, vector<16xi32>], vector<16xf32>,
      %and3A_282 = arith.constant 1023 : i32
      %and3A_283 = vector.broadcast %and3A_282 : i32 to vector<16xi32>
      %and3A_284 = arith.andi %get3A_274, %and3A_283 : vector<16xi32>
      %shift_right_logical3A_285 = arith.constant 10 : i32
      %shift_right_logical3A_286 = vector.broadcast %shift_right_logical3A_285 : i32 to vector<16xi32>
      %shift_right_logical3A_287 = arith.shrui %get3A_274, %shift_right_logical3A_286 : vector<16xi32>
      %gather3A_288 = tpu.vector_load_idx %arg5[%and3A_284, %shift_right_logical3A_287] : memref<1024x112xf32, #tpu.memory_space<vmem>>[vector<16xi32>, vector<16xi32>], vector<16xf32>,
      %add3A_289 = arith.constant 2.000000e-02 : f32
      %add3A_290 = vector.broadcast %add3A_289 : f32 to vector<16xf32>
      %add3A_291 = arith.addf %gather3A_281, %add3A_290 : vector<16xf32>
      %sub3A_292 = arith.subf %add3A_291, %gather3A_288 : vector<16xf32>
      %max3A_293 = arith.constant 0.000000e+00 : f32
      %max3A_294 = vector.broadcast %max3A_293 : f32 to vector<16xf32>
      %max3A_295 = arith.maximumf %sub3A_292, %max3A_294 : vector<16xf32>
      %add3A_296 = arith.addi %mul3A_4, %mul3A_268 : i32
      %add3A_297 = vector.broadcast %add3A_296 : i32 to vector<16xi32>
      %add3A_298 = arith.addi %add3A_297, %iota3A : vector<16xi32>
      %lt3A_299 = arith.constant 99999 : i32
      %lt3A_300 = vector.broadcast %lt3A_299 : i32 to vector<16xi32>
      %lt3A_301 = arith.cmpi slt, %add3A_298, %lt3A_300 : vector<16xi32>
      %jit3A_302 = arith.constant 0.000000e+00 : f32
      %broadcast_in_dim3A_303 = vector.broadcast %jit3A_302 : f32 to vector<16xf32>
      %select_n3A_304 = arith.select %lt3A_301, %max3A_295, %broadcast_in_dim3A_303 : vector<16xi1>, vector<16xf32>
      %add3A_305 = arith.addf %add3A_262, %select_n3A_304 : vector<16xf32>
      %mul3A_306 = arith.constant 8 : i32
      %mul3A_307 = arith.muli %scan3A_12, %mul3A_306 : i32
      %add3A_308 = arith.constant 7 : i32
      %add3A_309 = arith.addi %mul3A_307, %add3A_308 : i32
      %mul3A_310 = arith.constant 16 : i32
      %mul3A_311 = arith.muli %add3A_309, %mul3A_310 : i32
      %get3A_312 = arith.index_cast %mul3A_311 : i32 to index
      %get3A_313 = tpu.vector_load %arg6[%get3A_312] {strides = array<i32>} : memref<6400xi32, #tpu.memory_space<vmem>>, vector<16xi32>,
      %add3A_314 = arith.constant 3200 : i32
      %add3A_315 = arith.addi %add3A_314, %mul3A_311 : i32
      %get3A_316 = arith.index_cast %add3A_315 : i32 to index
      %get3A_317 = tpu.vector_load %arg6[%get3A_316] {strides = array<i32>} : memref<6400xi32, #tpu.memory_space<vmem>>, vector<16xi32>,
      %and3A_318 = arith.constant 1023 : i32
      %and3A_319 = vector.broadcast %and3A_318 : i32 to vector<16xi32>
      %and3A_320 = arith.andi %get3A_313, %and3A_319 : vector<16xi32>
      %shift_right_logical3A_321 = arith.constant 10 : i32
      %shift_right_logical3A_322 = vector.broadcast %shift_right_logical3A_321 : i32 to vector<16xi32>
      %shift_right_logical3A_323 = arith.shrui %get3A_313, %shift_right_logical3A_322 : vector<16xi32>
      %gather3A_324 = tpu.vector_load_idx %arg5[%and3A_320, %shift_right_logical3A_323] : memref<1024x112xf32, #tpu.memory_space<vmem>>[vector<16xi32>, vector<16xi32>], vector<16xf32>,
      %and3A_325 = arith.constant 1023 : i32
      %and3A_326 = vector.broadcast %and3A_325 : i32 to vector<16xi32>
      %and3A_327 = arith.andi %get3A_317, %and3A_326 : vector<16xi32>
      %shift_right_logical3A_328 = arith.constant 10 : i32
      %shift_right_logical3A_329 = vector.broadcast %shift_right_logical3A_328 : i32 to vector<16xi32>
      %shift_right_logical3A_330 = arith.shrui %get3A_317, %shift_right_logical3A_329 : vector<16xi32>
      %gather3A_331 = tpu.vector_load_idx %arg5[%and3A_327, %shift_right_logical3A_330] : memref<1024x112xf32, #tpu.memory_space<vmem>>[vector<16xi32>, vector<16xi32>], vector<16xf32>,
      %add3A_332 = arith.constant 2.000000e-02 : f32
      %add3A_333 = vector.broadcast %add3A_332 : f32 to vector<16xf32>
      %add3A_334 = arith.addf %gather3A_324, %add3A_333 : vector<16xf32>
      %sub3A_335 = arith.subf %add3A_334, %gather3A_331 : vector<16xf32>
      %max3A_336 = arith.constant 0.000000e+00 : f32
      %max3A_337 = vector.broadcast %max3A_336 : f32 to vector<16xf32>
      %max3A_338 = arith.maximumf %sub3A_335, %max3A_337 : vector<16xf32>
      %add3A_339 = arith.addi %mul3A_4, %mul3A_311 : i32
      %add3A_340 = vector.broadcast %add3A_339 : i32 to vector<16xi32>
      %add3A_341 = arith.addi %add3A_340, %iota3A : vector<16xi32>
      %lt3A_342 = arith.constant 99999 : i32
      %lt3A_343 = vector.broadcast %lt3A_342 : i32 to vector<16xi32>
      %lt3A_344 = arith.cmpi slt, %add3A_341, %lt3A_343 : vector<16xi32>
      %jit3A_345 = arith.constant 0.000000e+00 : f32
      %broadcast_in_dim3A_346 = vector.broadcast %jit3A_345 : f32 to vector<16xf32>
      %select_n3A_347 = arith.select %lt3A_344, %max3A_338, %broadcast_in_dim3A_346 : vector<16xi1>, vector<16xf32>
      %add3A_348 = arith.addf %add3A_305, %select_n3A_347 : vector<16xf32>
      scf.yield %add3A_348 : vector<16xf32>
    }
    %scan3A_10 = arith.constant 25 : i32
    %swap3A = arith.constant 0 : index
    %swap3A_11 = tpu.vector_load %arg7[%swap3A] {strides = array<i32>} : memref<16xf32, #tpu.memory_space<vmem>>, vector<16xf32>,
    tpu.vector_store %arg7[%swap3A], %scan3A_9 {strides = array<i32>} : memref<16xf32, #tpu.memory_space<vmem>>, vector<16xf32>,
    "tpu.region"() ({
      %run_scoped3A = tpu.sem_alloc : memref<!tpu.dma_semaphore, #tpu.memory_space<semaphore_mem>>
      %dma_start3A = arith.constant 0 : i32
      %dma_start3A_12 = tpu.memref_slice %arg4[%add3A, %dma_start3A] : memref<32x16xf32, #tpu.memory_space<hbm>> -> memref<1x16xf32, #tpu.memory_space<hbm>>
      %dma_start3A_13 = tpu.memref_squeeze %dma_start3A_12 : memref<1x16xf32, #tpu.memory_space<hbm>> -> memref<16xf32, #tpu.memory_space<hbm>>
      %dma_start3A_14 = arith.constant 0 : i32
      %dma_start3A_15 = tpu.memref_slice %arg4[%add3A, %dma_start3A_14] : memref<32x16xf32, #tpu.memory_space<hbm>> -> memref<1x16xf32, #tpu.memory_space<hbm>>
      %dma_start3A_16 = tpu.memref_squeeze %dma_start3A_15 : memref<1x16xf32, #tpu.memory_space<hbm>> -> memref<16xf32, #tpu.memory_space<hbm>>
      tpu.enqueue_dma source(%arg7 : memref<16xf32, #tpu.memory_space<vmem>>) target(%dma_start3A_16 : memref<16xf32, #tpu.memory_space<hbm>>) target_semaphore(%run_scoped3A : memref<!tpu.dma_semaphore, #tpu.memory_space<semaphore_mem>>)
      %dma_wait3A = arith.constant 0 : i32
      %dma_wait3A_17 = tpu.memref_slice %arg4[%add3A, %dma_wait3A] : memref<32x16xf32, #tpu.memory_space<hbm>> -> memref<1x16xf32, #tpu.memory_space<hbm>>
      %dma_wait3A_18 = tpu.memref_squeeze %dma_wait3A_17 : memref<1x16xf32, #tpu.memory_space<hbm>> -> memref<16xf32, #tpu.memory_space<hbm>>
      %dma_wait3A_19 = arith.constant 0 : i32
      %dma_wait3A_20 = tpu.memref_slice %arg4[%add3A, %dma_wait3A_19] : memref<32x16xf32, #tpu.memory_space<hbm>> -> memref<1x16xf32, #tpu.memory_space<hbm>>
      %dma_wait3A_21 = tpu.memref_squeeze %dma_wait3A_20 : memref<1x16xf32, #tpu.memory_space<hbm>> -> memref<16xf32, #tpu.memory_space<hbm>>
      tpu.wait_dma2 semaphore(%run_scoped3A : memref<!tpu.dma_semaphore, #tpu.memory_space<semaphore_mem>>) src(%arg7 : memref<16xf32, #tpu.memory_space<vmem>>) dst(%dma_wait3A_21 : memref<16xf32, #tpu.memory_space<hbm>>)
      tpu.yield
    }) : () -> ()
    return
  }
}

module attributes {stable_mosaic.version = 14 : i64} {
  func.func @_radii_body(%arg0: memref<100000x128xf32, #tpu.memory_space<any>>, %arg1: memref<1024x128xf32, #tpu.memory_space<vmem>>, %arg2: memref<3x8192x128xf32, #tpu.memory_space<vmem>>, %arg3: memref<3x!tpu.dma_semaphore, #tpu.memory_space<semaphore_mem>>) attributes {dimension_semantics = [], scalar_prefetch = 0 : i64, scratch_operands = 2 : i64, tpu.core_type = #tpu.core_type<tc>} {
    %dma_start3A = arith.constant 0 : i32
    %dma_start3A_0 = arith.constant 0 : i32
    %dma_start3A_1 = tpu.memref_slice %arg3[%dma_start3A_0] : memref<3x!tpu.dma_semaphore, #tpu.memory_space<semaphore_mem>> -> memref<1x!tpu.dma_semaphore, #tpu.memory_space<semaphore_mem>>
    %dma_start3A_2 = tpu.memref_squeeze %dma_start3A_1 : memref<1x!tpu.dma_semaphore, #tpu.memory_space<semaphore_mem>> -> memref<!tpu.dma_semaphore, #tpu.memory_space<semaphore_mem>>
    %dma_start3A_3 = arith.constant 0 : i32
    %dma_start3A_4 = arith.constant 0 : i32
    %dma_start3A_5 = tpu.memref_slice %arg2[%dma_start3A, %dma_start3A_3, %dma_start3A_4] : memref<3x8192x128xf32, #tpu.memory_space<vmem>> -> memref<1x8192x128xf32, #tpu.memory_space<vmem>>
    %dma_start3A_6 = tpu.memref_squeeze %dma_start3A_5 : memref<1x8192x128xf32, #tpu.memory_space<vmem>> -> memref<8192x128xf32, #tpu.memory_space<vmem>>
    %dma_start3A_7 = arith.constant 0 : i32
    %dma_start3A_8 = arith.constant 0 : i32
    %dma_start3A_9 = tpu.memref_slice %arg0[%dma_start3A_7, %dma_start3A_8] : memref<100000x128xf32, #tpu.memory_space<any>> -> memref<8192x128xf32, #tpu.memory_space<any>>
    tpu.enqueue_dma source(%dma_start3A_9 : memref<8192x128xf32, #tpu.memory_space<any>>) target(%dma_start3A_6 : memref<8192x128xf32, #tpu.memory_space<vmem>>) target_semaphore(%dma_start3A_2 : memref<!tpu.dma_semaphore, #tpu.memory_space<semaphore_mem>>)
    %dma_start3A_10 = arith.constant 1 : i32
    %dma_start3A_11 = arith.constant 1 : i32
    %dma_start3A_12 = tpu.memref_slice %arg3[%dma_start3A_11] : memref<3x!tpu.dma_semaphore, #tpu.memory_space<semaphore_mem>> -> memref<1x!tpu.dma_semaphore, #tpu.memory_space<semaphore_mem>>
    %dma_start3A_13 = tpu.memref_squeeze %dma_start3A_12 : memref<1x!tpu.dma_semaphore, #tpu.memory_space<semaphore_mem>> -> memref<!tpu.dma_semaphore, #tpu.memory_space<semaphore_mem>>
    %dma_start3A_14 = arith.constant 0 : i32
    %dma_start3A_15 = arith.constant 0 : i32
    %dma_start3A_16 = tpu.memref_slice %arg2[%dma_start3A_10, %dma_start3A_14, %dma_start3A_15] : memref<3x8192x128xf32, #tpu.memory_space<vmem>> -> memref<1x8192x128xf32, #tpu.memory_space<vmem>>
    %dma_start3A_17 = tpu.memref_squeeze %dma_start3A_16 : memref<1x8192x128xf32, #tpu.memory_space<vmem>> -> memref<8192x128xf32, #tpu.memory_space<vmem>>
    %dma_start3A_18 = arith.constant 8192 : i32
    %dma_start3A_19 = arith.constant 0 : i32
    %dma_start3A_20 = tpu.memref_slice %arg0[%dma_start3A_18, %dma_start3A_19] : memref<100000x128xf32, #tpu.memory_space<any>> -> memref<8192x128xf32, #tpu.memory_space<any>>
    tpu.enqueue_dma source(%dma_start3A_20 : memref<8192x128xf32, #tpu.memory_space<any>>) target(%dma_start3A_17 : memref<8192x128xf32, #tpu.memory_space<vmem>>) target_semaphore(%dma_start3A_13 : memref<!tpu.dma_semaphore, #tpu.memory_space<semaphore_mem>>)
    %dma_wait3A = arith.constant 0 : i32
    %dma_wait3A_21 = arith.constant 0 : i32
    %dma_wait3A_22 = tpu.memref_slice %arg3[%dma_wait3A_21] : memref<3x!tpu.dma_semaphore, #tpu.memory_space<semaphore_mem>> -> memref<1x!tpu.dma_semaphore, #tpu.memory_space<semaphore_mem>>
    %dma_wait3A_23 = tpu.memref_squeeze %dma_wait3A_22 : memref<1x!tpu.dma_semaphore, #tpu.memory_space<semaphore_mem>> -> memref<!tpu.dma_semaphore, #tpu.memory_space<semaphore_mem>>
    %dma_wait3A_24 = arith.constant 0 : i32
    %dma_wait3A_25 = arith.constant 0 : i32
    %dma_wait3A_26 = tpu.memref_slice %arg2[%dma_wait3A, %dma_wait3A_24, %dma_wait3A_25] : memref<3x8192x128xf32, #tpu.memory_space<vmem>> -> memref<1x8192x128xf32, #tpu.memory_space<vmem>>
    %dma_wait3A_27 = tpu.memref_squeeze %dma_wait3A_26 : memref<1x8192x128xf32, #tpu.memory_space<vmem>> -> memref<8192x128xf32, #tpu.memory_space<vmem>>
    %dma_wait3A_28 = arith.constant 0 : i32
    %dma_wait3A_29 = arith.constant 0 : i32
    %dma_wait3A_30 = tpu.memref_slice %arg0[%dma_wait3A_28, %dma_wait3A_29] : memref<100000x128xf32, #tpu.memory_space<any>> -> memref<8192x128xf32, #tpu.memory_space<any>>
    tpu.wait_dma2 semaphore(%dma_wait3A_23 : memref<!tpu.dma_semaphore, #tpu.memory_space<semaphore_mem>>) src(%dma_wait3A_30 : memref<8192x128xf32, #tpu.memory_space<any>>) dst(%dma_wait3A_27 : memref<8192x128xf32, #tpu.memory_space<vmem>>)
    %dma_start3A_31 = arith.constant 2 : i32
    %dma_start3A_32 = arith.constant 2 : i32
    %dma_start3A_33 = tpu.memref_slice %arg3[%dma_start3A_32] : memref<3x!tpu.dma_semaphore, #tpu.memory_space<semaphore_mem>> -> memref<1x!tpu.dma_semaphore, #tpu.memory_space<semaphore_mem>>
    %dma_start3A_34 = tpu.memref_squeeze %dma_start3A_33 : memref<1x!tpu.dma_semaphore, #tpu.memory_space<semaphore_mem>> -> memref<!tpu.dma_semaphore, #tpu.memory_space<semaphore_mem>>
    %dma_start3A_35 = arith.constant 0 : i32
    %dma_start3A_36 = arith.constant 0 : i32
    %dma_start3A_37 = tpu.memref_slice %arg2[%dma_start3A_31, %dma_start3A_35, %dma_start3A_36] : memref<3x8192x128xf32, #tpu.memory_space<vmem>> -> memref<1x8192x128xf32, #tpu.memory_space<vmem>>
    %dma_start3A_38 = tpu.memref_squeeze %dma_start3A_37 : memref<1x8192x128xf32, #tpu.memory_space<vmem>> -> memref<8192x128xf32, #tpu.memory_space<vmem>>
    %dma_start3A_39 = arith.constant 16384 : i32
    %dma_start3A_40 = arith.constant 0 : i32
    %dma_start3A_41 = tpu.memref_slice %arg0[%dma_start3A_39, %dma_start3A_40] : memref<100000x128xf32, #tpu.memory_space<any>> -> memref<8192x128xf32, #tpu.memory_space<any>>
    tpu.enqueue_dma source(%dma_start3A_41 : memref<8192x128xf32, #tpu.memory_space<any>>) target(%dma_start3A_38 : memref<8192x128xf32, #tpu.memory_space<vmem>>) target_semaphore(%dma_start3A_34 : memref<!tpu.dma_semaphore, #tpu.memory_space<semaphore_mem>>)
    %get3A = arith.constant 0 : index
    %get3A_42 = arith.constant 0 : index
    %get3A_43 = arith.constant 0 : index
    %get3A_44 = vector.load %arg2[%get3A, %get3A_42, %get3A_43] : memref<3x8192x128xf32, #tpu.memory_space<vmem>>, vector<1x1024x128xf32>
    %get3A_45 = vector.shape_cast %get3A_44 : vector<1x1024x128xf32> to vector<1024x128xf32>
    %mul3A = arith.mulf %get3A_45, %get3A_45 : vector<1024x128xf32>
    %reduce_sum3A = arith.constant dense<0.000000e+00> : vector<1024xf32>
    %reduce_sum3A_46 = vector.multi_reduction <add>, %mul3A, %reduce_sum3A [1] : vector<1024x128xf32> to vector<1024xf32>
    %broadcast_in_dim3A = vector.shape_cast %reduce_sum3A_46 : vector<1024xf32> to vector<1024x1xf32>
    %sqrt3A = math.sqrt %broadcast_in_dim3A : vector<1024x1xf32>
    %min3A = arith.constant 0.999989986 : f32
    %min3A_47 = vector.broadcast %min3A : f32 to vector<1024x1xf32>
    %min3A_48 = arith.minimumf %sqrt3A, %min3A_47 : vector<1024x1xf32>
    %swap3A = arith.constant 0 : index
    %swap3A_49 = arith.constant 0 : index
    %swap3A_50 = vector.load %arg1[%swap3A, %swap3A_49] : memref<1024x128xf32, #tpu.memory_space<vmem>>, vector<1024x1xf32>
    tpu.vector_store %arg1[%swap3A, %swap3A_49], %min3A_48 {strides = array<i32>} : memref<1024x128xf32, #tpu.memory_space<vmem>>, vector<1024x1xf32>,
    %get3A_51 = arith.constant 0 : index
    %get3A_52 = arith.constant 1024 : index
    %get3A_53 = arith.constant 0 : index
    %get3A_54 = vector.load %arg2[%get3A_51, %get3A_52, %get3A_53] : memref<3x8192x128xf32, #tpu.memory_space<vmem>>, vector<1x1024x128xf32>
    %get3A_55 = vector.shape_cast %get3A_54 : vector<1x1024x128xf32> to vector<1024x128xf32>
    %mul3A_56 = arith.mulf %get3A_55, %get3A_55 : vector<1024x128xf32>
    %reduce_sum3A_57 = arith.constant dense<0.000000e+00> : vector<1024xf32>
    %reduce_sum3A_58 = vector.multi_reduction <add>, %mul3A_56, %reduce_sum3A_57 [1] : vector<1024x128xf32> to vector<1024xf32>
    %broadcast_in_dim3A_59 = vector.shape_cast %reduce_sum3A_58 : vector<1024xf32> to vector<1024x1xf32>
    %sqrt3A_60 = math.sqrt %broadcast_in_dim3A_59 : vector<1024x1xf32>
    %min3A_61 = arith.constant 0.999989986 : f32
    %min3A_62 = vector.broadcast %min3A_61 : f32 to vector<1024x1xf32>
    %min3A_63 = arith.minimumf %sqrt3A_60, %min3A_62 : vector<1024x1xf32>
    %swap3A_64 = arith.constant 0 : index
    %swap3A_65 = arith.constant 1 : index
    %swap3A_66 = vector.load %arg1[%swap3A_64, %swap3A_65] : memref<1024x128xf32, #tpu.memory_space<vmem>>, vector<1024x1xf32>
    tpu.vector_store %arg1[%swap3A_64, %swap3A_65], %min3A_63 {strides = array<i32>} : memref<1024x128xf32, #tpu.memory_space<vmem>>, vector<1024x1xf32>,
    %get3A_67 = arith.constant 0 : index
    %get3A_68 = arith.constant 2048 : index
    %get3A_69 = arith.constant 0 : index
    %get3A_70 = vector.load %arg2[%get3A_67, %get3A_68, %get3A_69] : memref<3x8192x128xf32, #tpu.memory_space<vmem>>, vector<1x1024x128xf32>
    %get3A_71 = vector.shape_cast %get3A_70 : vector<1x1024x128xf32> to vector<1024x128xf32>
    %mul3A_72 = arith.mulf %get3A_71, %get3A_71 : vector<1024x128xf32>
    %reduce_sum3A_73 = arith.constant dense<0.000000e+00> : vector<1024xf32>
    %reduce_sum3A_74 = vector.multi_reduction <add>, %mul3A_72, %reduce_sum3A_73 [1] : vector<1024x128xf32> to vector<1024xf32>
    %broadcast_in_dim3A_75 = vector.shape_cast %reduce_sum3A_74 : vector<1024xf32> to vector<1024x1xf32>
    %sqrt3A_76 = math.sqrt %broadcast_in_dim3A_75 : vector<1024x1xf32>
    %min3A_77 = arith.constant 0.999989986 : f32
    %min3A_78 = vector.broadcast %min3A_77 : f32 to vector<1024x1xf32>
    %min3A_79 = arith.minimumf %sqrt3A_76, %min3A_78 : vector<1024x1xf32>
    %swap3A_80 = arith.constant 0 : index
    %swap3A_81 = arith.constant 2 : index
    %swap3A_82 = vector.load %arg1[%swap3A_80, %swap3A_81] : memref<1024x128xf32, #tpu.memory_space<vmem>>, vector<1024x1xf32>
    tpu.vector_store %arg1[%swap3A_80, %swap3A_81], %min3A_79 {strides = array<i32>} : memref<1024x128xf32, #tpu.memory_space<vmem>>, vector<1024x1xf32>,
    %get3A_83 = arith.constant 0 : index
    %get3A_84 = arith.constant 3072 : index
    %get3A_85 = arith.constant 0 : index
    %get3A_86 = vector.load %arg2[%get3A_83, %get3A_84, %get3A_85] : memref<3x8192x128xf32, #tpu.memory_space<vmem>>, vector<1x1024x128xf32>
    %get3A_87 = vector.shape_cast %get3A_86 : vector<1x1024x128xf32> to vector<1024x128xf32>
    %mul3A_88 = arith.mulf %get3A_87, %get3A_87 : vector<1024x128xf32>
    %reduce_sum3A_89 = arith.constant dense<0.000000e+00> : vector<1024xf32>
    %reduce_sum3A_90 = vector.multi_reduction <add>, %mul3A_88, %reduce_sum3A_89 [1] : vector<1024x128xf32> to vector<1024xf32>
    %broadcast_in_dim3A_91 = vector.shape_cast %reduce_sum3A_90 : vector<1024xf32> to vector<1024x1xf32>
    %sqrt3A_92 = math.sqrt %broadcast_in_dim3A_91 : vector<1024x1xf32>
    %min3A_93 = arith.constant 0.999989986 : f32
    %min3A_94 = vector.broadcast %min3A_93 : f32 to vector<1024x1xf32>
    %min3A_95 = arith.minimumf %sqrt3A_92, %min3A_94 : vector<1024x1xf32>
    %swap3A_96 = arith.constant 0 : index
    %swap3A_97 = arith.constant 3 : index
    %swap3A_98 = vector.load %arg1[%swap3A_96, %swap3A_97] : memref<1024x128xf32, #tpu.memory_space<vmem>>, vector<1024x1xf32>
    tpu.vector_store %arg1[%swap3A_96, %swap3A_97], %min3A_95 {strides = array<i32>} : memref<1024x128xf32, #tpu.memory_space<vmem>>, vector<1024x1xf32>,
    %get3A_99 = arith.constant 0 : index
    %get3A_100 = arith.constant 4096 : index
    %get3A_101 = arith.constant 0 : index
    %get3A_102 = vector.load %arg2[%get3A_99, %get3A_100, %get3A_101] : memref<3x8192x128xf32, #tpu.memory_space<vmem>>, vector<1x1024x128xf32>
    %get3A_103 = vector.shape_cast %get3A_102 : vector<1x1024x128xf32> to vector<1024x128xf32>
    %mul3A_104 = arith.mulf %get3A_103, %get3A_103 : vector<1024x128xf32>
    %reduce_sum3A_105 = arith.constant dense<0.000000e+00> : vector<1024xf32>
    %reduce_sum3A_106 = vector.multi_reduction <add>, %mul3A_104, %reduce_sum3A_105 [1] : vector<1024x128xf32> to vector<1024xf32>
    %broadcast_in_dim3A_107 = vector.shape_cast %reduce_sum3A_106 : vector<1024xf32> to vector<1024x1xf32>
    %sqrt3A_108 = math.sqrt %broadcast_in_dim3A_107 : vector<1024x1xf32>
    %min3A_109 = arith.constant 0.999989986 : f32
    %min3A_110 = vector.broadcast %min3A_109 : f32 to vector<1024x1xf32>
    %min3A_111 = arith.minimumf %sqrt3A_108, %min3A_110 : vector<1024x1xf32>
    %swap3A_112 = arith.constant 0 : index
    %swap3A_113 = arith.constant 4 : index
    %swap3A_114 = vector.load %arg1[%swap3A_112, %swap3A_113] : memref<1024x128xf32, #tpu.memory_space<vmem>>, vector<1024x1xf32>
    tpu.vector_store %arg1[%swap3A_112, %swap3A_113], %min3A_111 {strides = array<i32>} : memref<1024x128xf32, #tpu.memory_space<vmem>>, vector<1024x1xf32>,
    %get3A_115 = arith.constant 0 : index
    %get3A_116 = arith.constant 5120 : index
    %get3A_117 = arith.constant 0 : index
    %get3A_118 = vector.load %arg2[%get3A_115, %get3A_116, %get3A_117] : memref<3x8192x128xf32, #tpu.memory_space<vmem>>, vector<1x1024x128xf32>
    %get3A_119 = vector.shape_cast %get3A_118 : vector<1x1024x128xf32> to vector<1024x128xf32>
    %mul3A_120 = arith.mulf %get3A_119, %get3A_119 : vector<1024x128xf32>
    %reduce_sum3A_121 = arith.constant dense<0.000000e+00> : vector<1024xf32>
    %reduce_sum3A_122 = vector.multi_reduction <add>, %mul3A_120, %reduce_sum3A_121 [1] : vector<1024x128xf32> to vector<1024xf32>
    %broadcast_in_dim3A_123 = vector.shape_cast %reduce_sum3A_122 : vector<1024xf32> to vector<1024x1xf32>
    %sqrt3A_124 = math.sqrt %broadcast_in_dim3A_123 : vector<1024x1xf32>
    %min3A_125 = arith.constant 0.999989986 : f32
    %min3A_126 = vector.broadcast %min3A_125 : f32 to vector<1024x1xf32>
    %min3A_127 = arith.minimumf %sqrt3A_124, %min3A_126 : vector<1024x1xf32>
    %swap3A_128 = arith.constant 0 : index
    %swap3A_129 = arith.constant 5 : index
    %swap3A_130 = vector.load %arg1[%swap3A_128, %swap3A_129] : memref<1024x128xf32, #tpu.memory_space<vmem>>, vector<1024x1xf32>
    tpu.vector_store %arg1[%swap3A_128, %swap3A_129], %min3A_127 {strides = array<i32>} : memref<1024x128xf32, #tpu.memory_space<vmem>>, vector<1024x1xf32>,
    %get3A_131 = arith.constant 0 : index
    %get3A_132 = arith.constant 6144 : index
    %get3A_133 = arith.constant 0 : index
    %get3A_134 = vector.load %arg2[%get3A_131, %get3A_132, %get3A_133] : memref<3x8192x128xf32, #tpu.memory_space<vmem>>, vector<1x1024x128xf32>
    %get3A_135 = vector.shape_cast %get3A_134 : vector<1x1024x128xf32> to vector<1024x128xf32>
    %mul3A_136 = arith.mulf %get3A_135, %get3A_135 : vector<1024x128xf32>
    %reduce_sum3A_137 = arith.constant dense<0.000000e+00> : vector<1024xf32>
    %reduce_sum3A_138 = vector.multi_reduction <add>, %mul3A_136, %reduce_sum3A_137 [1] : vector<1024x128xf32> to vector<1024xf32>
    %broadcast_in_dim3A_139 = vector.shape_cast %reduce_sum3A_138 : vector<1024xf32> to vector<1024x1xf32>
    %sqrt3A_140 = math.sqrt %broadcast_in_dim3A_139 : vector<1024x1xf32>
    %min3A_141 = arith.constant 0.999989986 : f32
    %min3A_142 = vector.broadcast %min3A_141 : f32 to vector<1024x1xf32>
    %min3A_143 = arith.minimumf %sqrt3A_140, %min3A_142 : vector<1024x1xf32>
    %swap3A_144 = arith.constant 0 : index
    %swap3A_145 = arith.constant 6 : index
    %swap3A_146 = vector.load %arg1[%swap3A_144, %swap3A_145] : memref<1024x128xf32, #tpu.memory_space<vmem>>, vector<1024x1xf32>
    tpu.vector_store %arg1[%swap3A_144, %swap3A_145], %min3A_143 {strides = array<i32>} : memref<1024x128xf32, #tpu.memory_space<vmem>>, vector<1024x1xf32>,
    %get3A_147 = arith.constant 0 : index
    %get3A_148 = arith.constant 7168 : index
    %get3A_149 = arith.constant 0 : index
    %get3A_150 = vector.load %arg2[%get3A_147, %get3A_148, %get3A_149] : memref<3x8192x128xf32, #tpu.memory_space<vmem>>, vector<1x1024x128xf32>
    %get3A_151 = vector.shape_cast %get3A_150 : vector<1x1024x128xf32> to vector<1024x128xf32>
    %mul3A_152 = arith.mulf %get3A_151, %get3A_151 : vector<1024x128xf32>
    %reduce_sum3A_153 = arith.constant dense<0.000000e+00> : vector<1024xf32>
    %reduce_sum3A_154 = vector.multi_reduction <add>, %mul3A_152, %reduce_sum3A_153 [1] : vector<1024x128xf32> to vector<1024xf32>
    %broadcast_in_dim3A_155 = vector.shape_cast %reduce_sum3A_154 : vector<1024xf32> to vector<1024x1xf32>
    %sqrt3A_156 = math.sqrt %broadcast_in_dim3A_155 : vector<1024x1xf32>
    %min3A_157 = arith.constant 0.999989986 : f32
    %min3A_158 = vector.broadcast %min3A_157 : f32 to vector<1024x1xf32>
    %min3A_159 = arith.minimumf %sqrt3A_156, %min3A_158 : vector<1024x1xf32>
    %swap3A_160 = arith.constant 0 : index
    %swap3A_161 = arith.constant 7 : index
    %swap3A_162 = vector.load %arg1[%swap3A_160, %swap3A_161] : memref<1024x128xf32, #tpu.memory_space<vmem>>, vector<1024x1xf32>
    tpu.vector_store %arg1[%swap3A_160, %swap3A_161], %min3A_159 {strides = array<i32>} : memref<1024x128xf32, #tpu.memory_space<vmem>>, vector<1024x1xf32>,
    %dma_wait3A_163 = arith.constant 1 : i32
    %dma_wait3A_164 = arith.constant 1 : i32
    %dma_wait3A_165 = tpu.memref_slice %arg3[%dma_wait3A_164] : memref<3x!tpu.dma_semaphore, #tpu.memory_space<semaphore_mem>> -> memref<1x!tpu.dma_semaphore, #tpu.memory_space<semaphore_mem>>
    %dma_wait3A_166 = tpu.memref_squeeze %dma_wait3A_165 : memref<1x!tpu.dma_semaphore, #tpu.memory_space<semaphore_mem>> -> memref<!tpu.dma_semaphore, #tpu.memory_space<semaphore_mem>>
    %dma_wait3A_167 = arith.constant 0 : i32
    %dma_wait3A_168 = arith.constant 0 : i32
    %dma_wait3A_169 = tpu.memref_slice %arg2[%dma_wait3A_163, %dma_wait3A_167, %dma_wait3A_168] : memref<3x8192x128xf32, #tpu.memory_space<vmem>> -> memref<1x8192x128xf32, #tpu.memory_space<vmem>>
    %dma_wait3A_170 = tpu.memref_squeeze %dma_wait3A_169 : memref<1x8192x128xf32, #tpu.memory_space<vmem>> -> memref<8192x128xf32, #tpu.memory_space<vmem>>
    %dma_wait3A_171 = arith.constant 8192 : i32
    %dma_wait3A_172 = arith.constant 0 : i32
    %dma_wait3A_173 = tpu.memref_slice %arg0[%dma_wait3A_171, %dma_wait3A_172] : memref<100000x128xf32, #tpu.memory_space<any>> -> memref<8192x128xf32, #tpu.memory_space<any>>
    tpu.wait_dma2 semaphore(%dma_wait3A_166 : memref<!tpu.dma_semaphore, #tpu.memory_space<semaphore_mem>>) src(%dma_wait3A_173 : memref<8192x128xf32, #tpu.memory_space<any>>) dst(%dma_wait3A_170 : memref<8192x128xf32, #tpu.memory_space<vmem>>)
    %dma_start3A_174 = arith.constant 0 : i32
    %dma_start3A_175 = arith.constant 0 : i32
    %dma_start3A_176 = tpu.memref_slice %arg3[%dma_start3A_175] : memref<3x!tpu.dma_semaphore, #tpu.memory_space<semaphore_mem>> -> memref<1x!tpu.dma_semaphore, #tpu.memory_space<semaphore_mem>>
    %dma_start3A_177 = tpu.memref_squeeze %dma_start3A_176 : memref<1x!tpu.dma_semaphore, #tpu.memory_space<semaphore_mem>> -> memref<!tpu.dma_semaphore, #tpu.memory_space<semaphore_mem>>
    %dma_start3A_178 = arith.constant 0 : i32
    %dma_start3A_179 = arith.constant 0 : i32
    %dma_start3A_180 = tpu.memref_slice %arg2[%dma_start3A_174, %dma_start3A_178, %dma_start3A_179] : memref<3x8192x128xf32, #tpu.memory_space<vmem>> -> memref<1x8192x128xf32, #tpu.memory_space<vmem>>
    %dma_start3A_181 = tpu.memref_squeeze %dma_start3A_180 : memref<1x8192x128xf32, #tpu.memory_space<vmem>> -> memref<8192x128xf32, #tpu.memory_space<vmem>>
    %dma_start3A_182 = arith.constant 24576 : i32
    %dma_start3A_183 = arith.constant 0 : i32
    %dma_start3A_184 = tpu.memref_slice %arg0[%dma_start3A_182, %dma_start3A_183] : memref<100000x128xf32, #tpu.memory_space<any>> -> memref<8192x128xf32, #tpu.memory_space<any>>
    tpu.enqueue_dma source(%dma_start3A_184 : memref<8192x128xf32, #tpu.memory_space<any>>) target(%dma_start3A_181 : memref<8192x128xf32, #tpu.memory_space<vmem>>) target_semaphore(%dma_start3A_177 : memref<!tpu.dma_semaphore, #tpu.memory_space<semaphore_mem>>)
    %get3A_185 = arith.constant 1 : index
    %get3A_186 = arith.constant 0 : index
    %get3A_187 = arith.constant 0 : index
    %get3A_188 = vector.load %arg2[%get3A_185, %get3A_186, %get3A_187] : memref<3x8192x128xf32, #tpu.memory_space<vmem>>, vector<1x1024x128xf32>
    %get3A_189 = vector.shape_cast %get3A_188 : vector<1x1024x128xf32> to vector<1024x128xf32>
    %mul3A_190 = arith.mulf %get3A_189, %get3A_189 : vector<1024x128xf32>
    %reduce_sum3A_191 = arith.constant dense<0.000000e+00> : vector<1024xf32>
    %reduce_sum3A_192 = vector.multi_reduction <add>, %mul3A_190, %reduce_sum3A_191 [1] : vector<1024x128xf32> to vector<1024xf32>
    %broadcast_in_dim3A_193 = vector.shape_cast %reduce_sum3A_192 : vector<1024xf32> to vector<1024x1xf32>
    %sqrt3A_194 = math.sqrt %broadcast_in_dim3A_193 : vector<1024x1xf32>
    %min3A_195 = arith.constant 0.999989986 : f32
    %min3A_196 = vector.broadcast %min3A_195 : f32 to vector<1024x1xf32>
    %min3A_197 = arith.minimumf %sqrt3A_194, %min3A_196 : vector<1024x1xf32>
    %swap3A_198 = arith.constant 0 : index
    %swap3A_199 = arith.constant 8 : index
    %swap3A_200 = vector.load %arg1[%swap3A_198, %swap3A_199] : memref<1024x128xf32, #tpu.memory_space<vmem>>, vector<1024x1xf32>
    tpu.vector_store %arg1[%swap3A_198, %swap3A_199], %min3A_197 {strides = array<i32>} : memref<1024x128xf32, #tpu.memory_space<vmem>>, vector<1024x1xf32>,
    %get3A_201 = arith.constant 1 : index
    %get3A_202 = arith.constant 1024 : index
    %get3A_203 = arith.constant 0 : index
    %get3A_204 = vector.load %arg2[%get3A_201, %get3A_202, %get3A_203] : memref<3x8192x128xf32, #tpu.memory_space<vmem>>, vector<1x1024x128xf32>
    %get3A_205 = vector.shape_cast %get3A_204 : vector<1x1024x128xf32> to vector<1024x128xf32>
    %mul3A_206 = arith.mulf %get3A_205, %get3A_205 : vector<1024x128xf32>
    %reduce_sum3A_207 = arith.constant dense<0.000000e+00> : vector<1024xf32>
    %reduce_sum3A_208 = vector.multi_reduction <add>, %mul3A_206, %reduce_sum3A_207 [1] : vector<1024x128xf32> to vector<1024xf32>
    %broadcast_in_dim3A_209 = vector.shape_cast %reduce_sum3A_208 : vector<1024xf32> to vector<1024x1xf32>
    %sqrt3A_210 = math.sqrt %broadcast_in_dim3A_209 : vector<1024x1xf32>
    %min3A_211 = arith.constant 0.999989986 : f32
    %min3A_212 = vector.broadcast %min3A_211 : f32 to vector<1024x1xf32>
    %min3A_213 = arith.minimumf %sqrt3A_210, %min3A_212 : vector<1024x1xf32>
    %swap3A_214 = arith.constant 0 : index
    %swap3A_215 = arith.constant 9 : index
    %swap3A_216 = vector.load %arg1[%swap3A_214, %swap3A_215] : memref<1024x128xf32, #tpu.memory_space<vmem>>, vector<1024x1xf32>
    tpu.vector_store %arg1[%swap3A_214, %swap3A_215], %min3A_213 {strides = array<i32>} : memref<1024x128xf32, #tpu.memory_space<vmem>>, vector<1024x1xf32>,
    %get3A_217 = arith.constant 1 : index
    %get3A_218 = arith.constant 2048 : index
    %get3A_219 = arith.constant 0 : index
    %get3A_220 = vector.load %arg2[%get3A_217, %get3A_218, %get3A_219] : memref<3x8192x128xf32, #tpu.memory_space<vmem>>, vector<1x1024x128xf32>
    %get3A_221 = vector.shape_cast %get3A_220 : vector<1x1024x128xf32> to vector<1024x128xf32>
    %mul3A_222 = arith.mulf %get3A_221, %get3A_221 : vector<1024x128xf32>
    %reduce_sum3A_223 = arith.constant dense<0.000000e+00> : vector<1024xf32>
    %reduce_sum3A_224 = vector.multi_reduction <add>, %mul3A_222, %reduce_sum3A_223 [1] : vector<1024x128xf32> to vector<1024xf32>
    %broadcast_in_dim3A_225 = vector.shape_cast %reduce_sum3A_224 : vector<1024xf32> to vector<1024x1xf32>
    %sqrt3A_226 = math.sqrt %broadcast_in_dim3A_225 : vector<1024x1xf32>
    %min3A_227 = arith.constant 0.999989986 : f32
    %min3A_228 = vector.broadcast %min3A_227 : f32 to vector<1024x1xf32>
    %min3A_229 = arith.minimumf %sqrt3A_226, %min3A_228 : vector<1024x1xf32>
    %swap3A_230 = arith.constant 0 : index
    %swap3A_231 = arith.constant 10 : index
    %swap3A_232 = vector.load %arg1[%swap3A_230, %swap3A_231] : memref<1024x128xf32, #tpu.memory_space<vmem>>, vector<1024x1xf32>
    tpu.vector_store %arg1[%swap3A_230, %swap3A_231], %min3A_229 {strides = array<i32>} : memref<1024x128xf32, #tpu.memory_space<vmem>>, vector<1024x1xf32>,
    %get3A_233 = arith.constant 1 : index
    %get3A_234 = arith.constant 3072 : index
    %get3A_235 = arith.constant 0 : index
    %get3A_236 = vector.load %arg2[%get3A_233, %get3A_234, %get3A_235] : memref<3x8192x128xf32, #tpu.memory_space<vmem>>, vector<1x1024x128xf32>
    %get3A_237 = vector.shape_cast %get3A_236 : vector<1x1024x128xf32> to vector<1024x128xf32>
    %mul3A_238 = arith.mulf %get3A_237, %get3A_237 : vector<1024x128xf32>
    %reduce_sum3A_239 = arith.constant dense<0.000000e+00> : vector<1024xf32>
    %reduce_sum3A_240 = vector.multi_reduction <add>, %mul3A_238, %reduce_sum3A_239 [1] : vector<1024x128xf32> to vector<1024xf32>
    %broadcast_in_dim3A_241 = vector.shape_cast %reduce_sum3A_240 : vector<1024xf32> to vector<1024x1xf32>
    %sqrt3A_242 = math.sqrt %broadcast_in_dim3A_241 : vector<1024x1xf32>
    %min3A_243 = arith.constant 0.999989986 : f32
    %min3A_244 = vector.broadcast %min3A_243 : f32 to vector<1024x1xf32>
    %min3A_245 = arith.minimumf %sqrt3A_242, %min3A_244 : vector<1024x1xf32>
    %swap3A_246 = arith.constant 0 : index
    %swap3A_247 = arith.constant 11 : index
    %swap3A_248 = vector.load %arg1[%swap3A_246, %swap3A_247] : memref<1024x128xf32, #tpu.memory_space<vmem>>, vector<1024x1xf32>
    tpu.vector_store %arg1[%swap3A_246, %swap3A_247], %min3A_245 {strides = array<i32>} : memref<1024x128xf32, #tpu.memory_space<vmem>>, vector<1024x1xf32>,
    %get3A_249 = arith.constant 1 : index
    %get3A_250 = arith.constant 4096 : index
    %get3A_251 = arith.constant 0 : index
    %get3A_252 = vector.load %arg2[%get3A_249, %get3A_250, %get3A_251] : memref<3x8192x128xf32, #tpu.memory_space<vmem>>, vector<1x1024x128xf32>
    %get3A_253 = vector.shape_cast %get3A_252 : vector<1x1024x128xf32> to vector<1024x128xf32>
    %mul3A_254 = arith.mulf %get3A_253, %get3A_253 : vector<1024x128xf32>
    %reduce_sum3A_255 = arith.constant dense<0.000000e+00> : vector<1024xf32>
    %reduce_sum3A_256 = vector.multi_reduction <add>, %mul3A_254, %reduce_sum3A_255 [1] : vector<1024x128xf32> to vector<1024xf32>
    %broadcast_in_dim3A_257 = vector.shape_cast %reduce_sum3A_256 : vector<1024xf32> to vector<1024x1xf32>
    %sqrt3A_258 = math.sqrt %broadcast_in_dim3A_257 : vector<1024x1xf32>
    %min3A_259 = arith.constant 0.999989986 : f32
    %min3A_260 = vector.broadcast %min3A_259 : f32 to vector<1024x1xf32>
    %min3A_261 = arith.minimumf %sqrt3A_258, %min3A_260 : vector<1024x1xf32>
    %swap3A_262 = arith.constant 0 : index
    %swap3A_263 = arith.constant 12 : index
    %swap3A_264 = vector.load %arg1[%swap3A_262, %swap3A_263] : memref<1024x128xf32, #tpu.memory_space<vmem>>, vector<1024x1xf32>
    tpu.vector_store %arg1[%swap3A_262, %swap3A_263], %min3A_261 {strides = array<i32>} : memref<1024x128xf32, #tpu.memory_space<vmem>>, vector<1024x1xf32>,
    %get3A_265 = arith.constant 1 : index
    %get3A_266 = arith.constant 5120 : index
    %get3A_267 = arith.constant 0 : index
    %get3A_268 = vector.load %arg2[%get3A_265, %get3A_266, %get3A_267] : memref<3x8192x128xf32, #tpu.memory_space<vmem>>, vector<1x1024x128xf32>
    %get3A_269 = vector.shape_cast %get3A_268 : vector<1x1024x128xf32> to vector<1024x128xf32>
    %mul3A_270 = arith.mulf %get3A_269, %get3A_269 : vector<1024x128xf32>
    %reduce_sum3A_271 = arith.constant dense<0.000000e+00> : vector<1024xf32>
    %reduce_sum3A_272 = vector.multi_reduction <add>, %mul3A_270, %reduce_sum3A_271 [1] : vector<1024x128xf32> to vector<1024xf32>
    %broadcast_in_dim3A_273 = vector.shape_cast %reduce_sum3A_272 : vector<1024xf32> to vector<1024x1xf32>
    %sqrt3A_274 = math.sqrt %broadcast_in_dim3A_273 : vector<1024x1xf32>
    %min3A_275 = arith.constant 0.999989986 : f32
    %min3A_276 = vector.broadcast %min3A_275 : f32 to vector<1024x1xf32>
    %min3A_277 = arith.minimumf %sqrt3A_274, %min3A_276 : vector<1024x1xf32>
    %swap3A_278 = arith.constant 0 : index
    %swap3A_279 = arith.constant 13 : index
    %swap3A_280 = vector.load %arg1[%swap3A_278, %swap3A_279] : memref<1024x128xf32, #tpu.memory_space<vmem>>, vector<1024x1xf32>
    tpu.vector_store %arg1[%swap3A_278, %swap3A_279], %min3A_277 {strides = array<i32>} : memref<1024x128xf32, #tpu.memory_space<vmem>>, vector<1024x1xf32>,
    %get3A_281 = arith.constant 1 : index
    %get3A_282 = arith.constant 6144 : index
    %get3A_283 = arith.constant 0 : index
    %get3A_284 = vector.load %arg2[%get3A_281, %get3A_282, %get3A_283] : memref<3x8192x128xf32, #tpu.memory_space<vmem>>, vector<1x1024x128xf32>
    %get3A_285 = vector.shape_cast %get3A_284 : vector<1x1024x128xf32> to vector<1024x128xf32>
    %mul3A_286 = arith.mulf %get3A_285, %get3A_285 : vector<1024x128xf32>
    %reduce_sum3A_287 = arith.constant dense<0.000000e+00> : vector<1024xf32>
    %reduce_sum3A_288 = vector.multi_reduction <add>, %mul3A_286, %reduce_sum3A_287 [1] : vector<1024x128xf32> to vector<1024xf32>
    %broadcast_in_dim3A_289 = vector.shape_cast %reduce_sum3A_288 : vector<1024xf32> to vector<1024x1xf32>
    %sqrt3A_290 = math.sqrt %broadcast_in_dim3A_289 : vector<1024x1xf32>
    %min3A_291 = arith.constant 0.999989986 : f32
    %min3A_292 = vector.broadcast %min3A_291 : f32 to vector<1024x1xf32>
    %min3A_293 = arith.minimumf %sqrt3A_290, %min3A_292 : vector<1024x1xf32>
    %swap3A_294 = arith.constant 0 : index
    %swap3A_295 = arith.constant 14 : index
    %swap3A_296 = vector.load %arg1[%swap3A_294, %swap3A_295] : memref<1024x128xf32, #tpu.memory_space<vmem>>, vector<1024x1xf32>
    tpu.vector_store %arg1[%swap3A_294, %swap3A_295], %min3A_293 {strides = array<i32>} : memref<1024x128xf32, #tpu.memory_space<vmem>>, vector<1024x1xf32>,
    %get3A_297 = arith.constant 1 : index
    %get3A_298 = arith.constant 7168 : index
    %get3A_299 = arith.constant 0 : index
    %get3A_300 = vector.load %arg2[%get3A_297, %get3A_298, %get3A_299] : memref<3x8192x128xf32, #tpu.memory_space<vmem>>, vector<1x1024x128xf32>
    %get3A_301 = vector.shape_cast %get3A_300 : vector<1x1024x128xf32> to vector<1024x128xf32>
    %mul3A_302 = arith.mulf %get3A_301, %get3A_301 : vector<1024x128xf32>
    %reduce_sum3A_303 = arith.constant dense<0.000000e+00> : vector<1024xf32>
    %reduce_sum3A_304 = vector.multi_reduction <add>, %mul3A_302, %reduce_sum3A_303 [1] : vector<1024x128xf32> to vector<1024xf32>
    %broadcast_in_dim3A_305 = vector.shape_cast %reduce_sum3A_304 : vector<1024xf32> to vector<1024x1xf32>
    %sqrt3A_306 = math.sqrt %broadcast_in_dim3A_305 : vector<1024x1xf32>
    %min3A_307 = arith.constant 0.999989986 : f32
    %min3A_308 = vector.broadcast %min3A_307 : f32 to vector<1024x1xf32>
    %min3A_309 = arith.minimumf %sqrt3A_306, %min3A_308 : vector<1024x1xf32>
    %swap3A_310 = arith.constant 0 : index
    %swap3A_311 = arith.constant 15 : index
    %swap3A_312 = vector.load %arg1[%swap3A_310, %swap3A_311] : memref<1024x128xf32, #tpu.memory_space<vmem>>, vector<1024x1xf32>
    tpu.vector_store %arg1[%swap3A_310, %swap3A_311], %min3A_309 {strides = array<i32>} : memref<1024x128xf32, #tpu.memory_space<vmem>>, vector<1024x1xf32>,
    %dma_wait3A_313 = arith.constant 2 : i32
    %dma_wait3A_314 = arith.constant 2 : i32
    %dma_wait3A_315 = tpu.memref_slice %arg3[%dma_wait3A_314] : memref<3x!tpu.dma_semaphore, #tpu.memory_space<semaphore_mem>> -> memref<1x!tpu.dma_semaphore, #tpu.memory_space<semaphore_mem>>
    %dma_wait3A_316 = tpu.memref_squeeze %dma_wait3A_315 : memref<1x!tpu.dma_semaphore, #tpu.memory_space<semaphore_mem>> -> memref<!tpu.dma_semaphore, #tpu.memory_space<semaphore_mem>>
    %dma_wait3A_317 = arith.constant 0 : i32
    %dma_wait3A_318 = arith.constant 0 : i32
    %dma_wait3A_319 = tpu.memref_slice %arg2[%dma_wait3A_313, %dma_wait3A_317, %dma_wait3A_318] : memref<3x8192x128xf32, #tpu.memory_space<vmem>> -> memref<1x8192x128xf32, #tpu.memory_space<vmem>>
    %dma_wait3A_320 = tpu.memref_squeeze %dma_wait3A_319 : memref<1x8192x128xf32, #tpu.memory_space<vmem>> -> memref<8192x128xf32, #tpu.memory_space<vmem>>
    %dma_wait3A_321 = arith.constant 16384 : i32
    %dma_wait3A_322 = arith.constant 0 : i32
    %dma_wait3A_323 = tpu.memref_slice %arg0[%dma_wait3A_321, %dma_wait3A_322] : memref<100000x128xf32, #tpu.memory_space<any>> -> memref<8192x128xf32, #tpu.memory_space<any>>
    tpu.wait_dma2 semaphore(%dma_wait3A_316 : memref<!tpu.dma_semaphore, #tpu.memory_space<semaphore_mem>>) src(%dma_wait3A_323 : memref<8192x128xf32, #tpu.memory_space<any>>) dst(%dma_wait3A_320 : memref<8192x128xf32, #tpu.memory_space<vmem>>)
    %dma_start3A_324 = arith.constant 1 : i32
    %dma_start3A_325 = arith.constant 1 : i32
    %dma_start3A_326 = tpu.memref_slice %arg3[%dma_start3A_325] : memref<3x!tpu.dma_semaphore, #tpu.memory_space<semaphore_mem>> -> memref<1x!tpu.dma_semaphore, #tpu.memory_space<semaphore_mem>>
    %dma_start3A_327 = tpu.memref_squeeze %dma_start3A_326 : memref<1x!tpu.dma_semaphore, #tpu.memory_space<semaphore_mem>> -> memref<!tpu.dma_semaphore, #tpu.memory_space<semaphore_mem>>
    %dma_start3A_328 = arith.constant 0 : i32
    %dma_start3A_329 = arith.constant 0 : i32
    %dma_start3A_330 = tpu.memref_slice %arg2[%dma_start3A_324, %dma_start3A_328, %dma_start3A_329] : memref<3x8192x128xf32, #tpu.memory_space<vmem>> -> memref<1x8192x128xf32, #tpu.memory_space<vmem>>
    %dma_start3A_331 = tpu.memref_squeeze %dma_start3A_330 : memref<1x8192x128xf32, #tpu.memory_space<vmem>> -> memref<8192x128xf32, #tpu.memory_space<vmem>>
    %dma_start3A_332 = arith.constant 32768 : i32
    %dma_start3A_333 = arith.constant 0 : i32
    %dma_start3A_334 = tpu.memref_slice %arg0[%dma_start3A_332, %dma_start3A_333] : memref<100000x128xf32, #tpu.memory_space<any>> -> memref<8192x128xf32, #tpu.memory_space<any>>
    tpu.enqueue_dma source(%dma_start3A_334 : memref<8192x128xf32, #tpu.memory_space<any>>) target(%dma_start3A_331 : memref<8192x128xf32, #tpu.memory_space<vmem>>) target_semaphore(%dma_start3A_327 : memref<!tpu.dma_semaphore, #tpu.memory_space<semaphore_mem>>)
    %get3A_335 = arith.constant 2 : index
    %get3A_336 = arith.constant 0 : index
    %get3A_337 = arith.constant 0 : index
    %get3A_338 = vector.load %arg2[%get3A_335, %get3A_336, %get3A_337] : memref<3x8192x128xf32, #tpu.memory_space<vmem>>, vector<1x1024x128xf32>
    %get3A_339 = vector.shape_cast %get3A_338 : vector<1x1024x128xf32> to vector<1024x128xf32>
    %mul3A_340 = arith.mulf %get3A_339, %get3A_339 : vector<1024x128xf32>
    %reduce_sum3A_341 = arith.constant dense<0.000000e+00> : vector<1024xf32>
    %reduce_sum3A_342 = vector.multi_reduction <add>, %mul3A_340, %reduce_sum3A_341 [1] : vector<1024x128xf32> to vector<1024xf32>
    %broadcast_in_dim3A_343 = vector.shape_cast %reduce_sum3A_342 : vector<1024xf32> to vector<1024x1xf32>
    %sqrt3A_344 = math.sqrt %broadcast_in_dim3A_343 : vector<1024x1xf32>
    %min3A_345 = arith.constant 0.999989986 : f32
    %min3A_346 = vector.broadcast %min3A_345 : f32 to vector<1024x1xf32>
    %min3A_347 = arith.minimumf %sqrt3A_344, %min3A_346 : vector<1024x1xf32>
    %swap3A_348 = arith.constant 0 : index
    %swap3A_349 = arith.constant 16 : index
    %swap3A_350 = vector.load %arg1[%swap3A_348, %swap3A_349] : memref<1024x128xf32, #tpu.memory_space<vmem>>, vector<1024x1xf32>
    tpu.vector_store %arg1[%swap3A_348, %swap3A_349], %min3A_347 {strides = array<i32>} : memref<1024x128xf32, #tpu.memory_space<vmem>>, vector<1024x1xf32>,
    %get3A_351 = arith.constant 2 : index
    %get3A_352 = arith.constant 1024 : index
    %get3A_353 = arith.constant 0 : index
    %get3A_354 = vector.load %arg2[%get3A_351, %get3A_352, %get3A_353] : memref<3x8192x128xf32, #tpu.memory_space<vmem>>, vector<1x1024x128xf32>
    %get3A_355 = vector.shape_cast %get3A_354 : vector<1x1024x128xf32> to vector<1024x128xf32>
    %mul3A_356 = arith.mulf %get3A_355, %get3A_355 : vector<1024x128xf32>
    %reduce_sum3A_357 = arith.constant dense<0.000000e+00> : vector<1024xf32>
    %reduce_sum3A_358 = vector.multi_reduction <add>, %mul3A_356, %reduce_sum3A_357 [1] : vector<1024x128xf32> to vector<1024xf32>
    %broadcast_in_dim3A_359 = vector.shape_cast %reduce_sum3A_358 : vector<1024xf32> to vector<1024x1xf32>
    %sqrt3A_360 = math.sqrt %broadcast_in_dim3A_359 : vector<1024x1xf32>
    %min3A_361 = arith.constant 0.999989986 : f32
    %min3A_362 = vector.broadcast %min3A_361 : f32 to vector<1024x1xf32>
    %min3A_363 = arith.minimumf %sqrt3A_360, %min3A_362 : vector<1024x1xf32>
    %swap3A_364 = arith.constant 0 : index
    %swap3A_365 = arith.constant 17 : index
    %swap3A_366 = vector.load %arg1[%swap3A_364, %swap3A_365] : memref<1024x128xf32, #tpu.memory_space<vmem>>, vector<1024x1xf32>
    tpu.vector_store %arg1[%swap3A_364, %swap3A_365], %min3A_363 {strides = array<i32>} : memref<1024x128xf32, #tpu.memory_space<vmem>>, vector<1024x1xf32>,
    %get3A_367 = arith.constant 2 : index
    %get3A_368 = arith.constant 2048 : index
    %get3A_369 = arith.constant 0 : index
    %get3A_370 = vector.load %arg2[%get3A_367, %get3A_368, %get3A_369] : memref<3x8192x128xf32, #tpu.memory_space<vmem>>, vector<1x1024x128xf32>
    %get3A_371 = vector.shape_cast %get3A_370 : vector<1x1024x128xf32> to vector<1024x128xf32>
    %mul3A_372 = arith.mulf %get3A_371, %get3A_371 : vector<1024x128xf32>
    %reduce_sum3A_373 = arith.constant dense<0.000000e+00> : vector<1024xf32>
    %reduce_sum3A_374 = vector.multi_reduction <add>, %mul3A_372, %reduce_sum3A_373 [1] : vector<1024x128xf32> to vector<1024xf32>
    %broadcast_in_dim3A_375 = vector.shape_cast %reduce_sum3A_374 : vector<1024xf32> to vector<1024x1xf32>
    %sqrt3A_376 = math.sqrt %broadcast_in_dim3A_375 : vector<1024x1xf32>
    %min3A_377 = arith.constant 0.999989986 : f32
    %min3A_378 = vector.broadcast %min3A_377 : f32 to vector<1024x1xf32>
    %min3A_379 = arith.minimumf %sqrt3A_376, %min3A_378 : vector<1024x1xf32>
    %swap3A_380 = arith.constant 0 : index
    %swap3A_381 = arith.constant 18 : index
    %swap3A_382 = vector.load %arg1[%swap3A_380, %swap3A_381] : memref<1024x128xf32, #tpu.memory_space<vmem>>, vector<1024x1xf32>
    tpu.vector_store %arg1[%swap3A_380, %swap3A_381], %min3A_379 {strides = array<i32>} : memref<1024x128xf32, #tpu.memory_space<vmem>>, vector<1024x1xf32>,
    %get3A_383 = arith.constant 2 : index
    %get3A_384 = arith.constant 3072 : index
    %get3A_385 = arith.constant 0 : index
    %get3A_386 = vector.load %arg2[%get3A_383, %get3A_384, %get3A_385] : memref<3x8192x128xf32, #tpu.memory_space<vmem>>, vector<1x1024x128xf32>
    %get3A_387 = vector.shape_cast %get3A_386 : vector<1x1024x128xf32> to vector<1024x128xf32>
    %mul3A_388 = arith.mulf %get3A_387, %get3A_387 : vector<1024x128xf32>
    %reduce_sum3A_389 = arith.constant dense<0.000000e+00> : vector<1024xf32>
    %reduce_sum3A_390 = vector.multi_reduction <add>, %mul3A_388, %reduce_sum3A_389 [1] : vector<1024x128xf32> to vector<1024xf32>
    %broadcast_in_dim3A_391 = vector.shape_cast %reduce_sum3A_390 : vector<1024xf32> to vector<1024x1xf32>
    %sqrt3A_392 = math.sqrt %broadcast_in_dim3A_391 : vector<1024x1xf32>
    %min3A_393 = arith.constant 0.999989986 : f32
    %min3A_394 = vector.broadcast %min3A_393 : f32 to vector<1024x1xf32>
    %min3A_395 = arith.minimumf %sqrt3A_392, %min3A_394 : vector<1024x1xf32>
    %swap3A_396 = arith.constant 0 : index
    %swap3A_397 = arith.constant 19 : index
    %swap3A_398 = vector.load %arg1[%swap3A_396, %swap3A_397] : memref<1024x128xf32, #tpu.memory_space<vmem>>, vector<1024x1xf32>
    tpu.vector_store %arg1[%swap3A_396, %swap3A_397], %min3A_395 {strides = array<i32>} : memref<1024x128xf32, #tpu.memory_space<vmem>>, vector<1024x1xf32>,
    %get3A_399 = arith.constant 2 : index
    %get3A_400 = arith.constant 4096 : index
    %get3A_401 = arith.constant 0 : index
    %get3A_402 = vector.load %arg2[%get3A_399, %get3A_400, %get3A_401] : memref<3x8192x128xf32, #tpu.memory_space<vmem>>, vector<1x1024x128xf32>
    %get3A_403 = vector.shape_cast %get3A_402 : vector<1x1024x128xf32> to vector<1024x128xf32>
    %mul3A_404 = arith.mulf %get3A_403, %get3A_403 : vector<1024x128xf32>
    %reduce_sum3A_405 = arith.constant dense<0.000000e+00> : vector<1024xf32>
    %reduce_sum3A_406 = vector.multi_reduction <add>, %mul3A_404, %reduce_sum3A_405 [1] : vector<1024x128xf32> to vector<1024xf32>
    %broadcast_in_dim3A_407 = vector.shape_cast %reduce_sum3A_406 : vector<1024xf32> to vector<1024x1xf32>
    %sqrt3A_408 = math.sqrt %broadcast_in_dim3A_407 : vector<1024x1xf32>
    %min3A_409 = arith.constant 0.999989986 : f32
    %min3A_410 = vector.broadcast %min3A_409 : f32 to vector<1024x1xf32>
    %min3A_411 = arith.minimumf %sqrt3A_408, %min3A_410 : vector<1024x1xf32>
    %swap3A_412 = arith.constant 0 : index
    %swap3A_413 = arith.constant 20 : index
    %swap3A_414 = vector.load %arg1[%swap3A_412, %swap3A_413] : memref<1024x128xf32, #tpu.memory_space<vmem>>, vector<1024x1xf32>
    tpu.vector_store %arg1[%swap3A_412, %swap3A_413], %min3A_411 {strides = array<i32>} : memref<1024x128xf32, #tpu.memory_space<vmem>>, vector<1024x1xf32>,
    %get3A_415 = arith.constant 2 : index
    %get3A_416 = arith.constant 5120 : index
    %get3A_417 = arith.constant 0 : index
    %get3A_418 = vector.load %arg2[%get3A_415, %get3A_416, %get3A_417] : memref<3x8192x128xf32, #tpu.memory_space<vmem>>, vector<1x1024x128xf32>
    %get3A_419 = vector.shape_cast %get3A_418 : vector<1x1024x128xf32> to vector<1024x128xf32>
    %mul3A_420 = arith.mulf %get3A_419, %get3A_419 : vector<1024x128xf32>
    %reduce_sum3A_421 = arith.constant dense<0.000000e+00> : vector<1024xf32>
    %reduce_sum3A_422 = vector.multi_reduction <add>, %mul3A_420, %reduce_sum3A_421 [1] : vector<1024x128xf32> to vector<1024xf32>
    %broadcast_in_dim3A_423 = vector.shape_cast %reduce_sum3A_422 : vector<1024xf32> to vector<1024x1xf32>
    %sqrt3A_424 = math.sqrt %broadcast_in_dim3A_423 : vector<1024x1xf32>
    %min3A_425 = arith.constant 0.999989986 : f32
    %min3A_426 = vector.broadcast %min3A_425 : f32 to vector<1024x1xf32>
    %min3A_427 = arith.minimumf %sqrt3A_424, %min3A_426 : vector<1024x1xf32>
    %swap3A_428 = arith.constant 0 : index
    %swap3A_429 = arith.constant 21 : index
    %swap3A_430 = vector.load %arg1[%swap3A_428, %swap3A_429] : memref<1024x128xf32, #tpu.memory_space<vmem>>, vector<1024x1xf32>
    tpu.vector_store %arg1[%swap3A_428, %swap3A_429], %min3A_427 {strides = array<i32>} : memref<1024x128xf32, #tpu.memory_space<vmem>>, vector<1024x1xf32>,
    %get3A_431 = arith.constant 2 : index
    %get3A_432 = arith.constant 6144 : index
    %get3A_433 = arith.constant 0 : index
    %get3A_434 = vector.load %arg2[%get3A_431, %get3A_432, %get3A_433] : memref<3x8192x128xf32, #tpu.memory_space<vmem>>, vector<1x1024x128xf32>
    %get3A_435 = vector.shape_cast %get3A_434 : vector<1x1024x128xf32> to vector<1024x128xf32>
    %mul3A_436 = arith.mulf %get3A_435, %get3A_435 : vector<1024x128xf32>
    %reduce_sum3A_437 = arith.constant dense<0.000000e+00> : vector<1024xf32>
    %reduce_sum3A_438 = vector.multi_reduction <add>, %mul3A_436, %reduce_sum3A_437 [1] : vector<1024x128xf32> to vector<1024xf32>
    %broadcast_in_dim3A_439 = vector.shape_cast %reduce_sum3A_438 : vector<1024xf32> to vector<1024x1xf32>
    %sqrt3A_440 = math.sqrt %broadcast_in_dim3A_439 : vector<1024x1xf32>
    %min3A_441 = arith.constant 0.999989986 : f32
    %min3A_442 = vector.broadcast %min3A_441 : f32 to vector<1024x1xf32>
    %min3A_443 = arith.minimumf %sqrt3A_440, %min3A_442 : vector<1024x1xf32>
    %swap3A_444 = arith.constant 0 : index
    %swap3A_445 = arith.constant 22 : index
    %swap3A_446 = vector.load %arg1[%swap3A_444, %swap3A_445] : memref<1024x128xf32, #tpu.memory_space<vmem>>, vector<1024x1xf32>
    tpu.vector_store %arg1[%swap3A_444, %swap3A_445], %min3A_443 {strides = array<i32>} : memref<1024x128xf32, #tpu.memory_space<vmem>>, vector<1024x1xf32>,
    %get3A_447 = arith.constant 2 : index
    %get3A_448 = arith.constant 7168 : index
    %get3A_449 = arith.constant 0 : index
    %get3A_450 = vector.load %arg2[%get3A_447, %get3A_448, %get3A_449] : memref<3x8192x128xf32, #tpu.memory_space<vmem>>, vector<1x1024x128xf32>
    %get3A_451 = vector.shape_cast %get3A_450 : vector<1x1024x128xf32> to vector<1024x128xf32>
    %mul3A_452 = arith.mulf %get3A_451, %get3A_451 : vector<1024x128xf32>
    %reduce_sum3A_453 = arith.constant dense<0.000000e+00> : vector<1024xf32>
    %reduce_sum3A_454 = vector.multi_reduction <add>, %mul3A_452, %reduce_sum3A_453 [1] : vector<1024x128xf32> to vector<1024xf32>
    %broadcast_in_dim3A_455 = vector.shape_cast %reduce_sum3A_454 : vector<1024xf32> to vector<1024x1xf32>
    %sqrt3A_456 = math.sqrt %broadcast_in_dim3A_455 : vector<1024x1xf32>
    %min3A_457 = arith.constant 0.999989986 : f32
    %min3A_458 = vector.broadcast %min3A_457 : f32 to vector<1024x1xf32>
    %min3A_459 = arith.minimumf %sqrt3A_456, %min3A_458 : vector<1024x1xf32>
    %swap3A_460 = arith.constant 0 : index
    %swap3A_461 = arith.constant 23 : index
    %swap3A_462 = vector.load %arg1[%swap3A_460, %swap3A_461] : memref<1024x128xf32, #tpu.memory_space<vmem>>, vector<1024x1xf32>
    tpu.vector_store %arg1[%swap3A_460, %swap3A_461], %min3A_459 {strides = array<i32>} : memref<1024x128xf32, #tpu.memory_space<vmem>>, vector<1024x1xf32>,
    %dma_wait3A_463 = arith.constant 0 : i32
    %dma_wait3A_464 = arith.constant 0 : i32
    %dma_wait3A_465 = tpu.memref_slice %arg3[%dma_wait3A_464] : memref<3x!tpu.dma_semaphore, #tpu.memory_space<semaphore_mem>> -> memref<1x!tpu.dma_semaphore, #tpu.memory_space<semaphore_mem>>
    %dma_wait3A_466 = tpu.memref_squeeze %dma_wait3A_465 : memref<1x!tpu.dma_semaphore, #tpu.memory_space<semaphore_mem>> -> memref<!tpu.dma_semaphore, #tpu.memory_space<semaphore_mem>>
    %dma_wait3A_467 = arith.constant 0 : i32
    %dma_wait3A_468 = arith.constant 0 : i32
    %dma_wait3A_469 = tpu.memref_slice %arg2[%dma_wait3A_463, %dma_wait3A_467, %dma_wait3A_468] : memref<3x8192x128xf32, #tpu.memory_space<vmem>> -> memref<1x8192x128xf32, #tpu.memory_space<vmem>>
    %dma_wait3A_470 = tpu.memref_squeeze %dma_wait3A_469 : memref<1x8192x128xf32, #tpu.memory_space<vmem>> -> memref<8192x128xf32, #tpu.memory_space<vmem>>
    %dma_wait3A_471 = arith.constant 24576 : i32
    %dma_wait3A_472 = arith.constant 0 : i32
    %dma_wait3A_473 = tpu.memref_slice %arg0[%dma_wait3A_471, %dma_wait3A_472] : memref<100000x128xf32, #tpu.memory_space<any>> -> memref<8192x128xf32, #tpu.memory_space<any>>
    tpu.wait_dma2 semaphore(%dma_wait3A_466 : memref<!tpu.dma_semaphore, #tpu.memory_space<semaphore_mem>>) src(%dma_wait3A_473 : memref<8192x128xf32, #tpu.memory_space<any>>) dst(%dma_wait3A_470 : memref<8192x128xf32, #tpu.memory_space<vmem>>)
    %dma_start3A_474 = arith.constant 2 : i32
    %dma_start3A_475 = arith.constant 2 : i32
    %dma_start3A_476 = tpu.memref_slice %arg3[%dma_start3A_475] : memref<3x!tpu.dma_semaphore, #tpu.memory_space<semaphore_mem>> -> memref<1x!tpu.dma_semaphore, #tpu.memory_space<semaphore_mem>>
    %dma_start3A_477 = tpu.memref_squeeze %dma_start3A_476 : memref<1x!tpu.dma_semaphore, #tpu.memory_space<semaphore_mem>> -> memref<!tpu.dma_semaphore, #tpu.memory_space<semaphore_mem>>
    %dma_start3A_478 = arith.constant 0 : i32
    %dma_start3A_479 = arith.constant 0 : i32
    %dma_start3A_480 = tpu.memref_slice %arg2[%dma_start3A_474, %dma_start3A_478, %dma_start3A_479] : memref<3x8192x128xf32, #tpu.memory_space<vmem>> -> memref<1x8192x128xf32, #tpu.memory_space<vmem>>
    %dma_start3A_481 = tpu.memref_squeeze %dma_start3A_480 : memref<1x8192x128xf32, #tpu.memory_space<vmem>> -> memref<8192x128xf32, #tpu.memory_space<vmem>>
    %dma_start3A_482 = arith.constant 40960 : i32
    %dma_start3A_483 = arith.constant 0 : i32
    %dma_start3A_484 = tpu.memref_slice %arg0[%dma_start3A_482, %dma_start3A_483] : memref<100000x128xf32, #tpu.memory_space<any>> -> memref<8192x128xf32, #tpu.memory_space<any>>
    tpu.enqueue_dma source(%dma_start3A_484 : memref<8192x128xf32, #tpu.memory_space<any>>) target(%dma_start3A_481 : memref<8192x128xf32, #tpu.memory_space<vmem>>) target_semaphore(%dma_start3A_477 : memref<!tpu.dma_semaphore, #tpu.memory_space<semaphore_mem>>)
    %get3A_485 = arith.constant 0 : index
    %get3A_486 = arith.constant 0 : index
    %get3A_487 = arith.constant 0 : index
    %get3A_488 = vector.load %arg2[%get3A_485, %get3A_486, %get3A_487] : memref<3x8192x128xf32, #tpu.memory_space<vmem>>, vector<1x1024x128xf32>
    %get3A_489 = vector.shape_cast %get3A_488 : vector<1x1024x128xf32> to vector<1024x128xf32>
    %mul3A_490 = arith.mulf %get3A_489, %get3A_489 : vector<1024x128xf32>
    %reduce_sum3A_491 = arith.constant dense<0.000000e+00> : vector<1024xf32>
    %reduce_sum3A_492 = vector.multi_reduction <add>, %mul3A_490, %reduce_sum3A_491 [1] : vector<1024x128xf32> to vector<1024xf32>
    %broadcast_in_dim3A_493 = vector.shape_cast %reduce_sum3A_492 : vector<1024xf32> to vector<1024x1xf32>
    %sqrt3A_494 = math.sqrt %broadcast_in_dim3A_493 : vector<1024x1xf32>
    %min3A_495 = arith.constant 0.999989986 : f32
    %min3A_496 = vector.broadcast %min3A_495 : f32 to vector<1024x1xf32>
    %min3A_497 = arith.minimumf %sqrt3A_494, %min3A_496 : vector<1024x1xf32>
    %swap3A_498 = arith.constant 0 : index
    %swap3A_499 = arith.constant 24 : index
    %swap3A_500 = vector.load %arg1[%swap3A_498, %swap3A_499] : memref<1024x128xf32, #tpu.memory_space<vmem>>, vector<1024x1xf32>
    tpu.vector_store %arg1[%swap3A_498, %swap3A_499], %min3A_497 {strides = array<i32>} : memref<1024x128xf32, #tpu.memory_space<vmem>>, vector<1024x1xf32>,
    %get3A_501 = arith.constant 0 : index
    %get3A_502 = arith.constant 1024 : index
    %get3A_503 = arith.constant 0 : index
    %get3A_504 = vector.load %arg2[%get3A_501, %get3A_502, %get3A_503] : memref<3x8192x128xf32, #tpu.memory_space<vmem>>, vector<1x1024x128xf32>
    %get3A_505 = vector.shape_cast %get3A_504 : vector<1x1024x128xf32> to vector<1024x128xf32>
    %mul3A_506 = arith.mulf %get3A_505, %get3A_505 : vector<1024x128xf32>
    %reduce_sum3A_507 = arith.constant dense<0.000000e+00> : vector<1024xf32>
    %reduce_sum3A_508 = vector.multi_reduction <add>, %mul3A_506, %reduce_sum3A_507 [1] : vector<1024x128xf32> to vector<1024xf32>
    %broadcast_in_dim3A_509 = vector.shape_cast %reduce_sum3A_508 : vector<1024xf32> to vector<1024x1xf32>
    %sqrt3A_510 = math.sqrt %broadcast_in_dim3A_509 : vector<1024x1xf32>
    %min3A_511 = arith.constant 0.999989986 : f32
    %min3A_512 = vector.broadcast %min3A_511 : f32 to vector<1024x1xf32>
    %min3A_513 = arith.minimumf %sqrt3A_510, %min3A_512 : vector<1024x1xf32>
    %swap3A_514 = arith.constant 0 : index
    %swap3A_515 = arith.constant 25 : index
    %swap3A_516 = vector.load %arg1[%swap3A_514, %swap3A_515] : memref<1024x128xf32, #tpu.memory_space<vmem>>, vector<1024x1xf32>
    tpu.vector_store %arg1[%swap3A_514, %swap3A_515], %min3A_513 {strides = array<i32>} : memref<1024x128xf32, #tpu.memory_space<vmem>>, vector<1024x1xf32>,
    %get3A_517 = arith.constant 0 : index
    %get3A_518 = arith.constant 2048 : index
    %get3A_519 = arith.constant 0 : index
    %get3A_520 = vector.load %arg2[%get3A_517, %get3A_518, %get3A_519] : memref<3x8192x128xf32, #tpu.memory_space<vmem>>, vector<1x1024x128xf32>
    %get3A_521 = vector.shape_cast %get3A_520 : vector<1x1024x128xf32> to vector<1024x128xf32>
    %mul3A_522 = arith.mulf %get3A_521, %get3A_521 : vector<1024x128xf32>
    %reduce_sum3A_523 = arith.constant dense<0.000000e+00> : vector<1024xf32>
    %reduce_sum3A_524 = vector.multi_reduction <add>, %mul3A_522, %reduce_sum3A_523 [1] : vector<1024x128xf32> to vector<1024xf32>
    %broadcast_in_dim3A_525 = vector.shape_cast %reduce_sum3A_524 : vector<1024xf32> to vector<1024x1xf32>
    %sqrt3A_526 = math.sqrt %broadcast_in_dim3A_525 : vector<1024x1xf32>
    %min3A_527 = arith.constant 0.999989986 : f32
    %min3A_528 = vector.broadcast %min3A_527 : f32 to vector<1024x1xf32>
    %min3A_529 = arith.minimumf %sqrt3A_526, %min3A_528 : vector<1024x1xf32>
    %swap3A_530 = arith.constant 0 : index
    %swap3A_531 = arith.constant 26 : index
    %swap3A_532 = vector.load %arg1[%swap3A_530, %swap3A_531] : memref<1024x128xf32, #tpu.memory_space<vmem>>, vector<1024x1xf32>
    tpu.vector_store %arg1[%swap3A_530, %swap3A_531], %min3A_529 {strides = array<i32>} : memref<1024x128xf32, #tpu.memory_space<vmem>>, vector<1024x1xf32>,
    %get3A_533 = arith.constant 0 : index
    %get3A_534 = arith.constant 3072 : index
    %get3A_535 = arith.constant 0 : index
    %get3A_536 = vector.load %arg2[%get3A_533, %get3A_534, %get3A_535] : memref<3x8192x128xf32, #tpu.memory_space<vmem>>, vector<1x1024x128xf32>
    %get3A_537 = vector.shape_cast %get3A_536 : vector<1x1024x128xf32> to vector<1024x128xf32>
    %mul3A_538 = arith.mulf %get3A_537, %get3A_537 : vector<1024x128xf32>
    %reduce_sum3A_539 = arith.constant dense<0.000000e+00> : vector<1024xf32>
    %reduce_sum3A_540 = vector.multi_reduction <add>, %mul3A_538, %reduce_sum3A_539 [1] : vector<1024x128xf32> to vector<1024xf32>
    %broadcast_in_dim3A_541 = vector.shape_cast %reduce_sum3A_540 : vector<1024xf32> to vector<1024x1xf32>
    %sqrt3A_542 = math.sqrt %broadcast_in_dim3A_541 : vector<1024x1xf32>
    %min3A_543 = arith.constant 0.999989986 : f32
    %min3A_544 = vector.broadcast %min3A_543 : f32 to vector<1024x1xf32>
    %min3A_545 = arith.minimumf %sqrt3A_542, %min3A_544 : vector<1024x1xf32>
    %swap3A_546 = arith.constant 0 : index
    %swap3A_547 = arith.constant 27 : index
    %swap3A_548 = vector.load %arg1[%swap3A_546, %swap3A_547] : memref<1024x128xf32, #tpu.memory_space<vmem>>, vector<1024x1xf32>
    tpu.vector_store %arg1[%swap3A_546, %swap3A_547], %min3A_545 {strides = array<i32>} : memref<1024x128xf32, #tpu.memory_space<vmem>>, vector<1024x1xf32>,
    %get3A_549 = arith.constant 0 : index
    %get3A_550 = arith.constant 4096 : index
    %get3A_551 = arith.constant 0 : index
    %get3A_552 = vector.load %arg2[%get3A_549, %get3A_550, %get3A_551] : memref<3x8192x128xf32, #tpu.memory_space<vmem>>, vector<1x1024x128xf32>
    %get3A_553 = vector.shape_cast %get3A_552 : vector<1x1024x128xf32> to vector<1024x128xf32>
    %mul3A_554 = arith.mulf %get3A_553, %get3A_553 : vector<1024x128xf32>
    %reduce_sum3A_555 = arith.constant dense<0.000000e+00> : vector<1024xf32>
    %reduce_sum3A_556 = vector.multi_reduction <add>, %mul3A_554, %reduce_sum3A_555 [1] : vector<1024x128xf32> to vector<1024xf32>
    %broadcast_in_dim3A_557 = vector.shape_cast %reduce_sum3A_556 : vector<1024xf32> to vector<1024x1xf32>
    %sqrt3A_558 = math.sqrt %broadcast_in_dim3A_557 : vector<1024x1xf32>
    %min3A_559 = arith.constant 0.999989986 : f32
    %min3A_560 = vector.broadcast %min3A_559 : f32 to vector<1024x1xf32>
    %min3A_561 = arith.minimumf %sqrt3A_558, %min3A_560 : vector<1024x1xf32>
    %swap3A_562 = arith.constant 0 : index
    %swap3A_563 = arith.constant 28 : index
    %swap3A_564 = vector.load %arg1[%swap3A_562, %swap3A_563] : memref<1024x128xf32, #tpu.memory_space<vmem>>, vector<1024x1xf32>
    tpu.vector_store %arg1[%swap3A_562, %swap3A_563], %min3A_561 {strides = array<i32>} : memref<1024x128xf32, #tpu.memory_space<vmem>>, vector<1024x1xf32>,
    %get3A_565 = arith.constant 0 : index
    %get3A_566 = arith.constant 5120 : index
    %get3A_567 = arith.constant 0 : index
    %get3A_568 = vector.load %arg2[%get3A_565, %get3A_566, %get3A_567] : memref<3x8192x128xf32, #tpu.memory_space<vmem>>, vector<1x1024x128xf32>
    %get3A_569 = vector.shape_cast %get3A_568 : vector<1x1024x128xf32> to vector<1024x128xf32>
    %mul3A_570 = arith.mulf %get3A_569, %get3A_569 : vector<1024x128xf32>
    %reduce_sum3A_571 = arith.constant dense<0.000000e+00> : vector<1024xf32>
    %reduce_sum3A_572 = vector.multi_reduction <add>, %mul3A_570, %reduce_sum3A_571 [1] : vector<1024x128xf32> to vector<1024xf32>
    %broadcast_in_dim3A_573 = vector.shape_cast %reduce_sum3A_572 : vector<1024xf32> to vector<1024x1xf32>
    %sqrt3A_574 = math.sqrt %broadcast_in_dim3A_573 : vector<1024x1xf32>
    %min3A_575 = arith.constant 0.999989986 : f32
    %min3A_576 = vector.broadcast %min3A_575 : f32 to vector<1024x1xf32>
    %min3A_577 = arith.minimumf %sqrt3A_574, %min3A_576 : vector<1024x1xf32>
    %swap3A_578 = arith.constant 0 : index
    %swap3A_579 = arith.constant 29 : index
    %swap3A_580 = vector.load %arg1[%swap3A_578, %swap3A_579] : memref<1024x128xf32, #tpu.memory_space<vmem>>, vector<1024x1xf32>
    tpu.vector_store %arg1[%swap3A_578, %swap3A_579], %min3A_577 {strides = array<i32>} : memref<1024x128xf32, #tpu.memory_space<vmem>>, vector<1024x1xf32>,
    %get3A_581 = arith.constant 0 : index
    %get3A_582 = arith.constant 6144 : index
    %get3A_583 = arith.constant 0 : index
    %get3A_584 = vector.load %arg2[%get3A_581, %get3A_582, %get3A_583] : memref<3x8192x128xf32, #tpu.memory_space<vmem>>, vector<1x1024x128xf32>
    %get3A_585 = vector.shape_cast %get3A_584 : vector<1x1024x128xf32> to vector<1024x128xf32>
    %mul3A_586 = arith.mulf %get3A_585, %get3A_585 : vector<1024x128xf32>
    %reduce_sum3A_587 = arith.constant dense<0.000000e+00> : vector<1024xf32>
    %reduce_sum3A_588 = vector.multi_reduction <add>, %mul3A_586, %reduce_sum3A_587 [1] : vector<1024x128xf32> to vector<1024xf32>
    %broadcast_in_dim3A_589 = vector.shape_cast %reduce_sum3A_588 : vector<1024xf32> to vector<1024x1xf32>
    %sqrt3A_590 = math.sqrt %broadcast_in_dim3A_589 : vector<1024x1xf32>
    %min3A_591 = arith.constant 0.999989986 : f32
    %min3A_592 = vector.broadcast %min3A_591 : f32 to vector<1024x1xf32>
    %min3A_593 = arith.minimumf %sqrt3A_590, %min3A_592 : vector<1024x1xf32>
    %swap3A_594 = arith.constant 0 : index
    %swap3A_595 = arith.constant 30 : index
    %swap3A_596 = vector.load %arg1[%swap3A_594, %swap3A_595] : memref<1024x128xf32, #tpu.memory_space<vmem>>, vector<1024x1xf32>
    tpu.vector_store %arg1[%swap3A_594, %swap3A_595], %min3A_593 {strides = array<i32>} : memref<1024x128xf32, #tpu.memory_space<vmem>>, vector<1024x1xf32>,
    %get3A_597 = arith.constant 0 : index
    %get3A_598 = arith.constant 7168 : index
    %get3A_599 = arith.constant 0 : index
    %get3A_600 = vector.load %arg2[%get3A_597, %get3A_598, %get3A_599] : memref<3x8192x128xf32, #tpu.memory_space<vmem>>, vector<1x1024x128xf32>
    %get3A_601 = vector.shape_cast %get3A_600 : vector<1x1024x128xf32> to vector<1024x128xf32>
    %mul3A_602 = arith.mulf %get3A_601, %get3A_601 : vector<1024x128xf32>
    %reduce_sum3A_603 = arith.constant dense<0.000000e+00> : vector<1024xf32>
    %reduce_sum3A_604 = vector.multi_reduction <add>, %mul3A_602, %reduce_sum3A_603 [1] : vector<1024x128xf32> to vector<1024xf32>
    %broadcast_in_dim3A_605 = vector.shape_cast %reduce_sum3A_604 : vector<1024xf32> to vector<1024x1xf32>
    %sqrt3A_606 = math.sqrt %broadcast_in_dim3A_605 : vector<1024x1xf32>
    %min3A_607 = arith.constant 0.999989986 : f32
    %min3A_608 = vector.broadcast %min3A_607 : f32 to vector<1024x1xf32>
    %min3A_609 = arith.minimumf %sqrt3A_606, %min3A_608 : vector<1024x1xf32>
    %swap3A_610 = arith.constant 0 : index
    %swap3A_611 = arith.constant 31 : index
    %swap3A_612 = vector.load %arg1[%swap3A_610, %swap3A_611] : memref<1024x128xf32, #tpu.memory_space<vmem>>, vector<1024x1xf32>
    tpu.vector_store %arg1[%swap3A_610, %swap3A_611], %min3A_609 {strides = array<i32>} : memref<1024x128xf32, #tpu.memory_space<vmem>>, vector<1024x1xf32>,
    %dma_wait3A_613 = arith.constant 1 : i32
    %dma_wait3A_614 = arith.constant 1 : i32
    %dma_wait3A_615 = tpu.memref_slice %arg3[%dma_wait3A_614] : memref<3x!tpu.dma_semaphore, #tpu.memory_space<semaphore_mem>> -> memref<1x!tpu.dma_semaphore, #tpu.memory_space<semaphore_mem>>
    %dma_wait3A_616 = tpu.memref_squeeze %dma_wait3A_615 : memref<1x!tpu.dma_semaphore, #tpu.memory_space<semaphore_mem>> -> memref<!tpu.dma_semaphore, #tpu.memory_space<semaphore_mem>>
    %dma_wait3A_617 = arith.constant 0 : i32
    %dma_wait3A_618 = arith.constant 0 : i32
    %dma_wait3A_619 = tpu.memref_slice %arg2[%dma_wait3A_613, %dma_wait3A_617, %dma_wait3A_618] : memref<3x8192x128xf32, #tpu.memory_space<vmem>> -> memref<1x8192x128xf32, #tpu.memory_space<vmem>>
    %dma_wait3A_620 = tpu.memref_squeeze %dma_wait3A_619 : memref<1x8192x128xf32, #tpu.memory_space<vmem>> -> memref<8192x128xf32, #tpu.memory_space<vmem>>
    %dma_wait3A_621 = arith.constant 32768 : i32
    %dma_wait3A_622 = arith.constant 0 : i32
    %dma_wait3A_623 = tpu.memref_slice %arg0[%dma_wait3A_621, %dma_wait3A_622] : memref<100000x128xf32, #tpu.memory_space<any>> -> memref<8192x128xf32, #tpu.memory_space<any>>
    tpu.wait_dma2 semaphore(%dma_wait3A_616 : memref<!tpu.dma_semaphore, #tpu.memory_space<semaphore_mem>>) src(%dma_wait3A_623 : memref<8192x128xf32, #tpu.memory_space<any>>) dst(%dma_wait3A_620 : memref<8192x128xf32, #tpu.memory_space<vmem>>)
    %dma_start3A_624 = arith.constant 0 : i32
    %dma_start3A_625 = arith.constant 0 : i32
    %dma_start3A_626 = tpu.memref_slice %arg3[%dma_start3A_625] : memref<3x!tpu.dma_semaphore, #tpu.memory_space<semaphore_mem>> -> memref<1x!tpu.dma_semaphore, #tpu.memory_space<semaphore_mem>>
    %dma_start3A_627 = tpu.memref_squeeze %dma_start3A_626 : memref<1x!tpu.dma_semaphore, #tpu.memory_space<semaphore_mem>> -> memref<!tpu.dma_semaphore, #tpu.memory_space<semaphore_mem>>
    %dma_start3A_628 = arith.constant 0 : i32
    %dma_start3A_629 = arith.constant 0 : i32
    %dma_start3A_630 = tpu.memref_slice %arg2[%dma_start3A_624, %dma_start3A_628, %dma_start3A_629] : memref<3x8192x128xf32, #tpu.memory_space<vmem>> -> memref<1x8192x128xf32, #tpu.memory_space<vmem>>
    %dma_start3A_631 = tpu.memref_squeeze %dma_start3A_630 : memref<1x8192x128xf32, #tpu.memory_space<vmem>> -> memref<8192x128xf32, #tpu.memory_space<vmem>>
    %dma_start3A_632 = arith.constant 49152 : i32
    %dma_start3A_633 = arith.constant 0 : i32
    %dma_start3A_634 = tpu.memref_slice %arg0[%dma_start3A_632, %dma_start3A_633] : memref<100000x128xf32, #tpu.memory_space<any>> -> memref<8192x128xf32, #tpu.memory_space<any>>
    tpu.enqueue_dma source(%dma_start3A_634 : memref<8192x128xf32, #tpu.memory_space<any>>) target(%dma_start3A_631 : memref<8192x128xf32, #tpu.memory_space<vmem>>) target_semaphore(%dma_start3A_627 : memref<!tpu.dma_semaphore, #tpu.memory_space<semaphore_mem>>)
    %get3A_635 = arith.constant 1 : index
    %get3A_636 = arith.constant 0 : index
    %get3A_637 = arith.constant 0 : index
    %get3A_638 = vector.load %arg2[%get3A_635, %get3A_636, %get3A_637] : memref<3x8192x128xf32, #tpu.memory_space<vmem>>, vector<1x1024x128xf32>
    %get3A_639 = vector.shape_cast %get3A_638 : vector<1x1024x128xf32> to vector<1024x128xf32>
    %mul3A_640 = arith.mulf %get3A_639, %get3A_639 : vector<1024x128xf32>
    %reduce_sum3A_641 = arith.constant dense<0.000000e+00> : vector<1024xf32>
    %reduce_sum3A_642 = vector.multi_reduction <add>, %mul3A_640, %reduce_sum3A_641 [1] : vector<1024x128xf32> to vector<1024xf32>
    %broadcast_in_dim3A_643 = vector.shape_cast %reduce_sum3A_642 : vector<1024xf32> to vector<1024x1xf32>
    %sqrt3A_644 = math.sqrt %broadcast_in_dim3A_643 : vector<1024x1xf32>
    %min3A_645 = arith.constant 0.999989986 : f32
    %min3A_646 = vector.broadcast %min3A_645 : f32 to vector<1024x1xf32>
    %min3A_647 = arith.minimumf %sqrt3A_644, %min3A_646 : vector<1024x1xf32>
    %swap3A_648 = arith.constant 0 : index
    %swap3A_649 = arith.constant 32 : index
    %swap3A_650 = vector.load %arg1[%swap3A_648, %swap3A_649] : memref<1024x128xf32, #tpu.memory_space<vmem>>, vector<1024x1xf32>
    tpu.vector_store %arg1[%swap3A_648, %swap3A_649], %min3A_647 {strides = array<i32>} : memref<1024x128xf32, #tpu.memory_space<vmem>>, vector<1024x1xf32>,
    %get3A_651 = arith.constant 1 : index
    %get3A_652 = arith.constant 1024 : index
    %get3A_653 = arith.constant 0 : index
    %get3A_654 = vector.load %arg2[%get3A_651, %get3A_652, %get3A_653] : memref<3x8192x128xf32, #tpu.memory_space<vmem>>, vector<1x1024x128xf32>
    %get3A_655 = vector.shape_cast %get3A_654 : vector<1x1024x128xf32> to vector<1024x128xf32>
    %mul3A_656 = arith.mulf %get3A_655, %get3A_655 : vector<1024x128xf32>
    %reduce_sum3A_657 = arith.constant dense<0.000000e+00> : vector<1024xf32>
    %reduce_sum3A_658 = vector.multi_reduction <add>, %mul3A_656, %reduce_sum3A_657 [1] : vector<1024x128xf32> to vector<1024xf32>
    %broadcast_in_dim3A_659 = vector.shape_cast %reduce_sum3A_658 : vector<1024xf32> to vector<1024x1xf32>
    %sqrt3A_660 = math.sqrt %broadcast_in_dim3A_659 : vector<1024x1xf32>
    %min3A_661 = arith.constant 0.999989986 : f32
    %min3A_662 = vector.broadcast %min3A_661 : f32 to vector<1024x1xf32>
    %min3A_663 = arith.minimumf %sqrt3A_660, %min3A_662 : vector<1024x1xf32>
    %swap3A_664 = arith.constant 0 : index
    %swap3A_665 = arith.constant 33 : index
    %swap3A_666 = vector.load %arg1[%swap3A_664, %swap3A_665] : memref<1024x128xf32, #tpu.memory_space<vmem>>, vector<1024x1xf32>
    tpu.vector_store %arg1[%swap3A_664, %swap3A_665], %min3A_663 {strides = array<i32>} : memref<1024x128xf32, #tpu.memory_space<vmem>>, vector<1024x1xf32>,
    %get3A_667 = arith.constant 1 : index
    %get3A_668 = arith.constant 2048 : index
    %get3A_669 = arith.constant 0 : index
    %get3A_670 = vector.load %arg2[%get3A_667, %get3A_668, %get3A_669] : memref<3x8192x128xf32, #tpu.memory_space<vmem>>, vector<1x1024x128xf32>
    %get3A_671 = vector.shape_cast %get3A_670 : vector<1x1024x128xf32> to vector<1024x128xf32>
    %mul3A_672 = arith.mulf %get3A_671, %get3A_671 : vector<1024x128xf32>
    %reduce_sum3A_673 = arith.constant dense<0.000000e+00> : vector<1024xf32>
    %reduce_sum3A_674 = vector.multi_reduction <add>, %mul3A_672, %reduce_sum3A_673 [1] : vector<1024x128xf32> to vector<1024xf32>
    %broadcast_in_dim3A_675 = vector.shape_cast %reduce_sum3A_674 : vector<1024xf32> to vector<1024x1xf32>
    %sqrt3A_676 = math.sqrt %broadcast_in_dim3A_675 : vector<1024x1xf32>
    %min3A_677 = arith.constant 0.999989986 : f32
    %min3A_678 = vector.broadcast %min3A_677 : f32 to vector<1024x1xf32>
    %min3A_679 = arith.minimumf %sqrt3A_676, %min3A_678 : vector<1024x1xf32>
    %swap3A_680 = arith.constant 0 : index
    %swap3A_681 = arith.constant 34 : index
    %swap3A_682 = vector.load %arg1[%swap3A_680, %swap3A_681] : memref<1024x128xf32, #tpu.memory_space<vmem>>, vector<1024x1xf32>
    tpu.vector_store %arg1[%swap3A_680, %swap3A_681], %min3A_679 {strides = array<i32>} : memref<1024x128xf32, #tpu.memory_space<vmem>>, vector<1024x1xf32>,
    %get3A_683 = arith.constant 1 : index
    %get3A_684 = arith.constant 3072 : index
    %get3A_685 = arith.constant 0 : index
    %get3A_686 = vector.load %arg2[%get3A_683, %get3A_684, %get3A_685] : memref<3x8192x128xf32, #tpu.memory_space<vmem>>, vector<1x1024x128xf32>
    %get3A_687 = vector.shape_cast %get3A_686 : vector<1x1024x128xf32> to vector<1024x128xf32>
    %mul3A_688 = arith.mulf %get3A_687, %get3A_687 : vector<1024x128xf32>
    %reduce_sum3A_689 = arith.constant dense<0.000000e+00> : vector<1024xf32>
    %reduce_sum3A_690 = vector.multi_reduction <add>, %mul3A_688, %reduce_sum3A_689 [1] : vector<1024x128xf32> to vector<1024xf32>
    %broadcast_in_dim3A_691 = vector.shape_cast %reduce_sum3A_690 : vector<1024xf32> to vector<1024x1xf32>
    %sqrt3A_692 = math.sqrt %broadcast_in_dim3A_691 : vector<1024x1xf32>
    %min3A_693 = arith.constant 0.999989986 : f32
    %min3A_694 = vector.broadcast %min3A_693 : f32 to vector<1024x1xf32>
    %min3A_695 = arith.minimumf %sqrt3A_692, %min3A_694 : vector<1024x1xf32>
    %swap3A_696 = arith.constant 0 : index
    %swap3A_697 = arith.constant 35 : index
    %swap3A_698 = vector.load %arg1[%swap3A_696, %swap3A_697] : memref<1024x128xf32, #tpu.memory_space<vmem>>, vector<1024x1xf32>
    tpu.vector_store %arg1[%swap3A_696, %swap3A_697], %min3A_695 {strides = array<i32>} : memref<1024x128xf32, #tpu.memory_space<vmem>>, vector<1024x1xf32>,
    %get3A_699 = arith.constant 1 : index
    %get3A_700 = arith.constant 4096 : index
    %get3A_701 = arith.constant 0 : index
    %get3A_702 = vector.load %arg2[%get3A_699, %get3A_700, %get3A_701] : memref<3x8192x128xf32, #tpu.memory_space<vmem>>, vector<1x1024x128xf32>
    %get3A_703 = vector.shape_cast %get3A_702 : vector<1x1024x128xf32> to vector<1024x128xf32>
    %mul3A_704 = arith.mulf %get3A_703, %get3A_703 : vector<1024x128xf32>
    %reduce_sum3A_705 = arith.constant dense<0.000000e+00> : vector<1024xf32>
    %reduce_sum3A_706 = vector.multi_reduction <add>, %mul3A_704, %reduce_sum3A_705 [1] : vector<1024x128xf32> to vector<1024xf32>
    %broadcast_in_dim3A_707 = vector.shape_cast %reduce_sum3A_706 : vector<1024xf32> to vector<1024x1xf32>
    %sqrt3A_708 = math.sqrt %broadcast_in_dim3A_707 : vector<1024x1xf32>
    %min3A_709 = arith.constant 0.999989986 : f32
    %min3A_710 = vector.broadcast %min3A_709 : f32 to vector<1024x1xf32>
    %min3A_711 = arith.minimumf %sqrt3A_708, %min3A_710 : vector<1024x1xf32>
    %swap3A_712 = arith.constant 0 : index
    %swap3A_713 = arith.constant 36 : index
    %swap3A_714 = vector.load %arg1[%swap3A_712, %swap3A_713] : memref<1024x128xf32, #tpu.memory_space<vmem>>, vector<1024x1xf32>
    tpu.vector_store %arg1[%swap3A_712, %swap3A_713], %min3A_711 {strides = array<i32>} : memref<1024x128xf32, #tpu.memory_space<vmem>>, vector<1024x1xf32>,
    %get3A_715 = arith.constant 1 : index
    %get3A_716 = arith.constant 5120 : index
    %get3A_717 = arith.constant 0 : index
    %get3A_718 = vector.load %arg2[%get3A_715, %get3A_716, %get3A_717] : memref<3x8192x128xf32, #tpu.memory_space<vmem>>, vector<1x1024x128xf32>
    %get3A_719 = vector.shape_cast %get3A_718 : vector<1x1024x128xf32> to vector<1024x128xf32>
    %mul3A_720 = arith.mulf %get3A_719, %get3A_719 : vector<1024x128xf32>
    %reduce_sum3A_721 = arith.constant dense<0.000000e+00> : vector<1024xf32>
    %reduce_sum3A_722 = vector.multi_reduction <add>, %mul3A_720, %reduce_sum3A_721 [1] : vector<1024x128xf32> to vector<1024xf32>
    %broadcast_in_dim3A_723 = vector.shape_cast %reduce_sum3A_722 : vector<1024xf32> to vector<1024x1xf32>
    %sqrt3A_724 = math.sqrt %broadcast_in_dim3A_723 : vector<1024x1xf32>
    %min3A_725 = arith.constant 0.999989986 : f32
    %min3A_726 = vector.broadcast %min3A_725 : f32 to vector<1024x1xf32>
    %min3A_727 = arith.minimumf %sqrt3A_724, %min3A_726 : vector<1024x1xf32>
    %swap3A_728 = arith.constant 0 : index
    %swap3A_729 = arith.constant 37 : index
    %swap3A_730 = vector.load %arg1[%swap3A_728, %swap3A_729] : memref<1024x128xf32, #tpu.memory_space<vmem>>, vector<1024x1xf32>
    tpu.vector_store %arg1[%swap3A_728, %swap3A_729], %min3A_727 {strides = array<i32>} : memref<1024x128xf32, #tpu.memory_space<vmem>>, vector<1024x1xf32>,
    %get3A_731 = arith.constant 1 : index
    %get3A_732 = arith.constant 6144 : index
    %get3A_733 = arith.constant 0 : index
    %get3A_734 = vector.load %arg2[%get3A_731, %get3A_732, %get3A_733] : memref<3x8192x128xf32, #tpu.memory_space<vmem>>, vector<1x1024x128xf32>
    %get3A_735 = vector.shape_cast %get3A_734 : vector<1x1024x128xf32> to vector<1024x128xf32>
    %mul3A_736 = arith.mulf %get3A_735, %get3A_735 : vector<1024x128xf32>
    %reduce_sum3A_737 = arith.constant dense<0.000000e+00> : vector<1024xf32>
    %reduce_sum3A_738 = vector.multi_reduction <add>, %mul3A_736, %reduce_sum3A_737 [1] : vector<1024x128xf32> to vector<1024xf32>
    %broadcast_in_dim3A_739 = vector.shape_cast %reduce_sum3A_738 : vector<1024xf32> to vector<1024x1xf32>
    %sqrt3A_740 = math.sqrt %broadcast_in_dim3A_739 : vector<1024x1xf32>
    %min3A_741 = arith.constant 0.999989986 : f32
    %min3A_742 = vector.broadcast %min3A_741 : f32 to vector<1024x1xf32>
    %min3A_743 = arith.minimumf %sqrt3A_740, %min3A_742 : vector<1024x1xf32>
    %swap3A_744 = arith.constant 0 : index
    %swap3A_745 = arith.constant 38 : index
    %swap3A_746 = vector.load %arg1[%swap3A_744, %swap3A_745] : memref<1024x128xf32, #tpu.memory_space<vmem>>, vector<1024x1xf32>
    tpu.vector_store %arg1[%swap3A_744, %swap3A_745], %min3A_743 {strides = array<i32>} : memref<1024x128xf32, #tpu.memory_space<vmem>>, vector<1024x1xf32>,
    %get3A_747 = arith.constant 1 : index
    %get3A_748 = arith.constant 7168 : index
    %get3A_749 = arith.constant 0 : index
    %get3A_750 = vector.load %arg2[%get3A_747, %get3A_748, %get3A_749] : memref<3x8192x128xf32, #tpu.memory_space<vmem>>, vector<1x1024x128xf32>
    %get3A_751 = vector.shape_cast %get3A_750 : vector<1x1024x128xf32> to vector<1024x128xf32>
    %mul3A_752 = arith.mulf %get3A_751, %get3A_751 : vector<1024x128xf32>
    %reduce_sum3A_753 = arith.constant dense<0.000000e+00> : vector<1024xf32>
    %reduce_sum3A_754 = vector.multi_reduction <add>, %mul3A_752, %reduce_sum3A_753 [1] : vector<1024x128xf32> to vector<1024xf32>
    %broadcast_in_dim3A_755 = vector.shape_cast %reduce_sum3A_754 : vector<1024xf32> to vector<1024x1xf32>
    %sqrt3A_756 = math.sqrt %broadcast_in_dim3A_755 : vector<1024x1xf32>
    %min3A_757 = arith.constant 0.999989986 : f32
    %min3A_758 = vector.broadcast %min3A_757 : f32 to vector<1024x1xf32>
    %min3A_759 = arith.minimumf %sqrt3A_756, %min3A_758 : vector<1024x1xf32>
    %swap3A_760 = arith.constant 0 : index
    %swap3A_761 = arith.constant 39 : index
    %swap3A_762 = vector.load %arg1[%swap3A_760, %swap3A_761] : memref<1024x128xf32, #tpu.memory_space<vmem>>, vector<1024x1xf32>
    tpu.vector_store %arg1[%swap3A_760, %swap3A_761], %min3A_759 {strides = array<i32>} : memref<1024x128xf32, #tpu.memory_space<vmem>>, vector<1024x1xf32>,
    %dma_wait3A_763 = arith.constant 2 : i32
    %dma_wait3A_764 = arith.constant 2 : i32
    %dma_wait3A_765 = tpu.memref_slice %arg3[%dma_wait3A_764] : memref<3x!tpu.dma_semaphore, #tpu.memory_space<semaphore_mem>> -> memref<1x!tpu.dma_semaphore, #tpu.memory_space<semaphore_mem>>
    %dma_wait3A_766 = tpu.memref_squeeze %dma_wait3A_765 : memref<1x!tpu.dma_semaphore, #tpu.memory_space<semaphore_mem>> -> memref<!tpu.dma_semaphore, #tpu.memory_space<semaphore_mem>>
    %dma_wait3A_767 = arith.constant 0 : i32
    %dma_wait3A_768 = arith.constant 0 : i32
    %dma_wait3A_769 = tpu.memref_slice %arg2[%dma_wait3A_763, %dma_wait3A_767, %dma_wait3A_768] : memref<3x8192x128xf32, #tpu.memory_space<vmem>> -> memref<1x8192x128xf32, #tpu.memory_space<vmem>>
    %dma_wait3A_770 = tpu.memref_squeeze %dma_wait3A_769 : memref<1x8192x128xf32, #tpu.memory_space<vmem>> -> memref<8192x128xf32, #tpu.memory_space<vmem>>
    %dma_wait3A_771 = arith.constant 40960 : i32
    %dma_wait3A_772 = arith.constant 0 : i32
    %dma_wait3A_773 = tpu.memref_slice %arg0[%dma_wait3A_771, %dma_wait3A_772] : memref<100000x128xf32, #tpu.memory_space<any>> -> memref<8192x128xf32, #tpu.memory_space<any>>
    tpu.wait_dma2 semaphore(%dma_wait3A_766 : memref<!tpu.dma_semaphore, #tpu.memory_space<semaphore_mem>>) src(%dma_wait3A_773 : memref<8192x128xf32, #tpu.memory_space<any>>) dst(%dma_wait3A_770 : memref<8192x128xf32, #tpu.memory_space<vmem>>)
    %dma_start3A_774 = arith.constant 1 : i32
    %dma_start3A_775 = arith.constant 1 : i32
    %dma_start3A_776 = tpu.memref_slice %arg3[%dma_start3A_775] : memref<3x!tpu.dma_semaphore, #tpu.memory_space<semaphore_mem>> -> memref<1x!tpu.dma_semaphore, #tpu.memory_space<semaphore_mem>>
    %dma_start3A_777 = tpu.memref_squeeze %dma_start3A_776 : memref<1x!tpu.dma_semaphore, #tpu.memory_space<semaphore_mem>> -> memref<!tpu.dma_semaphore, #tpu.memory_space<semaphore_mem>>
    %dma_start3A_778 = arith.constant 0 : i32
    %dma_start3A_779 = arith.constant 0 : i32
    %dma_start3A_780 = tpu.memref_slice %arg2[%dma_start3A_774, %dma_start3A_778, %dma_start3A_779] : memref<3x8192x128xf32, #tpu.memory_space<vmem>> -> memref<1x8192x128xf32, #tpu.memory_space<vmem>>
    %dma_start3A_781 = tpu.memref_squeeze %dma_start3A_780 : memref<1x8192x128xf32, #tpu.memory_space<vmem>> -> memref<8192x128xf32, #tpu.memory_space<vmem>>
    %dma_start3A_782 = arith.constant 57344 : i32
    %dma_start3A_783 = arith.constant 0 : i32
    %dma_start3A_784 = tpu.memref_slice %arg0[%dma_start3A_782, %dma_start3A_783] : memref<100000x128xf32, #tpu.memory_space<any>> -> memref<8192x128xf32, #tpu.memory_space<any>>
    tpu.enqueue_dma source(%dma_start3A_784 : memref<8192x128xf32, #tpu.memory_space<any>>) target(%dma_start3A_781 : memref<8192x128xf32, #tpu.memory_space<vmem>>) target_semaphore(%dma_start3A_777 : memref<!tpu.dma_semaphore, #tpu.memory_space<semaphore_mem>>)
    %get3A_785 = arith.constant 2 : index
    %get3A_786 = arith.constant 0 : index
    %get3A_787 = arith.constant 0 : index
    %get3A_788 = vector.load %arg2[%get3A_785, %get3A_786, %get3A_787] : memref<3x8192x128xf32, #tpu.memory_space<vmem>>, vector<1x1024x128xf32>
    %get3A_789 = vector.shape_cast %get3A_788 : vector<1x1024x128xf32> to vector<1024x128xf32>
    %mul3A_790 = arith.mulf %get3A_789, %get3A_789 : vector<1024x128xf32>
    %reduce_sum3A_791 = arith.constant dense<0.000000e+00> : vector<1024xf32>
    %reduce_sum3A_792 = vector.multi_reduction <add>, %mul3A_790, %reduce_sum3A_791 [1] : vector<1024x128xf32> to vector<1024xf32>
    %broadcast_in_dim3A_793 = vector.shape_cast %reduce_sum3A_792 : vector<1024xf32> to vector<1024x1xf32>
    %sqrt3A_794 = math.sqrt %broadcast_in_dim3A_793 : vector<1024x1xf32>
    %min3A_795 = arith.constant 0.999989986 : f32
    %min3A_796 = vector.broadcast %min3A_795 : f32 to vector<1024x1xf32>
    %min3A_797 = arith.minimumf %sqrt3A_794, %min3A_796 : vector<1024x1xf32>
    %swap3A_798 = arith.constant 0 : index
    %swap3A_799 = arith.constant 40 : index
    %swap3A_800 = vector.load %arg1[%swap3A_798, %swap3A_799] : memref<1024x128xf32, #tpu.memory_space<vmem>>, vector<1024x1xf32>
    tpu.vector_store %arg1[%swap3A_798, %swap3A_799], %min3A_797 {strides = array<i32>} : memref<1024x128xf32, #tpu.memory_space<vmem>>, vector<1024x1xf32>,
    %get3A_801 = arith.constant 2 : index
    %get3A_802 = arith.constant 1024 : index
    %get3A_803 = arith.constant 0 : index
    %get3A_804 = vector.load %arg2[%get3A_801, %get3A_802, %get3A_803] : memref<3x8192x128xf32, #tpu.memory_space<vmem>>, vector<1x1024x128xf32>
    %get3A_805 = vector.shape_cast %get3A_804 : vector<1x1024x128xf32> to vector<1024x128xf32>
    %mul3A_806 = arith.mulf %get3A_805, %get3A_805 : vector<1024x128xf32>
    %reduce_sum3A_807 = arith.constant dense<0.000000e+00> : vector<1024xf32>
    %reduce_sum3A_808 = vector.multi_reduction <add>, %mul3A_806, %reduce_sum3A_807 [1] : vector<1024x128xf32> to vector<1024xf32>
    %broadcast_in_dim3A_809 = vector.shape_cast %reduce_sum3A_808 : vector<1024xf32> to vector<1024x1xf32>
    %sqrt3A_810 = math.sqrt %broadcast_in_dim3A_809 : vector<1024x1xf32>
    %min3A_811 = arith.constant 0.999989986 : f32
    %min3A_812 = vector.broadcast %min3A_811 : f32 to vector<1024x1xf32>
    %min3A_813 = arith.minimumf %sqrt3A_810, %min3A_812 : vector<1024x1xf32>
    %swap3A_814 = arith.constant 0 : index
    %swap3A_815 = arith.constant 41 : index
    %swap3A_816 = vector.load %arg1[%swap3A_814, %swap3A_815] : memref<1024x128xf32, #tpu.memory_space<vmem>>, vector<1024x1xf32>
    tpu.vector_store %arg1[%swap3A_814, %swap3A_815], %min3A_813 {strides = array<i32>} : memref<1024x128xf32, #tpu.memory_space<vmem>>, vector<1024x1xf32>,
    %get3A_817 = arith.constant 2 : index
    %get3A_818 = arith.constant 2048 : index
    %get3A_819 = arith.constant 0 : index
    %get3A_820 = vector.load %arg2[%get3A_817, %get3A_818, %get3A_819] : memref<3x8192x128xf32, #tpu.memory_space<vmem>>, vector<1x1024x128xf32>
    %get3A_821 = vector.shape_cast %get3A_820 : vector<1x1024x128xf32> to vector<1024x128xf32>
    %mul3A_822 = arith.mulf %get3A_821, %get3A_821 : vector<1024x128xf32>
    %reduce_sum3A_823 = arith.constant dense<0.000000e+00> : vector<1024xf32>
    %reduce_sum3A_824 = vector.multi_reduction <add>, %mul3A_822, %reduce_sum3A_823 [1] : vector<1024x128xf32> to vector<1024xf32>
    %broadcast_in_dim3A_825 = vector.shape_cast %reduce_sum3A_824 : vector<1024xf32> to vector<1024x1xf32>
    %sqrt3A_826 = math.sqrt %broadcast_in_dim3A_825 : vector<1024x1xf32>
    %min3A_827 = arith.constant 0.999989986 : f32
    %min3A_828 = vector.broadcast %min3A_827 : f32 to vector<1024x1xf32>
    %min3A_829 = arith.minimumf %sqrt3A_826, %min3A_828 : vector<1024x1xf32>
    %swap3A_830 = arith.constant 0 : index
    %swap3A_831 = arith.constant 42 : index
    %swap3A_832 = vector.load %arg1[%swap3A_830, %swap3A_831] : memref<1024x128xf32, #tpu.memory_space<vmem>>, vector<1024x1xf32>
    tpu.vector_store %arg1[%swap3A_830, %swap3A_831], %min3A_829 {strides = array<i32>} : memref<1024x128xf32, #tpu.memory_space<vmem>>, vector<1024x1xf32>,
    %get3A_833 = arith.constant 2 : index
    %get3A_834 = arith.constant 3072 : index
    %get3A_835 = arith.constant 0 : index
    %get3A_836 = vector.load %arg2[%get3A_833, %get3A_834, %get3A_835] : memref<3x8192x128xf32, #tpu.memory_space<vmem>>, vector<1x1024x128xf32>
    %get3A_837 = vector.shape_cast %get3A_836 : vector<1x1024x128xf32> to vector<1024x128xf32>
    %mul3A_838 = arith.mulf %get3A_837, %get3A_837 : vector<1024x128xf32>
    %reduce_sum3A_839 = arith.constant dense<0.000000e+00> : vector<1024xf32>
    %reduce_sum3A_840 = vector.multi_reduction <add>, %mul3A_838, %reduce_sum3A_839 [1] : vector<1024x128xf32> to vector<1024xf32>
    %broadcast_in_dim3A_841 = vector.shape_cast %reduce_sum3A_840 : vector<1024xf32> to vector<1024x1xf32>
    %sqrt3A_842 = math.sqrt %broadcast_in_dim3A_841 : vector<1024x1xf32>
    %min3A_843 = arith.constant 0.999989986 : f32
    %min3A_844 = vector.broadcast %min3A_843 : f32 to vector<1024x1xf32>
    %min3A_845 = arith.minimumf %sqrt3A_842, %min3A_844 : vector<1024x1xf32>
    %swap3A_846 = arith.constant 0 : index
    %swap3A_847 = arith.constant 43 : index
    %swap3A_848 = vector.load %arg1[%swap3A_846, %swap3A_847] : memref<1024x128xf32, #tpu.memory_space<vmem>>, vector<1024x1xf32>
    tpu.vector_store %arg1[%swap3A_846, %swap3A_847], %min3A_845 {strides = array<i32>} : memref<1024x128xf32, #tpu.memory_space<vmem>>, vector<1024x1xf32>,
    %get3A_849 = arith.constant 2 : index
    %get3A_850 = arith.constant 4096 : index
    %get3A_851 = arith.constant 0 : index
    %get3A_852 = vector.load %arg2[%get3A_849, %get3A_850, %get3A_851] : memref<3x8192x128xf32, #tpu.memory_space<vmem>>, vector<1x1024x128xf32>
    %get3A_853 = vector.shape_cast %get3A_852 : vector<1x1024x128xf32> to vector<1024x128xf32>
    %mul3A_854 = arith.mulf %get3A_853, %get3A_853 : vector<1024x128xf32>
    %reduce_sum3A_855 = arith.constant dense<0.000000e+00> : vector<1024xf32>
    %reduce_sum3A_856 = vector.multi_reduction <add>, %mul3A_854, %reduce_sum3A_855 [1] : vector<1024x128xf32> to vector<1024xf32>
    %broadcast_in_dim3A_857 = vector.shape_cast %reduce_sum3A_856 : vector<1024xf32> to vector<1024x1xf32>
    %sqrt3A_858 = math.sqrt %broadcast_in_dim3A_857 : vector<1024x1xf32>
    %min3A_859 = arith.constant 0.999989986 : f32
    %min3A_860 = vector.broadcast %min3A_859 : f32 to vector<1024x1xf32>
    %min3A_861 = arith.minimumf %sqrt3A_858, %min3A_860 : vector<1024x1xf32>
    %swap3A_862 = arith.constant 0 : index
    %swap3A_863 = arith.constant 44 : index
    %swap3A_864 = vector.load %arg1[%swap3A_862, %swap3A_863] : memref<1024x128xf32, #tpu.memory_space<vmem>>, vector<1024x1xf32>
    tpu.vector_store %arg1[%swap3A_862, %swap3A_863], %min3A_861 {strides = array<i32>} : memref<1024x128xf32, #tpu.memory_space<vmem>>, vector<1024x1xf32>,
    %get3A_865 = arith.constant 2 : index
    %get3A_866 = arith.constant 5120 : index
    %get3A_867 = arith.constant 0 : index
    %get3A_868 = vector.load %arg2[%get3A_865, %get3A_866, %get3A_867] : memref<3x8192x128xf32, #tpu.memory_space<vmem>>, vector<1x1024x128xf32>
    %get3A_869 = vector.shape_cast %get3A_868 : vector<1x1024x128xf32> to vector<1024x128xf32>
    %mul3A_870 = arith.mulf %get3A_869, %get3A_869 : vector<1024x128xf32>
    %reduce_sum3A_871 = arith.constant dense<0.000000e+00> : vector<1024xf32>
    %reduce_sum3A_872 = vector.multi_reduction <add>, %mul3A_870, %reduce_sum3A_871 [1] : vector<1024x128xf32> to vector<1024xf32>
    %broadcast_in_dim3A_873 = vector.shape_cast %reduce_sum3A_872 : vector<1024xf32> to vector<1024x1xf32>
    %sqrt3A_874 = math.sqrt %broadcast_in_dim3A_873 : vector<1024x1xf32>
    %min3A_875 = arith.constant 0.999989986 : f32
    %min3A_876 = vector.broadcast %min3A_875 : f32 to vector<1024x1xf32>
    %min3A_877 = arith.minimumf %sqrt3A_874, %min3A_876 : vector<1024x1xf32>
    %swap3A_878 = arith.constant 0 : index
    %swap3A_879 = arith.constant 45 : index
    %swap3A_880 = vector.load %arg1[%swap3A_878, %swap3A_879] : memref<1024x128xf32, #tpu.memory_space<vmem>>, vector<1024x1xf32>
    tpu.vector_store %arg1[%swap3A_878, %swap3A_879], %min3A_877 {strides = array<i32>} : memref<1024x128xf32, #tpu.memory_space<vmem>>, vector<1024x1xf32>,
    %get3A_881 = arith.constant 2 : index
    %get3A_882 = arith.constant 6144 : index
    %get3A_883 = arith.constant 0 : index
    %get3A_884 = vector.load %arg2[%get3A_881, %get3A_882, %get3A_883] : memref<3x8192x128xf32, #tpu.memory_space<vmem>>, vector<1x1024x128xf32>
    %get3A_885 = vector.shape_cast %get3A_884 : vector<1x1024x128xf32> to vector<1024x128xf32>
    %mul3A_886 = arith.mulf %get3A_885, %get3A_885 : vector<1024x128xf32>
    %reduce_sum3A_887 = arith.constant dense<0.000000e+00> : vector<1024xf32>
    %reduce_sum3A_888 = vector.multi_reduction <add>, %mul3A_886, %reduce_sum3A_887 [1] : vector<1024x128xf32> to vector<1024xf32>
    %broadcast_in_dim3A_889 = vector.shape_cast %reduce_sum3A_888 : vector<1024xf32> to vector<1024x1xf32>
    %sqrt3A_890 = math.sqrt %broadcast_in_dim3A_889 : vector<1024x1xf32>
    %min3A_891 = arith.constant 0.999989986 : f32
    %min3A_892 = vector.broadcast %min3A_891 : f32 to vector<1024x1xf32>
    %min3A_893 = arith.minimumf %sqrt3A_890, %min3A_892 : vector<1024x1xf32>
    %swap3A_894 = arith.constant 0 : index
    %swap3A_895 = arith.constant 46 : index
    %swap3A_896 = vector.load %arg1[%swap3A_894, %swap3A_895] : memref<1024x128xf32, #tpu.memory_space<vmem>>, vector<1024x1xf32>
    tpu.vector_store %arg1[%swap3A_894, %swap3A_895], %min3A_893 {strides = array<i32>} : memref<1024x128xf32, #tpu.memory_space<vmem>>, vector<1024x1xf32>,
    %get3A_897 = arith.constant 2 : index
    %get3A_898 = arith.constant 7168 : index
    %get3A_899 = arith.constant 0 : index
    %get3A_900 = vector.load %arg2[%get3A_897, %get3A_898, %get3A_899] : memref<3x8192x128xf32, #tpu.memory_space<vmem>>, vector<1x1024x128xf32>
    %get3A_901 = vector.shape_cast %get3A_900 : vector<1x1024x128xf32> to vector<1024x128xf32>
    %mul3A_902 = arith.mulf %get3A_901, %get3A_901 : vector<1024x128xf32>
    %reduce_sum3A_903 = arith.constant dense<0.000000e+00> : vector<1024xf32>
    %reduce_sum3A_904 = vector.multi_reduction <add>, %mul3A_902, %reduce_sum3A_903 [1] : vector<1024x128xf32> to vector<1024xf32>
    %broadcast_in_dim3A_905 = vector.shape_cast %reduce_sum3A_904 : vector<1024xf32> to vector<1024x1xf32>
    %sqrt3A_906 = math.sqrt %broadcast_in_dim3A_905 : vector<1024x1xf32>
    %min3A_907 = arith.constant 0.999989986 : f32
    %min3A_908 = vector.broadcast %min3A_907 : f32 to vector<1024x1xf32>
    %min3A_909 = arith.minimumf %sqrt3A_906, %min3A_908 : vector<1024x1xf32>
    %swap3A_910 = arith.constant 0 : index
    %swap3A_911 = arith.constant 47 : index
    %swap3A_912 = vector.load %arg1[%swap3A_910, %swap3A_911] : memref<1024x128xf32, #tpu.memory_space<vmem>>, vector<1024x1xf32>
    tpu.vector_store %arg1[%swap3A_910, %swap3A_911], %min3A_909 {strides = array<i32>} : memref<1024x128xf32, #tpu.memory_space<vmem>>, vector<1024x1xf32>,
    %dma_wait3A_913 = arith.constant 0 : i32
    %dma_wait3A_914 = arith.constant 0 : i32
    %dma_wait3A_915 = tpu.memref_slice %arg3[%dma_wait3A_914] : memref<3x!tpu.dma_semaphore, #tpu.memory_space<semaphore_mem>> -> memref<1x!tpu.dma_semaphore, #tpu.memory_space<semaphore_mem>>
    %dma_wait3A_916 = tpu.memref_squeeze %dma_wait3A_915 : memref<1x!tpu.dma_semaphore, #tpu.memory_space<semaphore_mem>> -> memref<!tpu.dma_semaphore, #tpu.memory_space<semaphore_mem>>
    %dma_wait3A_917 = arith.constant 0 : i32
    %dma_wait3A_918 = arith.constant 0 : i32
    %dma_wait3A_919 = tpu.memref_slice %arg2[%dma_wait3A_913, %dma_wait3A_917, %dma_wait3A_918] : memref<3x8192x128xf32, #tpu.memory_space<vmem>> -> memref<1x8192x128xf32, #tpu.memory_space<vmem>>
    %dma_wait3A_920 = tpu.memref_squeeze %dma_wait3A_919 : memref<1x8192x128xf32, #tpu.memory_space<vmem>> -> memref<8192x128xf32, #tpu.memory_space<vmem>>
    %dma_wait3A_921 = arith.constant 49152 : i32
    %dma_wait3A_922 = arith.constant 0 : i32
    %dma_wait3A_923 = tpu.memref_slice %arg0[%dma_wait3A_921, %dma_wait3A_922] : memref<100000x128xf32, #tpu.memory_space<any>> -> memref<8192x128xf32, #tpu.memory_space<any>>
    tpu.wait_dma2 semaphore(%dma_wait3A_916 : memref<!tpu.dma_semaphore, #tpu.memory_space<semaphore_mem>>) src(%dma_wait3A_923 : memref<8192x128xf32, #tpu.memory_space<any>>) dst(%dma_wait3A_920 : memref<8192x128xf32, #tpu.memory_space<vmem>>)
    %dma_start3A_924 = arith.constant 2 : i32
    %dma_start3A_925 = arith.constant 2 : i32
    %dma_start3A_926 = tpu.memref_slice %arg3[%dma_start3A_925] : memref<3x!tpu.dma_semaphore, #tpu.memory_space<semaphore_mem>> -> memref<1x!tpu.dma_semaphore, #tpu.memory_space<semaphore_mem>>
    %dma_start3A_927 = tpu.memref_squeeze %dma_start3A_926 : memref<1x!tpu.dma_semaphore, #tpu.memory_space<semaphore_mem>> -> memref<!tpu.dma_semaphore, #tpu.memory_space<semaphore_mem>>
    %dma_start3A_928 = arith.constant 0 : i32
    %dma_start3A_929 = arith.constant 0 : i32
    %dma_start3A_930 = tpu.memref_slice %arg2[%dma_start3A_924, %dma_start3A_928, %dma_start3A_929] : memref<3x8192x128xf32, #tpu.memory_space<vmem>> -> memref<1x8192x128xf32, #tpu.memory_space<vmem>>
    %dma_start3A_931 = tpu.memref_squeeze %dma_start3A_930 : memref<1x8192x128xf32, #tpu.memory_space<vmem>> -> memref<8192x128xf32, #tpu.memory_space<vmem>>
    %dma_start3A_932 = arith.constant 65536 : i32
    %dma_start3A_933 = arith.constant 0 : i32
    %dma_start3A_934 = tpu.memref_slice %arg0[%dma_start3A_932, %dma_start3A_933] : memref<100000x128xf32, #tpu.memory_space<any>> -> memref<8192x128xf32, #tpu.memory_space<any>>
    tpu.enqueue_dma source(%dma_start3A_934 : memref<8192x128xf32, #tpu.memory_space<any>>) target(%dma_start3A_931 : memref<8192x128xf32, #tpu.memory_space<vmem>>) target_semaphore(%dma_start3A_927 : memref<!tpu.dma_semaphore, #tpu.memory_space<semaphore_mem>>)
    %get3A_935 = arith.constant 0 : index
    %get3A_936 = arith.constant 0 : index
    %get3A_937 = arith.constant 0 : index
    %get3A_938 = vector.load %arg2[%get3A_935, %get3A_936, %get3A_937] : memref<3x8192x128xf32, #tpu.memory_space<vmem>>, vector<1x1024x128xf32>
    %get3A_939 = vector.shape_cast %get3A_938 : vector<1x1024x128xf32> to vector<1024x128xf32>
    %mul3A_940 = arith.mulf %get3A_939, %get3A_939 : vector<1024x128xf32>
    %reduce_sum3A_941 = arith.constant dense<0.000000e+00> : vector<1024xf32>
    %reduce_sum3A_942 = vector.multi_reduction <add>, %mul3A_940, %reduce_sum3A_941 [1] : vector<1024x128xf32> to vector<1024xf32>
    %broadcast_in_dim3A_943 = vector.shape_cast %reduce_sum3A_942 : vector<1024xf32> to vector<1024x1xf32>
    %sqrt3A_944 = math.sqrt %broadcast_in_dim3A_943 : vector<1024x1xf32>
    %min3A_945 = arith.constant 0.999989986 : f32
    %min3A_946 = vector.broadcast %min3A_945 : f32 to vector<1024x1xf32>
    %min3A_947 = arith.minimumf %sqrt3A_944, %min3A_946 : vector<1024x1xf32>
    %swap3A_948 = arith.constant 0 : index
    %swap3A_949 = arith.constant 48 : index
    %swap3A_950 = vector.load %arg1[%swap3A_948, %swap3A_949] : memref<1024x128xf32, #tpu.memory_space<vmem>>, vector<1024x1xf32>
    tpu.vector_store %arg1[%swap3A_948, %swap3A_949], %min3A_947 {strides = array<i32>} : memref<1024x128xf32, #tpu.memory_space<vmem>>, vector<1024x1xf32>,
    %get3A_951 = arith.constant 0 : index
    %get3A_952 = arith.constant 1024 : index
    %get3A_953 = arith.constant 0 : index
    %get3A_954 = vector.load %arg2[%get3A_951, %get3A_952, %get3A_953] : memref<3x8192x128xf32, #tpu.memory_space<vmem>>, vector<1x1024x128xf32>
    %get3A_955 = vector.shape_cast %get3A_954 : vector<1x1024x128xf32> to vector<1024x128xf32>
    %mul3A_956 = arith.mulf %get3A_955, %get3A_955 : vector<1024x128xf32>
    %reduce_sum3A_957 = arith.constant dense<0.000000e+00> : vector<1024xf32>
    %reduce_sum3A_958 = vector.multi_reduction <add>, %mul3A_956, %reduce_sum3A_957 [1] : vector<1024x128xf32> to vector<1024xf32>
    %broadcast_in_dim3A_959 = vector.shape_cast %reduce_sum3A_958 : vector<1024xf32> to vector<1024x1xf32>
    %sqrt3A_960 = math.sqrt %broadcast_in_dim3A_959 : vector<1024x1xf32>
    %min3A_961 = arith.constant 0.999989986 : f32
    %min3A_962 = vector.broadcast %min3A_961 : f32 to vector<1024x1xf32>
    %min3A_963 = arith.minimumf %sqrt3A_960, %min3A_962 : vector<1024x1xf32>
    %swap3A_964 = arith.constant 0 : index
    %swap3A_965 = arith.constant 49 : index
    %swap3A_966 = vector.load %arg1[%swap3A_964, %swap3A_965] : memref<1024x128xf32, #tpu.memory_space<vmem>>, vector<1024x1xf32>
    tpu.vector_store %arg1[%swap3A_964, %swap3A_965], %min3A_963 {strides = array<i32>} : memref<1024x128xf32, #tpu.memory_space<vmem>>, vector<1024x1xf32>,
    %get3A_967 = arith.constant 0 : index
    %get3A_968 = arith.constant 2048 : index
    %get3A_969 = arith.constant 0 : index
    %get3A_970 = vector.load %arg2[%get3A_967, %get3A_968, %get3A_969] : memref<3x8192x128xf32, #tpu.memory_space<vmem>>, vector<1x1024x128xf32>
    %get3A_971 = vector.shape_cast %get3A_970 : vector<1x1024x128xf32> to vector<1024x128xf32>
    %mul3A_972 = arith.mulf %get3A_971, %get3A_971 : vector<1024x128xf32>
    %reduce_sum3A_973 = arith.constant dense<0.000000e+00> : vector<1024xf32>
    %reduce_sum3A_974 = vector.multi_reduction <add>, %mul3A_972, %reduce_sum3A_973 [1] : vector<1024x128xf32> to vector<1024xf32>
    %broadcast_in_dim3A_975 = vector.shape_cast %reduce_sum3A_974 : vector<1024xf32> to vector<1024x1xf32>
    %sqrt3A_976 = math.sqrt %broadcast_in_dim3A_975 : vector<1024x1xf32>
    %min3A_977 = arith.constant 0.999989986 : f32
    %min3A_978 = vector.broadcast %min3A_977 : f32 to vector<1024x1xf32>
    %min3A_979 = arith.minimumf %sqrt3A_976, %min3A_978 : vector<1024x1xf32>
    %swap3A_980 = arith.constant 0 : index
    %swap3A_981 = arith.constant 50 : index
    %swap3A_982 = vector.load %arg1[%swap3A_980, %swap3A_981] : memref<1024x128xf32, #tpu.memory_space<vmem>>, vector<1024x1xf32>
    tpu.vector_store %arg1[%swap3A_980, %swap3A_981], %min3A_979 {strides = array<i32>} : memref<1024x128xf32, #tpu.memory_space<vmem>>, vector<1024x1xf32>,
    %get3A_983 = arith.constant 0 : index
    %get3A_984 = arith.constant 3072 : index
    %get3A_985 = arith.constant 0 : index
    %get3A_986 = vector.load %arg2[%get3A_983, %get3A_984, %get3A_985] : memref<3x8192x128xf32, #tpu.memory_space<vmem>>, vector<1x1024x128xf32>
    %get3A_987 = vector.shape_cast %get3A_986 : vector<1x1024x128xf32> to vector<1024x128xf32>
    %mul3A_988 = arith.mulf %get3A_987, %get3A_987 : vector<1024x128xf32>
    %reduce_sum3A_989 = arith.constant dense<0.000000e+00> : vector<1024xf32>
    %reduce_sum3A_990 = vector.multi_reduction <add>, %mul3A_988, %reduce_sum3A_989 [1] : vector<1024x128xf32> to vector<1024xf32>
    %broadcast_in_dim3A_991 = vector.shape_cast %reduce_sum3A_990 : vector<1024xf32> to vector<1024x1xf32>
    %sqrt3A_992 = math.sqrt %broadcast_in_dim3A_991 : vector<1024x1xf32>
    %min3A_993 = arith.constant 0.999989986 : f32
    %min3A_994 = vector.broadcast %min3A_993 : f32 to vector<1024x1xf32>
    %min3A_995 = arith.minimumf %sqrt3A_992, %min3A_994 : vector<1024x1xf32>
    %swap3A_996 = arith.constant 0 : index
    %swap3A_997 = arith.constant 51 : index
    %swap3A_998 = vector.load %arg1[%swap3A_996, %swap3A_997] : memref<1024x128xf32, #tpu.memory_space<vmem>>, vector<1024x1xf32>
    tpu.vector_store %arg1[%swap3A_996, %swap3A_997], %min3A_995 {strides = array<i32>} : memref<1024x128xf32, #tpu.memory_space<vmem>>, vector<1024x1xf32>,
    %get3A_999 = arith.constant 0 : index
    %get3A_1000 = arith.constant 4096 : index
    %get3A_1001 = arith.constant 0 : index
    %get3A_1002 = vector.load %arg2[%get3A_999, %get3A_1000, %get3A_1001] : memref<3x8192x128xf32, #tpu.memory_space<vmem>>, vector<1x1024x128xf32>
    %get3A_1003 = vector.shape_cast %get3A_1002 : vector<1x1024x128xf32> to vector<1024x128xf32>
    %mul3A_1004 = arith.mulf %get3A_1003, %get3A_1003 : vector<1024x128xf32>
    %reduce_sum3A_1005 = arith.constant dense<0.000000e+00> : vector<1024xf32>
    %reduce_sum3A_1006 = vector.multi_reduction <add>, %mul3A_1004, %reduce_sum3A_1005 [1] : vector<1024x128xf32> to vector<1024xf32>
    %broadcast_in_dim3A_1007 = vector.shape_cast %reduce_sum3A_1006 : vector<1024xf32> to vector<1024x1xf32>
    %sqrt3A_1008 = math.sqrt %broadcast_in_dim3A_1007 : vector<1024x1xf32>
    %min3A_1009 = arith.constant 0.999989986 : f32
    %min3A_1010 = vector.broadcast %min3A_1009 : f32 to vector<1024x1xf32>
    %min3A_1011 = arith.minimumf %sqrt3A_1008, %min3A_1010 : vector<1024x1xf32>
    %swap3A_1012 = arith.constant 0 : index
    %swap3A_1013 = arith.constant 52 : index
    %swap3A_1014 = vector.load %arg1[%swap3A_1012, %swap3A_1013] : memref<1024x128xf32, #tpu.memory_space<vmem>>, vector<1024x1xf32>
    tpu.vector_store %arg1[%swap3A_1012, %swap3A_1013], %min3A_1011 {strides = array<i32>} : memref<1024x128xf32, #tpu.memory_space<vmem>>, vector<1024x1xf32>,
    %get3A_1015 = arith.constant 0 : index
    %get3A_1016 = arith.constant 5120 : index
    %get3A_1017 = arith.constant 0 : index
    %get3A_1018 = vector.load %arg2[%get3A_1015, %get3A_1016, %get3A_1017] : memref<3x8192x128xf32, #tpu.memory_space<vmem>>, vector<1x1024x128xf32>
    %get3A_1019 = vector.shape_cast %get3A_1018 : vector<1x1024x128xf32> to vector<1024x128xf32>
    %mul3A_1020 = arith.mulf %get3A_1019, %get3A_1019 : vector<1024x128xf32>
    %reduce_sum3A_1021 = arith.constant dense<0.000000e+00> : vector<1024xf32>
    %reduce_sum3A_1022 = vector.multi_reduction <add>, %mul3A_1020, %reduce_sum3A_1021 [1] : vector<1024x128xf32> to vector<1024xf32>
    %broadcast_in_dim3A_1023 = vector.shape_cast %reduce_sum3A_1022 : vector<1024xf32> to vector<1024x1xf32>
    %sqrt3A_1024 = math.sqrt %broadcast_in_dim3A_1023 : vector<1024x1xf32>
    %min3A_1025 = arith.constant 0.999989986 : f32
    %min3A_1026 = vector.broadcast %min3A_1025 : f32 to vector<1024x1xf32>
    %min3A_1027 = arith.minimumf %sqrt3A_1024, %min3A_1026 : vector<1024x1xf32>
    %swap3A_1028 = arith.constant 0 : index
    %swap3A_1029 = arith.constant 53 : index
    %swap3A_1030 = vector.load %arg1[%swap3A_1028, %swap3A_1029] : memref<1024x128xf32, #tpu.memory_space<vmem>>, vector<1024x1xf32>
    tpu.vector_store %arg1[%swap3A_1028, %swap3A_1029], %min3A_1027 {strides = array<i32>} : memref<1024x128xf32, #tpu.memory_space<vmem>>, vector<1024x1xf32>,
    %get3A_1031 = arith.constant 0 : index
    %get3A_1032 = arith.constant 6144 : index
    %get3A_1033 = arith.constant 0 : index
    %get3A_1034 = vector.load %arg2[%get3A_1031, %get3A_1032, %get3A_1033] : memref<3x8192x128xf32, #tpu.memory_space<vmem>>, vector<1x1024x128xf32>
    %get3A_1035 = vector.shape_cast %get3A_1034 : vector<1x1024x128xf32> to vector<1024x128xf32>
    %mul3A_1036 = arith.mulf %get3A_1035, %get3A_1035 : vector<1024x128xf32>
    %reduce_sum3A_1037 = arith.constant dense<0.000000e+00> : vector<1024xf32>
    %reduce_sum3A_1038 = vector.multi_reduction <add>, %mul3A_1036, %reduce_sum3A_1037 [1] : vector<1024x128xf32> to vector<1024xf32>
    %broadcast_in_dim3A_1039 = vector.shape_cast %reduce_sum3A_1038 : vector<1024xf32> to vector<1024x1xf32>
    %sqrt3A_1040 = math.sqrt %broadcast_in_dim3A_1039 : vector<1024x1xf32>
    %min3A_1041 = arith.constant 0.999989986 : f32
    %min3A_1042 = vector.broadcast %min3A_1041 : f32 to vector<1024x1xf32>
    %min3A_1043 = arith.minimumf %sqrt3A_1040, %min3A_1042 : vector<1024x1xf32>
    %swap3A_1044 = arith.constant 0 : index
    %swap3A_1045 = arith.constant 54 : index
    %swap3A_1046 = vector.load %arg1[%swap3A_1044, %swap3A_1045] : memref<1024x128xf32, #tpu.memory_space<vmem>>, vector<1024x1xf32>
    tpu.vector_store %arg1[%swap3A_1044, %swap3A_1045], %min3A_1043 {strides = array<i32>} : memref<1024x128xf32, #tpu.memory_space<vmem>>, vector<1024x1xf32>,
    %get3A_1047 = arith.constant 0 : index
    %get3A_1048 = arith.constant 7168 : index
    %get3A_1049 = arith.constant 0 : index
    %get3A_1050 = vector.load %arg2[%get3A_1047, %get3A_1048, %get3A_1049] : memref<3x8192x128xf32, #tpu.memory_space<vmem>>, vector<1x1024x128xf32>
    %get3A_1051 = vector.shape_cast %get3A_1050 : vector<1x1024x128xf32> to vector<1024x128xf32>
    %mul3A_1052 = arith.mulf %get3A_1051, %get3A_1051 : vector<1024x128xf32>
    %reduce_sum3A_1053 = arith.constant dense<0.000000e+00> : vector<1024xf32>
    %reduce_sum3A_1054 = vector.multi_reduction <add>, %mul3A_1052, %reduce_sum3A_1053 [1] : vector<1024x128xf32> to vector<1024xf32>
    %broadcast_in_dim3A_1055 = vector.shape_cast %reduce_sum3A_1054 : vector<1024xf32> to vector<1024x1xf32>
    %sqrt3A_1056 = math.sqrt %broadcast_in_dim3A_1055 : vector<1024x1xf32>
    %min3A_1057 = arith.constant 0.999989986 : f32
    %min3A_1058 = vector.broadcast %min3A_1057 : f32 to vector<1024x1xf32>
    %min3A_1059 = arith.minimumf %sqrt3A_1056, %min3A_1058 : vector<1024x1xf32>
    %swap3A_1060 = arith.constant 0 : index
    %swap3A_1061 = arith.constant 55 : index
    %swap3A_1062 = vector.load %arg1[%swap3A_1060, %swap3A_1061] : memref<1024x128xf32, #tpu.memory_space<vmem>>, vector<1024x1xf32>
    tpu.vector_store %arg1[%swap3A_1060, %swap3A_1061], %min3A_1059 {strides = array<i32>} : memref<1024x128xf32, #tpu.memory_space<vmem>>, vector<1024x1xf32>,
    %dma_wait3A_1063 = arith.constant 1 : i32
    %dma_wait3A_1064 = arith.constant 1 : i32
    %dma_wait3A_1065 = tpu.memref_slice %arg3[%dma_wait3A_1064] : memref<3x!tpu.dma_semaphore, #tpu.memory_space<semaphore_mem>> -> memref<1x!tpu.dma_semaphore, #tpu.memory_space<semaphore_mem>>
    %dma_wait3A_1066 = tpu.memref_squeeze %dma_wait3A_1065 : memref<1x!tpu.dma_semaphore, #tpu.memory_space<semaphore_mem>> -> memref<!tpu.dma_semaphore, #tpu.memory_space<semaphore_mem>>
    %dma_wait3A_1067 = arith.constant 0 : i32
    %dma_wait3A_1068 = arith.constant 0 : i32
    %dma_wait3A_1069 = tpu.memref_slice %arg2[%dma_wait3A_1063, %dma_wait3A_1067, %dma_wait3A_1068] : memref<3x8192x128xf32, #tpu.memory_space<vmem>> -> memref<1x8192x128xf32, #tpu.memory_space<vmem>>
    %dma_wait3A_1070 = tpu.memref_squeeze %dma_wait3A_1069 : memref<1x8192x128xf32, #tpu.memory_space<vmem>> -> memref<8192x128xf32, #tpu.memory_space<vmem>>
    %dma_wait3A_1071 = arith.constant 57344 : i32
    %dma_wait3A_1072 = arith.constant 0 : i32
    %dma_wait3A_1073 = tpu.memref_slice %arg0[%dma_wait3A_1071, %dma_wait3A_1072] : memref<100000x128xf32, #tpu.memory_space<any>> -> memref<8192x128xf32, #tpu.memory_space<any>>
    tpu.wait_dma2 semaphore(%dma_wait3A_1066 : memref<!tpu.dma_semaphore, #tpu.memory_space<semaphore_mem>>) src(%dma_wait3A_1073 : memref<8192x128xf32, #tpu.memory_space<any>>) dst(%dma_wait3A_1070 : memref<8192x128xf32, #tpu.memory_space<vmem>>)
    %dma_start3A_1074 = arith.constant 0 : i32
    %dma_start3A_1075 = arith.constant 0 : i32
    %dma_start3A_1076 = tpu.memref_slice %arg3[%dma_start3A_1075] : memref<3x!tpu.dma_semaphore, #tpu.memory_space<semaphore_mem>> -> memref<1x!tpu.dma_semaphore, #tpu.memory_space<semaphore_mem>>
    %dma_start3A_1077 = tpu.memref_squeeze %dma_start3A_1076 : memref<1x!tpu.dma_semaphore, #tpu.memory_space<semaphore_mem>> -> memref<!tpu.dma_semaphore, #tpu.memory_space<semaphore_mem>>
    %dma_start3A_1078 = arith.constant 0 : i32
    %dma_start3A_1079 = arith.constant 0 : i32
    %dma_start3A_1080 = tpu.memref_slice %arg2[%dma_start3A_1074, %dma_start3A_1078, %dma_start3A_1079] : memref<3x8192x128xf32, #tpu.memory_space<vmem>> -> memref<1x8192x128xf32, #tpu.memory_space<vmem>>
    %dma_start3A_1081 = tpu.memref_squeeze %dma_start3A_1080 : memref<1x8192x128xf32, #tpu.memory_space<vmem>> -> memref<8192x128xf32, #tpu.memory_space<vmem>>
    %dma_start3A_1082 = arith.constant 73728 : i32
    %dma_start3A_1083 = arith.constant 0 : i32
    %dma_start3A_1084 = tpu.memref_slice %arg0[%dma_start3A_1082, %dma_start3A_1083] : memref<100000x128xf32, #tpu.memory_space<any>> -> memref<8192x128xf32, #tpu.memory_space<any>>
    tpu.enqueue_dma source(%dma_start3A_1084 : memref<8192x128xf32, #tpu.memory_space<any>>) target(%dma_start3A_1081 : memref<8192x128xf32, #tpu.memory_space<vmem>>) target_semaphore(%dma_start3A_1077 : memref<!tpu.dma_semaphore, #tpu.memory_space<semaphore_mem>>)
    %get3A_1085 = arith.constant 1 : index
    %get3A_1086 = arith.constant 0 : index
    %get3A_1087 = arith.constant 0 : index
    %get3A_1088 = vector.load %arg2[%get3A_1085, %get3A_1086, %get3A_1087] : memref<3x8192x128xf32, #tpu.memory_space<vmem>>, vector<1x1024x128xf32>
    %get3A_1089 = vector.shape_cast %get3A_1088 : vector<1x1024x128xf32> to vector<1024x128xf32>
    %mul3A_1090 = arith.mulf %get3A_1089, %get3A_1089 : vector<1024x128xf32>
    %reduce_sum3A_1091 = arith.constant dense<0.000000e+00> : vector<1024xf32>
    %reduce_sum3A_1092 = vector.multi_reduction <add>, %mul3A_1090, %reduce_sum3A_1091 [1] : vector<1024x128xf32> to vector<1024xf32>
    %broadcast_in_dim3A_1093 = vector.shape_cast %reduce_sum3A_1092 : vector<1024xf32> to vector<1024x1xf32>
    %sqrt3A_1094 = math.sqrt %broadcast_in_dim3A_1093 : vector<1024x1xf32>
    %min3A_1095 = arith.constant 0.999989986 : f32
    %min3A_1096 = vector.broadcast %min3A_1095 : f32 to vector<1024x1xf32>
    %min3A_1097 = arith.minimumf %sqrt3A_1094, %min3A_1096 : vector<1024x1xf32>
    %swap3A_1098 = arith.constant 0 : index
    %swap3A_1099 = arith.constant 56 : index
    %swap3A_1100 = vector.load %arg1[%swap3A_1098, %swap3A_1099] : memref<1024x128xf32, #tpu.memory_space<vmem>>, vector<1024x1xf32>
    tpu.vector_store %arg1[%swap3A_1098, %swap3A_1099], %min3A_1097 {strides = array<i32>} : memref<1024x128xf32, #tpu.memory_space<vmem>>, vector<1024x1xf32>,
    %get3A_1101 = arith.constant 1 : index
    %get3A_1102 = arith.constant 1024 : index
    %get3A_1103 = arith.constant 0 : index
    %get3A_1104 = vector.load %arg2[%get3A_1101, %get3A_1102, %get3A_1103] : memref<3x8192x128xf32, #tpu.memory_space<vmem>>, vector<1x1024x128xf32>
    %get3A_1105 = vector.shape_cast %get3A_1104 : vector<1x1024x128xf32> to vector<1024x128xf32>
    %mul3A_1106 = arith.mulf %get3A_1105, %get3A_1105 : vector<1024x128xf32>
    %reduce_sum3A_1107 = arith.constant dense<0.000000e+00> : vector<1024xf32>
    %reduce_sum3A_1108 = vector.multi_reduction <add>, %mul3A_1106, %reduce_sum3A_1107 [1] : vector<1024x128xf32> to vector<1024xf32>
    %broadcast_in_dim3A_1109 = vector.shape_cast %reduce_sum3A_1108 : vector<1024xf32> to vector<1024x1xf32>
    %sqrt3A_1110 = math.sqrt %broadcast_in_dim3A_1109 : vector<1024x1xf32>
    %min3A_1111 = arith.constant 0.999989986 : f32
    %min3A_1112 = vector.broadcast %min3A_1111 : f32 to vector<1024x1xf32>
    %min3A_1113 = arith.minimumf %sqrt3A_1110, %min3A_1112 : vector<1024x1xf32>
    %swap3A_1114 = arith.constant 0 : index
    %swap3A_1115 = arith.constant 57 : index
    %swap3A_1116 = vector.load %arg1[%swap3A_1114, %swap3A_1115] : memref<1024x128xf32, #tpu.memory_space<vmem>>, vector<1024x1xf32>
    tpu.vector_store %arg1[%swap3A_1114, %swap3A_1115], %min3A_1113 {strides = array<i32>} : memref<1024x128xf32, #tpu.memory_space<vmem>>, vector<1024x1xf32>,
    %get3A_1117 = arith.constant 1 : index
    %get3A_1118 = arith.constant 2048 : index
    %get3A_1119 = arith.constant 0 : index
    %get3A_1120 = vector.load %arg2[%get3A_1117, %get3A_1118, %get3A_1119] : memref<3x8192x128xf32, #tpu.memory_space<vmem>>, vector<1x1024x128xf32>
    %get3A_1121 = vector.shape_cast %get3A_1120 : vector<1x1024x128xf32> to vector<1024x128xf32>
    %mul3A_1122 = arith.mulf %get3A_1121, %get3A_1121 : vector<1024x128xf32>
    %reduce_sum3A_1123 = arith.constant dense<0.000000e+00> : vector<1024xf32>
    %reduce_sum3A_1124 = vector.multi_reduction <add>, %mul3A_1122, %reduce_sum3A_1123 [1] : vector<1024x128xf32> to vector<1024xf32>
    %broadcast_in_dim3A_1125 = vector.shape_cast %reduce_sum3A_1124 : vector<1024xf32> to vector<1024x1xf32>
    %sqrt3A_1126 = math.sqrt %broadcast_in_dim3A_1125 : vector<1024x1xf32>
    %min3A_1127 = arith.constant 0.999989986 : f32
    %min3A_1128 = vector.broadcast %min3A_1127 : f32 to vector<1024x1xf32>
    %min3A_1129 = arith.minimumf %sqrt3A_1126, %min3A_1128 : vector<1024x1xf32>
    %swap3A_1130 = arith.constant 0 : index
    %swap3A_1131 = arith.constant 58 : index
    %swap3A_1132 = vector.load %arg1[%swap3A_1130, %swap3A_1131] : memref<1024x128xf32, #tpu.memory_space<vmem>>, vector<1024x1xf32>
    tpu.vector_store %arg1[%swap3A_1130, %swap3A_1131], %min3A_1129 {strides = array<i32>} : memref<1024x128xf32, #tpu.memory_space<vmem>>, vector<1024x1xf32>,
    %get3A_1133 = arith.constant 1 : index
    %get3A_1134 = arith.constant 3072 : index
    %get3A_1135 = arith.constant 0 : index
    %get3A_1136 = vector.load %arg2[%get3A_1133, %get3A_1134, %get3A_1135] : memref<3x8192x128xf32, #tpu.memory_space<vmem>>, vector<1x1024x128xf32>
    %get3A_1137 = vector.shape_cast %get3A_1136 : vector<1x1024x128xf32> to vector<1024x128xf32>
    %mul3A_1138 = arith.mulf %get3A_1137, %get3A_1137 : vector<1024x128xf32>
    %reduce_sum3A_1139 = arith.constant dense<0.000000e+00> : vector<1024xf32>
    %reduce_sum3A_1140 = vector.multi_reduction <add>, %mul3A_1138, %reduce_sum3A_1139 [1] : vector<1024x128xf32> to vector<1024xf32>
    %broadcast_in_dim3A_1141 = vector.shape_cast %reduce_sum3A_1140 : vector<1024xf32> to vector<1024x1xf32>
    %sqrt3A_1142 = math.sqrt %broadcast_in_dim3A_1141 : vector<1024x1xf32>
    %min3A_1143 = arith.constant 0.999989986 : f32
    %min3A_1144 = vector.broadcast %min3A_1143 : f32 to vector<1024x1xf32>
    %min3A_1145 = arith.minimumf %sqrt3A_1142, %min3A_1144 : vector<1024x1xf32>
    %swap3A_1146 = arith.constant 0 : index
    %swap3A_1147 = arith.constant 59 : index
    %swap3A_1148 = vector.load %arg1[%swap3A_1146, %swap3A_1147] : memref<1024x128xf32, #tpu.memory_space<vmem>>, vector<1024x1xf32>
    tpu.vector_store %arg1[%swap3A_1146, %swap3A_1147], %min3A_1145 {strides = array<i32>} : memref<1024x128xf32, #tpu.memory_space<vmem>>, vector<1024x1xf32>,
    %get3A_1149 = arith.constant 1 : index
    %get3A_1150 = arith.constant 4096 : index
    %get3A_1151 = arith.constant 0 : index
    %get3A_1152 = vector.load %arg2[%get3A_1149, %get3A_1150, %get3A_1151] : memref<3x8192x128xf32, #tpu.memory_space<vmem>>, vector<1x1024x128xf32>
    %get3A_1153 = vector.shape_cast %get3A_1152 : vector<1x1024x128xf32> to vector<1024x128xf32>
    %mul3A_1154 = arith.mulf %get3A_1153, %get3A_1153 : vector<1024x128xf32>
    %reduce_sum3A_1155 = arith.constant dense<0.000000e+00> : vector<1024xf32>
    %reduce_sum3A_1156 = vector.multi_reduction <add>, %mul3A_1154, %reduce_sum3A_1155 [1] : vector<1024x128xf32> to vector<1024xf32>
    %broadcast_in_dim3A_1157 = vector.shape_cast %reduce_sum3A_1156 : vector<1024xf32> to vector<1024x1xf32>
    %sqrt3A_1158 = math.sqrt %broadcast_in_dim3A_1157 : vector<1024x1xf32>
    %min3A_1159 = arith.constant 0.999989986 : f32
    %min3A_1160 = vector.broadcast %min3A_1159 : f32 to vector<1024x1xf32>
    %min3A_1161 = arith.minimumf %sqrt3A_1158, %min3A_1160 : vector<1024x1xf32>
    %swap3A_1162 = arith.constant 0 : index
    %swap3A_1163 = arith.constant 60 : index
    %swap3A_1164 = vector.load %arg1[%swap3A_1162, %swap3A_1163] : memref<1024x128xf32, #tpu.memory_space<vmem>>, vector<1024x1xf32>
    tpu.vector_store %arg1[%swap3A_1162, %swap3A_1163], %min3A_1161 {strides = array<i32>} : memref<1024x128xf32, #tpu.memory_space<vmem>>, vector<1024x1xf32>,
    %get3A_1165 = arith.constant 1 : index
    %get3A_1166 = arith.constant 5120 : index
    %get3A_1167 = arith.constant 0 : index
    %get3A_1168 = vector.load %arg2[%get3A_1165, %get3A_1166, %get3A_1167] : memref<3x8192x128xf32, #tpu.memory_space<vmem>>, vector<1x1024x128xf32>
    %get3A_1169 = vector.shape_cast %get3A_1168 : vector<1x1024x128xf32> to vector<1024x128xf32>
    %mul3A_1170 = arith.mulf %get3A_1169, %get3A_1169 : vector<1024x128xf32>
    %reduce_sum3A_1171 = arith.constant dense<0.000000e+00> : vector<1024xf32>
    %reduce_sum3A_1172 = vector.multi_reduction <add>, %mul3A_1170, %reduce_sum3A_1171 [1] : vector<1024x128xf32> to vector<1024xf32>
    %broadcast_in_dim3A_1173 = vector.shape_cast %reduce_sum3A_1172 : vector<1024xf32> to vector<1024x1xf32>
    %sqrt3A_1174 = math.sqrt %broadcast_in_dim3A_1173 : vector<1024x1xf32>
    %min3A_1175 = arith.constant 0.999989986 : f32
    %min3A_1176 = vector.broadcast %min3A_1175 : f32 to vector<1024x1xf32>
    %min3A_1177 = arith.minimumf %sqrt3A_1174, %min3A_1176 : vector<1024x1xf32>
    %swap3A_1178 = arith.constant 0 : index
    %swap3A_1179 = arith.constant 61 : index
    %swap3A_1180 = vector.load %arg1[%swap3A_1178, %swap3A_1179] : memref<1024x128xf32, #tpu.memory_space<vmem>>, vector<1024x1xf32>
    tpu.vector_store %arg1[%swap3A_1178, %swap3A_1179], %min3A_1177 {strides = array<i32>} : memref<1024x128xf32, #tpu.memory_space<vmem>>, vector<1024x1xf32>,
    %get3A_1181 = arith.constant 1 : index
    %get3A_1182 = arith.constant 6144 : index
    %get3A_1183 = arith.constant 0 : index
    %get3A_1184 = vector.load %arg2[%get3A_1181, %get3A_1182, %get3A_1183] : memref<3x8192x128xf32, #tpu.memory_space<vmem>>, vector<1x1024x128xf32>
    %get3A_1185 = vector.shape_cast %get3A_1184 : vector<1x1024x128xf32> to vector<1024x128xf32>
    %mul3A_1186 = arith.mulf %get3A_1185, %get3A_1185 : vector<1024x128xf32>
    %reduce_sum3A_1187 = arith.constant dense<0.000000e+00> : vector<1024xf32>
    %reduce_sum3A_1188 = vector.multi_reduction <add>, %mul3A_1186, %reduce_sum3A_1187 [1] : vector<1024x128xf32> to vector<1024xf32>
    %broadcast_in_dim3A_1189 = vector.shape_cast %reduce_sum3A_1188 : vector<1024xf32> to vector<1024x1xf32>
    %sqrt3A_1190 = math.sqrt %broadcast_in_dim3A_1189 : vector<1024x1xf32>
    %min3A_1191 = arith.constant 0.999989986 : f32
    %min3A_1192 = vector.broadcast %min3A_1191 : f32 to vector<1024x1xf32>
    %min3A_1193 = arith.minimumf %sqrt3A_1190, %min3A_1192 : vector<1024x1xf32>
    %swap3A_1194 = arith.constant 0 : index
    %swap3A_1195 = arith.constant 62 : index
    %swap3A_1196 = vector.load %arg1[%swap3A_1194, %swap3A_1195] : memref<1024x128xf32, #tpu.memory_space<vmem>>, vector<1024x1xf32>
    tpu.vector_store %arg1[%swap3A_1194, %swap3A_1195], %min3A_1193 {strides = array<i32>} : memref<1024x128xf32, #tpu.memory_space<vmem>>, vector<1024x1xf32>,
    %get3A_1197 = arith.constant 1 : index
    %get3A_1198 = arith.constant 7168 : index
    %get3A_1199 = arith.constant 0 : index
    %get3A_1200 = vector.load %arg2[%get3A_1197, %get3A_1198, %get3A_1199] : memref<3x8192x128xf32, #tpu.memory_space<vmem>>, vector<1x1024x128xf32>
    %get3A_1201 = vector.shape_cast %get3A_1200 : vector<1x1024x128xf32> to vector<1024x128xf32>
    %mul3A_1202 = arith.mulf %get3A_1201, %get3A_1201 : vector<1024x128xf32>
    %reduce_sum3A_1203 = arith.constant dense<0.000000e+00> : vector<1024xf32>
    %reduce_sum3A_1204 = vector.multi_reduction <add>, %mul3A_1202, %reduce_sum3A_1203 [1] : vector<1024x128xf32> to vector<1024xf32>
    %broadcast_in_dim3A_1205 = vector.shape_cast %reduce_sum3A_1204 : vector<1024xf32> to vector<1024x1xf32>
    %sqrt3A_1206 = math.sqrt %broadcast_in_dim3A_1205 : vector<1024x1xf32>
    %min3A_1207 = arith.constant 0.999989986 : f32
    %min3A_1208 = vector.broadcast %min3A_1207 : f32 to vector<1024x1xf32>
    %min3A_1209 = arith.minimumf %sqrt3A_1206, %min3A_1208 : vector<1024x1xf32>
    %swap3A_1210 = arith.constant 0 : index
    %swap3A_1211 = arith.constant 63 : index
    %swap3A_1212 = vector.load %arg1[%swap3A_1210, %swap3A_1211] : memref<1024x128xf32, #tpu.memory_space<vmem>>, vector<1024x1xf32>
    tpu.vector_store %arg1[%swap3A_1210, %swap3A_1211], %min3A_1209 {strides = array<i32>} : memref<1024x128xf32, #tpu.memory_space<vmem>>, vector<1024x1xf32>,
    %dma_wait3A_1213 = arith.constant 2 : i32
    %dma_wait3A_1214 = arith.constant 2 : i32
    %dma_wait3A_1215 = tpu.memref_slice %arg3[%dma_wait3A_1214] : memref<3x!tpu.dma_semaphore, #tpu.memory_space<semaphore_mem>> -> memref<1x!tpu.dma_semaphore, #tpu.memory_space<semaphore_mem>>
    %dma_wait3A_1216 = tpu.memref_squeeze %dma_wait3A_1215 : memref<1x!tpu.dma_semaphore, #tpu.memory_space<semaphore_mem>> -> memref<!tpu.dma_semaphore, #tpu.memory_space<semaphore_mem>>
    %dma_wait3A_1217 = arith.constant 0 : i32
    %dma_wait3A_1218 = arith.constant 0 : i32
    %dma_wait3A_1219 = tpu.memref_slice %arg2[%dma_wait3A_1213, %dma_wait3A_1217, %dma_wait3A_1218] : memref<3x8192x128xf32, #tpu.memory_space<vmem>> -> memref<1x8192x128xf32, #tpu.memory_space<vmem>>
    %dma_wait3A_1220 = tpu.memref_squeeze %dma_wait3A_1219 : memref<1x8192x128xf32, #tpu.memory_space<vmem>> -> memref<8192x128xf32, #tpu.memory_space<vmem>>
    %dma_wait3A_1221 = arith.constant 65536 : i32
    %dma_wait3A_1222 = arith.constant 0 : i32
    %dma_wait3A_1223 = tpu.memref_slice %arg0[%dma_wait3A_1221, %dma_wait3A_1222] : memref<100000x128xf32, #tpu.memory_space<any>> -> memref<8192x128xf32, #tpu.memory_space<any>>
    tpu.wait_dma2 semaphore(%dma_wait3A_1216 : memref<!tpu.dma_semaphore, #tpu.memory_space<semaphore_mem>>) src(%dma_wait3A_1223 : memref<8192x128xf32, #tpu.memory_space<any>>) dst(%dma_wait3A_1220 : memref<8192x128xf32, #tpu.memory_space<vmem>>)
    %dma_start3A_1224 = arith.constant 1 : i32
    %dma_start3A_1225 = arith.constant 1 : i32
    %dma_start3A_1226 = tpu.memref_slice %arg3[%dma_start3A_1225] : memref<3x!tpu.dma_semaphore, #tpu.memory_space<semaphore_mem>> -> memref<1x!tpu.dma_semaphore, #tpu.memory_space<semaphore_mem>>
    %dma_start3A_1227 = tpu.memref_squeeze %dma_start3A_1226 : memref<1x!tpu.dma_semaphore, #tpu.memory_space<semaphore_mem>> -> memref<!tpu.dma_semaphore, #tpu.memory_space<semaphore_mem>>
    %dma_start3A_1228 = arith.constant 0 : i32
    %dma_start3A_1229 = arith.constant 0 : i32
    %dma_start3A_1230 = tpu.memref_slice %arg2[%dma_start3A_1224, %dma_start3A_1228, %dma_start3A_1229] : memref<3x8192x128xf32, #tpu.memory_space<vmem>> -> memref<1x8192x128xf32, #tpu.memory_space<vmem>>
    %dma_start3A_1231 = tpu.memref_squeeze %dma_start3A_1230 : memref<1x8192x128xf32, #tpu.memory_space<vmem>> -> memref<8192x128xf32, #tpu.memory_space<vmem>>
    %dma_start3A_1232 = arith.constant 81920 : i32
    %dma_start3A_1233 = arith.constant 0 : i32
    %dma_start3A_1234 = tpu.memref_slice %arg0[%dma_start3A_1232, %dma_start3A_1233] : memref<100000x128xf32, #tpu.memory_space<any>> -> memref<8192x128xf32, #tpu.memory_space<any>>
    tpu.enqueue_dma source(%dma_start3A_1234 : memref<8192x128xf32, #tpu.memory_space<any>>) target(%dma_start3A_1231 : memref<8192x128xf32, #tpu.memory_space<vmem>>) target_semaphore(%dma_start3A_1227 : memref<!tpu.dma_semaphore, #tpu.memory_space<semaphore_mem>>)
    %get3A_1235 = arith.constant 2 : index
    %get3A_1236 = arith.constant 0 : index
    %get3A_1237 = arith.constant 0 : index
    %get3A_1238 = vector.load %arg2[%get3A_1235, %get3A_1236, %get3A_1237] : memref<3x8192x128xf32, #tpu.memory_space<vmem>>, vector<1x1024x128xf32>
    %get3A_1239 = vector.shape_cast %get3A_1238 : vector<1x1024x128xf32> to vector<1024x128xf32>
    %mul3A_1240 = arith.mulf %get3A_1239, %get3A_1239 : vector<1024x128xf32>
    %reduce_sum3A_1241 = arith.constant dense<0.000000e+00> : vector<1024xf32>
    %reduce_sum3A_1242 = vector.multi_reduction <add>, %mul3A_1240, %reduce_sum3A_1241 [1] : vector<1024x128xf32> to vector<1024xf32>
    %broadcast_in_dim3A_1243 = vector.shape_cast %reduce_sum3A_1242 : vector<1024xf32> to vector<1024x1xf32>
    %sqrt3A_1244 = math.sqrt %broadcast_in_dim3A_1243 : vector<1024x1xf32>
    %min3A_1245 = arith.constant 0.999989986 : f32
    %min3A_1246 = vector.broadcast %min3A_1245 : f32 to vector<1024x1xf32>
    %min3A_1247 = arith.minimumf %sqrt3A_1244, %min3A_1246 : vector<1024x1xf32>
    %swap3A_1248 = arith.constant 0 : index
    %swap3A_1249 = arith.constant 64 : index
    %swap3A_1250 = vector.load %arg1[%swap3A_1248, %swap3A_1249] : memref<1024x128xf32, #tpu.memory_space<vmem>>, vector<1024x1xf32>
    tpu.vector_store %arg1[%swap3A_1248, %swap3A_1249], %min3A_1247 {strides = array<i32>} : memref<1024x128xf32, #tpu.memory_space<vmem>>, vector<1024x1xf32>,
    %get3A_1251 = arith.constant 2 : index
    %get3A_1252 = arith.constant 1024 : index
    %get3A_1253 = arith.constant 0 : index
    %get3A_1254 = vector.load %arg2[%get3A_1251, %get3A_1252, %get3A_1253] : memref<3x8192x128xf32, #tpu.memory_space<vmem>>, vector<1x1024x128xf32>
    %get3A_1255 = vector.shape_cast %get3A_1254 : vector<1x1024x128xf32> to vector<1024x128xf32>
    %mul3A_1256 = arith.mulf %get3A_1255, %get3A_1255 : vector<1024x128xf32>
    %reduce_sum3A_1257 = arith.constant dense<0.000000e+00> : vector<1024xf32>
    %reduce_sum3A_1258 = vector.multi_reduction <add>, %mul3A_1256, %reduce_sum3A_1257 [1] : vector<1024x128xf32> to vector<1024xf32>
    %broadcast_in_dim3A_1259 = vector.shape_cast %reduce_sum3A_1258 : vector<1024xf32> to vector<1024x1xf32>
    %sqrt3A_1260 = math.sqrt %broadcast_in_dim3A_1259 : vector<1024x1xf32>
    %min3A_1261 = arith.constant 0.999989986 : f32
    %min3A_1262 = vector.broadcast %min3A_1261 : f32 to vector<1024x1xf32>
    %min3A_1263 = arith.minimumf %sqrt3A_1260, %min3A_1262 : vector<1024x1xf32>
    %swap3A_1264 = arith.constant 0 : index
    %swap3A_1265 = arith.constant 65 : index
    %swap3A_1266 = vector.load %arg1[%swap3A_1264, %swap3A_1265] : memref<1024x128xf32, #tpu.memory_space<vmem>>, vector<1024x1xf32>
    tpu.vector_store %arg1[%swap3A_1264, %swap3A_1265], %min3A_1263 {strides = array<i32>} : memref<1024x128xf32, #tpu.memory_space<vmem>>, vector<1024x1xf32>,
    %get3A_1267 = arith.constant 2 : index
    %get3A_1268 = arith.constant 2048 : index
    %get3A_1269 = arith.constant 0 : index
    %get3A_1270 = vector.load %arg2[%get3A_1267, %get3A_1268, %get3A_1269] : memref<3x8192x128xf32, #tpu.memory_space<vmem>>, vector<1x1024x128xf32>
    %get3A_1271 = vector.shape_cast %get3A_1270 : vector<1x1024x128xf32> to vector<1024x128xf32>
    %mul3A_1272 = arith.mulf %get3A_1271, %get3A_1271 : vector<1024x128xf32>
    %reduce_sum3A_1273 = arith.constant dense<0.000000e+00> : vector<1024xf32>
    %reduce_sum3A_1274 = vector.multi_reduction <add>, %mul3A_1272, %reduce_sum3A_1273 [1] : vector<1024x128xf32> to vector<1024xf32>
    %broadcast_in_dim3A_1275 = vector.shape_cast %reduce_sum3A_1274 : vector<1024xf32> to vector<1024x1xf32>
    %sqrt3A_1276 = math.sqrt %broadcast_in_dim3A_1275 : vector<1024x1xf32>
    %min3A_1277 = arith.constant 0.999989986 : f32
    %min3A_1278 = vector.broadcast %min3A_1277 : f32 to vector<1024x1xf32>
    %min3A_1279 = arith.minimumf %sqrt3A_1276, %min3A_1278 : vector<1024x1xf32>
    %swap3A_1280 = arith.constant 0 : index
    %swap3A_1281 = arith.constant 66 : index
    %swap3A_1282 = vector.load %arg1[%swap3A_1280, %swap3A_1281] : memref<1024x128xf32, #tpu.memory_space<vmem>>, vector<1024x1xf32>
    tpu.vector_store %arg1[%swap3A_1280, %swap3A_1281], %min3A_1279 {strides = array<i32>} : memref<1024x128xf32, #tpu.memory_space<vmem>>, vector<1024x1xf32>,
    %get3A_1283 = arith.constant 2 : index
    %get3A_1284 = arith.constant 3072 : index
    %get3A_1285 = arith.constant 0 : index
    %get3A_1286 = vector.load %arg2[%get3A_1283, %get3A_1284, %get3A_1285] : memref<3x8192x128xf32, #tpu.memory_space<vmem>>, vector<1x1024x128xf32>
    %get3A_1287 = vector.shape_cast %get3A_1286 : vector<1x1024x128xf32> to vector<1024x128xf32>
    %mul3A_1288 = arith.mulf %get3A_1287, %get3A_1287 : vector<1024x128xf32>
    %reduce_sum3A_1289 = arith.constant dense<0.000000e+00> : vector<1024xf32>
    %reduce_sum3A_1290 = vector.multi_reduction <add>, %mul3A_1288, %reduce_sum3A_1289 [1] : vector<1024x128xf32> to vector<1024xf32>
    %broadcast_in_dim3A_1291 = vector.shape_cast %reduce_sum3A_1290 : vector<1024xf32> to vector<1024x1xf32>
    %sqrt3A_1292 = math.sqrt %broadcast_in_dim3A_1291 : vector<1024x1xf32>
    %min3A_1293 = arith.constant 0.999989986 : f32
    %min3A_1294 = vector.broadcast %min3A_1293 : f32 to vector<1024x1xf32>
    %min3A_1295 = arith.minimumf %sqrt3A_1292, %min3A_1294 : vector<1024x1xf32>
    %swap3A_1296 = arith.constant 0 : index
    %swap3A_1297 = arith.constant 67 : index
    %swap3A_1298 = vector.load %arg1[%swap3A_1296, %swap3A_1297] : memref<1024x128xf32, #tpu.memory_space<vmem>>, vector<1024x1xf32>
    tpu.vector_store %arg1[%swap3A_1296, %swap3A_1297], %min3A_1295 {strides = array<i32>} : memref<1024x128xf32, #tpu.memory_space<vmem>>, vector<1024x1xf32>,
    %get3A_1299 = arith.constant 2 : index
    %get3A_1300 = arith.constant 4096 : index
    %get3A_1301 = arith.constant 0 : index
    %get3A_1302 = vector.load %arg2[%get3A_1299, %get3A_1300, %get3A_1301] : memref<3x8192x128xf32, #tpu.memory_space<vmem>>, vector<1x1024x128xf32>
    %get3A_1303 = vector.shape_cast %get3A_1302 : vector<1x1024x128xf32> to vector<1024x128xf32>
    %mul3A_1304 = arith.mulf %get3A_1303, %get3A_1303 : vector<1024x128xf32>
    %reduce_sum3A_1305 = arith.constant dense<0.000000e+00> : vector<1024xf32>
    %reduce_sum3A_1306 = vector.multi_reduction <add>, %mul3A_1304, %reduce_sum3A_1305 [1] : vector<1024x128xf32> to vector<1024xf32>
    %broadcast_in_dim3A_1307 = vector.shape_cast %reduce_sum3A_1306 : vector<1024xf32> to vector<1024x1xf32>
    %sqrt3A_1308 = math.sqrt %broadcast_in_dim3A_1307 : vector<1024x1xf32>
    %min3A_1309 = arith.constant 0.999989986 : f32
    %min3A_1310 = vector.broadcast %min3A_1309 : f32 to vector<1024x1xf32>
    %min3A_1311 = arith.minimumf %sqrt3A_1308, %min3A_1310 : vector<1024x1xf32>
    %swap3A_1312 = arith.constant 0 : index
    %swap3A_1313 = arith.constant 68 : index
    %swap3A_1314 = vector.load %arg1[%swap3A_1312, %swap3A_1313] : memref<1024x128xf32, #tpu.memory_space<vmem>>, vector<1024x1xf32>
    tpu.vector_store %arg1[%swap3A_1312, %swap3A_1313], %min3A_1311 {strides = array<i32>} : memref<1024x128xf32, #tpu.memory_space<vmem>>, vector<1024x1xf32>,
    %get3A_1315 = arith.constant 2 : index
    %get3A_1316 = arith.constant 5120 : index
    %get3A_1317 = arith.constant 0 : index
    %get3A_1318 = vector.load %arg2[%get3A_1315, %get3A_1316, %get3A_1317] : memref<3x8192x128xf32, #tpu.memory_space<vmem>>, vector<1x1024x128xf32>
    %get3A_1319 = vector.shape_cast %get3A_1318 : vector<1x1024x128xf32> to vector<1024x128xf32>
    %mul3A_1320 = arith.mulf %get3A_1319, %get3A_1319 : vector<1024x128xf32>
    %reduce_sum3A_1321 = arith.constant dense<0.000000e+00> : vector<1024xf32>
    %reduce_sum3A_1322 = vector.multi_reduction <add>, %mul3A_1320, %reduce_sum3A_1321 [1] : vector<1024x128xf32> to vector<1024xf32>
    %broadcast_in_dim3A_1323 = vector.shape_cast %reduce_sum3A_1322 : vector<1024xf32> to vector<1024x1xf32>
    %sqrt3A_1324 = math.sqrt %broadcast_in_dim3A_1323 : vector<1024x1xf32>
    %min3A_1325 = arith.constant 0.999989986 : f32
    %min3A_1326 = vector.broadcast %min3A_1325 : f32 to vector<1024x1xf32>
    %min3A_1327 = arith.minimumf %sqrt3A_1324, %min3A_1326 : vector<1024x1xf32>
    %swap3A_1328 = arith.constant 0 : index
    %swap3A_1329 = arith.constant 69 : index
    %swap3A_1330 = vector.load %arg1[%swap3A_1328, %swap3A_1329] : memref<1024x128xf32, #tpu.memory_space<vmem>>, vector<1024x1xf32>
    tpu.vector_store %arg1[%swap3A_1328, %swap3A_1329], %min3A_1327 {strides = array<i32>} : memref<1024x128xf32, #tpu.memory_space<vmem>>, vector<1024x1xf32>,
    %get3A_1331 = arith.constant 2 : index
    %get3A_1332 = arith.constant 6144 : index
    %get3A_1333 = arith.constant 0 : index
    %get3A_1334 = vector.load %arg2[%get3A_1331, %get3A_1332, %get3A_1333] : memref<3x8192x128xf32, #tpu.memory_space<vmem>>, vector<1x1024x128xf32>
    %get3A_1335 = vector.shape_cast %get3A_1334 : vector<1x1024x128xf32> to vector<1024x128xf32>
    %mul3A_1336 = arith.mulf %get3A_1335, %get3A_1335 : vector<1024x128xf32>
    %reduce_sum3A_1337 = arith.constant dense<0.000000e+00> : vector<1024xf32>
    %reduce_sum3A_1338 = vector.multi_reduction <add>, %mul3A_1336, %reduce_sum3A_1337 [1] : vector<1024x128xf32> to vector<1024xf32>
    %broadcast_in_dim3A_1339 = vector.shape_cast %reduce_sum3A_1338 : vector<1024xf32> to vector<1024x1xf32>
    %sqrt3A_1340 = math.sqrt %broadcast_in_dim3A_1339 : vector<1024x1xf32>
    %min3A_1341 = arith.constant 0.999989986 : f32
    %min3A_1342 = vector.broadcast %min3A_1341 : f32 to vector<1024x1xf32>
    %min3A_1343 = arith.minimumf %sqrt3A_1340, %min3A_1342 : vector<1024x1xf32>
    %swap3A_1344 = arith.constant 0 : index
    %swap3A_1345 = arith.constant 70 : index
    %swap3A_1346 = vector.load %arg1[%swap3A_1344, %swap3A_1345] : memref<1024x128xf32, #tpu.memory_space<vmem>>, vector<1024x1xf32>
    tpu.vector_store %arg1[%swap3A_1344, %swap3A_1345], %min3A_1343 {strides = array<i32>} : memref<1024x128xf32, #tpu.memory_space<vmem>>, vector<1024x1xf32>,
    %get3A_1347 = arith.constant 2 : index
    %get3A_1348 = arith.constant 7168 : index
    %get3A_1349 = arith.constant 0 : index
    %get3A_1350 = vector.load %arg2[%get3A_1347, %get3A_1348, %get3A_1349] : memref<3x8192x128xf32, #tpu.memory_space<vmem>>, vector<1x1024x128xf32>
    %get3A_1351 = vector.shape_cast %get3A_1350 : vector<1x1024x128xf32> to vector<1024x128xf32>
    %mul3A_1352 = arith.mulf %get3A_1351, %get3A_1351 : vector<1024x128xf32>
    %reduce_sum3A_1353 = arith.constant dense<0.000000e+00> : vector<1024xf32>
    %reduce_sum3A_1354 = vector.multi_reduction <add>, %mul3A_1352, %reduce_sum3A_1353 [1] : vector<1024x128xf32> to vector<1024xf32>
    %broadcast_in_dim3A_1355 = vector.shape_cast %reduce_sum3A_1354 : vector<1024xf32> to vector<1024x1xf32>
    %sqrt3A_1356 = math.sqrt %broadcast_in_dim3A_1355 : vector<1024x1xf32>
    %min3A_1357 = arith.constant 0.999989986 : f32
    %min3A_1358 = vector.broadcast %min3A_1357 : f32 to vector<1024x1xf32>
    %min3A_1359 = arith.minimumf %sqrt3A_1356, %min3A_1358 : vector<1024x1xf32>
    %swap3A_1360 = arith.constant 0 : index
    %swap3A_1361 = arith.constant 71 : index
    %swap3A_1362 = vector.load %arg1[%swap3A_1360, %swap3A_1361] : memref<1024x128xf32, #tpu.memory_space<vmem>>, vector<1024x1xf32>
    tpu.vector_store %arg1[%swap3A_1360, %swap3A_1361], %min3A_1359 {strides = array<i32>} : memref<1024x128xf32, #tpu.memory_space<vmem>>, vector<1024x1xf32>,
    %dma_wait3A_1363 = arith.constant 0 : i32
    %dma_wait3A_1364 = arith.constant 0 : i32
    %dma_wait3A_1365 = tpu.memref_slice %arg3[%dma_wait3A_1364] : memref<3x!tpu.dma_semaphore, #tpu.memory_space<semaphore_mem>> -> memref<1x!tpu.dma_semaphore, #tpu.memory_space<semaphore_mem>>
    %dma_wait3A_1366 = tpu.memref_squeeze %dma_wait3A_1365 : memref<1x!tpu.dma_semaphore, #tpu.memory_space<semaphore_mem>> -> memref<!tpu.dma_semaphore, #tpu.memory_space<semaphore_mem>>
    %dma_wait3A_1367 = arith.constant 0 : i32
    %dma_wait3A_1368 = arith.constant 0 : i32
    %dma_wait3A_1369 = tpu.memref_slice %arg2[%dma_wait3A_1363, %dma_wait3A_1367, %dma_wait3A_1368] : memref<3x8192x128xf32, #tpu.memory_space<vmem>> -> memref<1x8192x128xf32, #tpu.memory_space<vmem>>
    %dma_wait3A_1370 = tpu.memref_squeeze %dma_wait3A_1369 : memref<1x8192x128xf32, #tpu.memory_space<vmem>> -> memref<8192x128xf32, #tpu.memory_space<vmem>>
    %dma_wait3A_1371 = arith.constant 73728 : i32
    %dma_wait3A_1372 = arith.constant 0 : i32
    %dma_wait3A_1373 = tpu.memref_slice %arg0[%dma_wait3A_1371, %dma_wait3A_1372] : memref<100000x128xf32, #tpu.memory_space<any>> -> memref<8192x128xf32, #tpu.memory_space<any>>
    tpu.wait_dma2 semaphore(%dma_wait3A_1366 : memref<!tpu.dma_semaphore, #tpu.memory_space<semaphore_mem>>) src(%dma_wait3A_1373 : memref<8192x128xf32, #tpu.memory_space<any>>) dst(%dma_wait3A_1370 : memref<8192x128xf32, #tpu.memory_space<vmem>>)
    %dma_start3A_1374 = arith.constant 2 : i32
    %dma_start3A_1375 = arith.constant 2 : i32
    %dma_start3A_1376 = tpu.memref_slice %arg3[%dma_start3A_1375] : memref<3x!tpu.dma_semaphore, #tpu.memory_space<semaphore_mem>> -> memref<1x!tpu.dma_semaphore, #tpu.memory_space<semaphore_mem>>
    %dma_start3A_1377 = tpu.memref_squeeze %dma_start3A_1376 : memref<1x!tpu.dma_semaphore, #tpu.memory_space<semaphore_mem>> -> memref<!tpu.dma_semaphore, #tpu.memory_space<semaphore_mem>>
    %dma_start3A_1378 = arith.constant 0 : i32
    %dma_start3A_1379 = arith.constant 0 : i32
    %dma_start3A_1380 = tpu.memref_slice %arg2[%dma_start3A_1374, %dma_start3A_1378, %dma_start3A_1379] : memref<3x8192x128xf32, #tpu.memory_space<vmem>> -> memref<1x8192x128xf32, #tpu.memory_space<vmem>>
    %dma_start3A_1381 = tpu.memref_squeeze %dma_start3A_1380 : memref<1x8192x128xf32, #tpu.memory_space<vmem>> -> memref<8192x128xf32, #tpu.memory_space<vmem>>
    %dma_start3A_1382 = arith.constant 90112 : i32
    %dma_start3A_1383 = arith.constant 0 : i32
    %dma_start3A_1384 = tpu.memref_slice %arg0[%dma_start3A_1382, %dma_start3A_1383] : memref<100000x128xf32, #tpu.memory_space<any>> -> memref<8192x128xf32, #tpu.memory_space<any>>
    tpu.enqueue_dma source(%dma_start3A_1384 : memref<8192x128xf32, #tpu.memory_space<any>>) target(%dma_start3A_1381 : memref<8192x128xf32, #tpu.memory_space<vmem>>) target_semaphore(%dma_start3A_1377 : memref<!tpu.dma_semaphore, #tpu.memory_space<semaphore_mem>>)
    %get3A_1385 = arith.constant 0 : index
    %get3A_1386 = arith.constant 0 : index
    %get3A_1387 = arith.constant 0 : index
    %get3A_1388 = vector.load %arg2[%get3A_1385, %get3A_1386, %get3A_1387] : memref<3x8192x128xf32, #tpu.memory_space<vmem>>, vector<1x1024x128xf32>
    %get3A_1389 = vector.shape_cast %get3A_1388 : vector<1x1024x128xf32> to vector<1024x128xf32>
    %mul3A_1390 = arith.mulf %get3A_1389, %get3A_1389 : vector<1024x128xf32>
    %reduce_sum3A_1391 = arith.constant dense<0.000000e+00> : vector<1024xf32>
    %reduce_sum3A_1392 = vector.multi_reduction <add>, %mul3A_1390, %reduce_sum3A_1391 [1] : vector<1024x128xf32> to vector<1024xf32>
    %broadcast_in_dim3A_1393 = vector.shape_cast %reduce_sum3A_1392 : vector<1024xf32> to vector<1024x1xf32>
    %sqrt3A_1394 = math.sqrt %broadcast_in_dim3A_1393 : vector<1024x1xf32>
    %min3A_1395 = arith.constant 0.999989986 : f32
    %min3A_1396 = vector.broadcast %min3A_1395 : f32 to vector<1024x1xf32>
    %min3A_1397 = arith.minimumf %sqrt3A_1394, %min3A_1396 : vector<1024x1xf32>
    %swap3A_1398 = arith.constant 0 : index
    %swap3A_1399 = arith.constant 72 : index
    %swap3A_1400 = vector.load %arg1[%swap3A_1398, %swap3A_1399] : memref<1024x128xf32, #tpu.memory_space<vmem>>, vector<1024x1xf32>
    tpu.vector_store %arg1[%swap3A_1398, %swap3A_1399], %min3A_1397 {strides = array<i32>} : memref<1024x128xf32, #tpu.memory_space<vmem>>, vector<1024x1xf32>,
    %get3A_1401 = arith.constant 0 : index
    %get3A_1402 = arith.constant 1024 : index
    %get3A_1403 = arith.constant 0 : index
    %get3A_1404 = vector.load %arg2[%get3A_1401, %get3A_1402, %get3A_1403] : memref<3x8192x128xf32, #tpu.memory_space<vmem>>, vector<1x1024x128xf32>
    %get3A_1405 = vector.shape_cast %get3A_1404 : vector<1x1024x128xf32> to vector<1024x128xf32>
    %mul3A_1406 = arith.mulf %get3A_1405, %get3A_1405 : vector<1024x128xf32>
    %reduce_sum3A_1407 = arith.constant dense<0.000000e+00> : vector<1024xf32>
    %reduce_sum3A_1408 = vector.multi_reduction <add>, %mul3A_1406, %reduce_sum3A_1407 [1] : vector<1024x128xf32> to vector<1024xf32>
    %broadcast_in_dim3A_1409 = vector.shape_cast %reduce_sum3A_1408 : vector<1024xf32> to vector<1024x1xf32>
    %sqrt3A_1410 = math.sqrt %broadcast_in_dim3A_1409 : vector<1024x1xf32>
    %min3A_1411 = arith.constant 0.999989986 : f32
    %min3A_1412 = vector.broadcast %min3A_1411 : f32 to vector<1024x1xf32>
    %min3A_1413 = arith.minimumf %sqrt3A_1410, %min3A_1412 : vector<1024x1xf32>
    %swap3A_1414 = arith.constant 0 : index
    %swap3A_1415 = arith.constant 73 : index
    %swap3A_1416 = vector.load %arg1[%swap3A_1414, %swap3A_1415] : memref<1024x128xf32, #tpu.memory_space<vmem>>, vector<1024x1xf32>
    tpu.vector_store %arg1[%swap3A_1414, %swap3A_1415], %min3A_1413 {strides = array<i32>} : memref<1024x128xf32, #tpu.memory_space<vmem>>, vector<1024x1xf32>,
    %get3A_1417 = arith.constant 0 : index
    %get3A_1418 = arith.constant 2048 : index
    %get3A_1419 = arith.constant 0 : index
    %get3A_1420 = vector.load %arg2[%get3A_1417, %get3A_1418, %get3A_1419] : memref<3x8192x128xf32, #tpu.memory_space<vmem>>, vector<1x1024x128xf32>
    %get3A_1421 = vector.shape_cast %get3A_1420 : vector<1x1024x128xf32> to vector<1024x128xf32>
    %mul3A_1422 = arith.mulf %get3A_1421, %get3A_1421 : vector<1024x128xf32>
    %reduce_sum3A_1423 = arith.constant dense<0.000000e+00> : vector<1024xf32>
    %reduce_sum3A_1424 = vector.multi_reduction <add>, %mul3A_1422, %reduce_sum3A_1423 [1] : vector<1024x128xf32> to vector<1024xf32>
    %broadcast_in_dim3A_1425 = vector.shape_cast %reduce_sum3A_1424 : vector<1024xf32> to vector<1024x1xf32>
    %sqrt3A_1426 = math.sqrt %broadcast_in_dim3A_1425 : vector<1024x1xf32>
    %min3A_1427 = arith.constant 0.999989986 : f32
    %min3A_1428 = vector.broadcast %min3A_1427 : f32 to vector<1024x1xf32>
    %min3A_1429 = arith.minimumf %sqrt3A_1426, %min3A_1428 : vector<1024x1xf32>
    %swap3A_1430 = arith.constant 0 : index
    %swap3A_1431 = arith.constant 74 : index
    %swap3A_1432 = vector.load %arg1[%swap3A_1430, %swap3A_1431] : memref<1024x128xf32, #tpu.memory_space<vmem>>, vector<1024x1xf32>
    tpu.vector_store %arg1[%swap3A_1430, %swap3A_1431], %min3A_1429 {strides = array<i32>} : memref<1024x128xf32, #tpu.memory_space<vmem>>, vector<1024x1xf32>,
    %get3A_1433 = arith.constant 0 : index
    %get3A_1434 = arith.constant 3072 : index
    %get3A_1435 = arith.constant 0 : index
    %get3A_1436 = vector.load %arg2[%get3A_1433, %get3A_1434, %get3A_1435] : memref<3x8192x128xf32, #tpu.memory_space<vmem>>, vector<1x1024x128xf32>
    %get3A_1437 = vector.shape_cast %get3A_1436 : vector<1x1024x128xf32> to vector<1024x128xf32>
    %mul3A_1438 = arith.mulf %get3A_1437, %get3A_1437 : vector<1024x128xf32>
    %reduce_sum3A_1439 = arith.constant dense<0.000000e+00> : vector<1024xf32>
    %reduce_sum3A_1440 = vector.multi_reduction <add>, %mul3A_1438, %reduce_sum3A_1439 [1] : vector<1024x128xf32> to vector<1024xf32>
    %broadcast_in_dim3A_1441 = vector.shape_cast %reduce_sum3A_1440 : vector<1024xf32> to vector<1024x1xf32>
    %sqrt3A_1442 = math.sqrt %broadcast_in_dim3A_1441 : vector<1024x1xf32>
    %min3A_1443 = arith.constant 0.999989986 : f32
    %min3A_1444 = vector.broadcast %min3A_1443 : f32 to vector<1024x1xf32>
    %min3A_1445 = arith.minimumf %sqrt3A_1442, %min3A_1444 : vector<1024x1xf32>
    %swap3A_1446 = arith.constant 0 : index
    %swap3A_1447 = arith.constant 75 : index
    %swap3A_1448 = vector.load %arg1[%swap3A_1446, %swap3A_1447] : memref<1024x128xf32, #tpu.memory_space<vmem>>, vector<1024x1xf32>
    tpu.vector_store %arg1[%swap3A_1446, %swap3A_1447], %min3A_1445 {strides = array<i32>} : memref<1024x128xf32, #tpu.memory_space<vmem>>, vector<1024x1xf32>,
    %get3A_1449 = arith.constant 0 : index
    %get3A_1450 = arith.constant 4096 : index
    %get3A_1451 = arith.constant 0 : index
    %get3A_1452 = vector.load %arg2[%get3A_1449, %get3A_1450, %get3A_1451] : memref<3x8192x128xf32, #tpu.memory_space<vmem>>, vector<1x1024x128xf32>
    %get3A_1453 = vector.shape_cast %get3A_1452 : vector<1x1024x128xf32> to vector<1024x128xf32>
    %mul3A_1454 = arith.mulf %get3A_1453, %get3A_1453 : vector<1024x128xf32>
    %reduce_sum3A_1455 = arith.constant dense<0.000000e+00> : vector<1024xf32>
    %reduce_sum3A_1456 = vector.multi_reduction <add>, %mul3A_1454, %reduce_sum3A_1455 [1] : vector<1024x128xf32> to vector<1024xf32>
    %broadcast_in_dim3A_1457 = vector.shape_cast %reduce_sum3A_1456 : vector<1024xf32> to vector<1024x1xf32>
    %sqrt3A_1458 = math.sqrt %broadcast_in_dim3A_1457 : vector<1024x1xf32>
    %min3A_1459 = arith.constant 0.999989986 : f32
    %min3A_1460 = vector.broadcast %min3A_1459 : f32 to vector<1024x1xf32>
    %min3A_1461 = arith.minimumf %sqrt3A_1458, %min3A_1460 : vector<1024x1xf32>
    %swap3A_1462 = arith.constant 0 : index
    %swap3A_1463 = arith.constant 76 : index
    %swap3A_1464 = vector.load %arg1[%swap3A_1462, %swap3A_1463] : memref<1024x128xf32, #tpu.memory_space<vmem>>, vector<1024x1xf32>
    tpu.vector_store %arg1[%swap3A_1462, %swap3A_1463], %min3A_1461 {strides = array<i32>} : memref<1024x128xf32, #tpu.memory_space<vmem>>, vector<1024x1xf32>,
    %get3A_1465 = arith.constant 0 : index
    %get3A_1466 = arith.constant 5120 : index
    %get3A_1467 = arith.constant 0 : index
    %get3A_1468 = vector.load %arg2[%get3A_1465, %get3A_1466, %get3A_1467] : memref<3x8192x128xf32, #tpu.memory_space<vmem>>, vector<1x1024x128xf32>
    %get3A_1469 = vector.shape_cast %get3A_1468 : vector<1x1024x128xf32> to vector<1024x128xf32>
    %mul3A_1470 = arith.mulf %get3A_1469, %get3A_1469 : vector<1024x128xf32>
    %reduce_sum3A_1471 = arith.constant dense<0.000000e+00> : vector<1024xf32>
    %reduce_sum3A_1472 = vector.multi_reduction <add>, %mul3A_1470, %reduce_sum3A_1471 [1] : vector<1024x128xf32> to vector<1024xf32>
    %broadcast_in_dim3A_1473 = vector.shape_cast %reduce_sum3A_1472 : vector<1024xf32> to vector<1024x1xf32>
    %sqrt3A_1474 = math.sqrt %broadcast_in_dim3A_1473 : vector<1024x1xf32>
    %min3A_1475 = arith.constant 0.999989986 : f32
    %min3A_1476 = vector.broadcast %min3A_1475 : f32 to vector<1024x1xf32>
    %min3A_1477 = arith.minimumf %sqrt3A_1474, %min3A_1476 : vector<1024x1xf32>
    %swap3A_1478 = arith.constant 0 : index
    %swap3A_1479 = arith.constant 77 : index
    %swap3A_1480 = vector.load %arg1[%swap3A_1478, %swap3A_1479] : memref<1024x128xf32, #tpu.memory_space<vmem>>, vector<1024x1xf32>
    tpu.vector_store %arg1[%swap3A_1478, %swap3A_1479], %min3A_1477 {strides = array<i32>} : memref<1024x128xf32, #tpu.memory_space<vmem>>, vector<1024x1xf32>,
    %get3A_1481 = arith.constant 0 : index
    %get3A_1482 = arith.constant 6144 : index
    %get3A_1483 = arith.constant 0 : index
    %get3A_1484 = vector.load %arg2[%get3A_1481, %get3A_1482, %get3A_1483] : memref<3x8192x128xf32, #tpu.memory_space<vmem>>, vector<1x1024x128xf32>
    %get3A_1485 = vector.shape_cast %get3A_1484 : vector<1x1024x128xf32> to vector<1024x128xf32>
    %mul3A_1486 = arith.mulf %get3A_1485, %get3A_1485 : vector<1024x128xf32>
    %reduce_sum3A_1487 = arith.constant dense<0.000000e+00> : vector<1024xf32>
    %reduce_sum3A_1488 = vector.multi_reduction <add>, %mul3A_1486, %reduce_sum3A_1487 [1] : vector<1024x128xf32> to vector<1024xf32>
    %broadcast_in_dim3A_1489 = vector.shape_cast %reduce_sum3A_1488 : vector<1024xf32> to vector<1024x1xf32>
    %sqrt3A_1490 = math.sqrt %broadcast_in_dim3A_1489 : vector<1024x1xf32>
    %min3A_1491 = arith.constant 0.999989986 : f32
    %min3A_1492 = vector.broadcast %min3A_1491 : f32 to vector<1024x1xf32>
    %min3A_1493 = arith.minimumf %sqrt3A_1490, %min3A_1492 : vector<1024x1xf32>
    %swap3A_1494 = arith.constant 0 : index
    %swap3A_1495 = arith.constant 78 : index
    %swap3A_1496 = vector.load %arg1[%swap3A_1494, %swap3A_1495] : memref<1024x128xf32, #tpu.memory_space<vmem>>, vector<1024x1xf32>
    tpu.vector_store %arg1[%swap3A_1494, %swap3A_1495], %min3A_1493 {strides = array<i32>} : memref<1024x128xf32, #tpu.memory_space<vmem>>, vector<1024x1xf32>,
    %get3A_1497 = arith.constant 0 : index
    %get3A_1498 = arith.constant 7168 : index
    %get3A_1499 = arith.constant 0 : index
    %get3A_1500 = vector.load %arg2[%get3A_1497, %get3A_1498, %get3A_1499] : memref<3x8192x128xf32, #tpu.memory_space<vmem>>, vector<1x1024x128xf32>
    %get3A_1501 = vector.shape_cast %get3A_1500 : vector<1x1024x128xf32> to vector<1024x128xf32>
    %mul3A_1502 = arith.mulf %get3A_1501, %get3A_1501 : vector<1024x128xf32>
    %reduce_sum3A_1503 = arith.constant dense<0.000000e+00> : vector<1024xf32>
    %reduce_sum3A_1504 = vector.multi_reduction <add>, %mul3A_1502, %reduce_sum3A_1503 [1] : vector<1024x128xf32> to vector<1024xf32>
    %broadcast_in_dim3A_1505 = vector.shape_cast %reduce_sum3A_1504 : vector<1024xf32> to vector<1024x1xf32>
    %sqrt3A_1506 = math.sqrt %broadcast_in_dim3A_1505 : vector<1024x1xf32>
    %min3A_1507 = arith.constant 0.999989986 : f32
    %min3A_1508 = vector.broadcast %min3A_1507 : f32 to vector<1024x1xf32>
    %min3A_1509 = arith.minimumf %sqrt3A_1506, %min3A_1508 : vector<1024x1xf32>
    %swap3A_1510 = arith.constant 0 : index
    %swap3A_1511 = arith.constant 79 : index
    %swap3A_1512 = vector.load %arg1[%swap3A_1510, %swap3A_1511] : memref<1024x128xf32, #tpu.memory_space<vmem>>, vector<1024x1xf32>
    tpu.vector_store %arg1[%swap3A_1510, %swap3A_1511], %min3A_1509 {strides = array<i32>} : memref<1024x128xf32, #tpu.memory_space<vmem>>, vector<1024x1xf32>,
    %dma_wait3A_1513 = arith.constant 1 : i32
    %dma_wait3A_1514 = arith.constant 1 : i32
    %dma_wait3A_1515 = tpu.memref_slice %arg3[%dma_wait3A_1514] : memref<3x!tpu.dma_semaphore, #tpu.memory_space<semaphore_mem>> -> memref<1x!tpu.dma_semaphore, #tpu.memory_space<semaphore_mem>>
    %dma_wait3A_1516 = tpu.memref_squeeze %dma_wait3A_1515 : memref<1x!tpu.dma_semaphore, #tpu.memory_space<semaphore_mem>> -> memref<!tpu.dma_semaphore, #tpu.memory_space<semaphore_mem>>
    %dma_wait3A_1517 = arith.constant 0 : i32
    %dma_wait3A_1518 = arith.constant 0 : i32
    %dma_wait3A_1519 = tpu.memref_slice %arg2[%dma_wait3A_1513, %dma_wait3A_1517, %dma_wait3A_1518] : memref<3x8192x128xf32, #tpu.memory_space<vmem>> -> memref<1x8192x128xf32, #tpu.memory_space<vmem>>
    %dma_wait3A_1520 = tpu.memref_squeeze %dma_wait3A_1519 : memref<1x8192x128xf32, #tpu.memory_space<vmem>> -> memref<8192x128xf32, #tpu.memory_space<vmem>>
    %dma_wait3A_1521 = arith.constant 81920 : i32
    %dma_wait3A_1522 = arith.constant 0 : i32
    %dma_wait3A_1523 = tpu.memref_slice %arg0[%dma_wait3A_1521, %dma_wait3A_1522] : memref<100000x128xf32, #tpu.memory_space<any>> -> memref<8192x128xf32, #tpu.memory_space<any>>
    tpu.wait_dma2 semaphore(%dma_wait3A_1516 : memref<!tpu.dma_semaphore, #tpu.memory_space<semaphore_mem>>) src(%dma_wait3A_1523 : memref<8192x128xf32, #tpu.memory_space<any>>) dst(%dma_wait3A_1520 : memref<8192x128xf32, #tpu.memory_space<vmem>>)
    %dma_start3A_1524 = arith.constant 0 : i32
    %dma_start3A_1525 = arith.constant 0 : i32
    %dma_start3A_1526 = tpu.memref_slice %arg3[%dma_start3A_1525] : memref<3x!tpu.dma_semaphore, #tpu.memory_space<semaphore_mem>> -> memref<1x!tpu.dma_semaphore, #tpu.memory_space<semaphore_mem>>
    %dma_start3A_1527 = tpu.memref_squeeze %dma_start3A_1526 : memref<1x!tpu.dma_semaphore, #tpu.memory_space<semaphore_mem>> -> memref<!tpu.dma_semaphore, #tpu.memory_space<semaphore_mem>>
    %dma_start3A_1528 = arith.constant 0 : i32
    %dma_start3A_1529 = arith.constant 0 : i32
    %dma_start3A_1530 = tpu.memref_slice %arg2[%dma_start3A_1524, %dma_start3A_1528, %dma_start3A_1529] : memref<3x8192x128xf32, #tpu.memory_space<vmem>> -> memref<1x1696x128xf32, #tpu.memory_space<vmem>>
    %dma_start3A_1531 = tpu.memref_squeeze %dma_start3A_1530 : memref<1x1696x128xf32, #tpu.memory_space<vmem>> -> memref<1696x128xf32, #tpu.memory_space<vmem>>
    %dma_start3A_1532 = arith.constant 98304 : i32
    %dma_start3A_1533 = arith.constant 0 : i32
    %dma_start3A_1534 = tpu.memref_slice %arg0[%dma_start3A_1532, %dma_start3A_1533] : memref<100000x128xf32, #tpu.memory_space<any>> -> memref<1696x128xf32, #tpu.memory_space<any>>
    tpu.enqueue_dma source(%dma_start3A_1534 : memref<1696x128xf32, #tpu.memory_space<any>>) target(%dma_start3A_1531 : memref<1696x128xf32, #tpu.memory_space<vmem>>) target_semaphore(%dma_start3A_1527 : memref<!tpu.dma_semaphore, #tpu.memory_space<semaphore_mem>>)
    %get3A_1535 = arith.constant 1 : index
    %get3A_1536 = arith.constant 0 : index
    %get3A_1537 = arith.constant 0 : index
    %get3A_1538 = vector.load %arg2[%get3A_1535, %get3A_1536, %get3A_1537] : memref<3x8192x128xf32, #tpu.memory_space<vmem>>, vector<1x1024x128xf32>
    %get3A_1539 = vector.shape_cast %get3A_1538 : vector<1x1024x128xf32> to vector<1024x128xf32>
    %mul3A_1540 = arith.mulf %get3A_1539, %get3A_1539 : vector<1024x128xf32>
    %reduce_sum3A_1541 = arith.constant dense<0.000000e+00> : vector<1024xf32>
    %reduce_sum3A_1542 = vector.multi_reduction <add>, %mul3A_1540, %reduce_sum3A_1541 [1] : vector<1024x128xf32> to vector<1024xf32>
    %broadcast_in_dim3A_1543 = vector.shape_cast %reduce_sum3A_1542 : vector<1024xf32> to vector<1024x1xf32>
    %sqrt3A_1544 = math.sqrt %broadcast_in_dim3A_1543 : vector<1024x1xf32>
    %min3A_1545 = arith.constant 0.999989986 : f32
    %min3A_1546 = vector.broadcast %min3A_1545 : f32 to vector<1024x1xf32>
    %min3A_1547 = arith.minimumf %sqrt3A_1544, %min3A_1546 : vector<1024x1xf32>
    %swap3A_1548 = arith.constant 0 : index
    %swap3A_1549 = arith.constant 80 : index
    %swap3A_1550 = vector.load %arg1[%swap3A_1548, %swap3A_1549] : memref<1024x128xf32, #tpu.memory_space<vmem>>, vector<1024x1xf32>
    tpu.vector_store %arg1[%swap3A_1548, %swap3A_1549], %min3A_1547 {strides = array<i32>} : memref<1024x128xf32, #tpu.memory_space<vmem>>, vector<1024x1xf32>,
    %get3A_1551 = arith.constant 1 : index
    %get3A_1552 = arith.constant 1024 : index
    %get3A_1553 = arith.constant 0 : index
    %get3A_1554 = vector.load %arg2[%get3A_1551, %get3A_1552, %get3A_1553] : memref<3x8192x128xf32, #tpu.memory_space<vmem>>, vector<1x1024x128xf32>
    %get3A_1555 = vector.shape_cast %get3A_1554 : vector<1x1024x128xf32> to vector<1024x128xf32>
    %mul3A_1556 = arith.mulf %get3A_1555, %get3A_1555 : vector<1024x128xf32>
    %reduce_sum3A_1557 = arith.constant dense<0.000000e+00> : vector<1024xf32>
    %reduce_sum3A_1558 = vector.multi_reduction <add>, %mul3A_1556, %reduce_sum3A_1557 [1] : vector<1024x128xf32> to vector<1024xf32>
    %broadcast_in_dim3A_1559 = vector.shape_cast %reduce_sum3A_1558 : vector<1024xf32> to vector<1024x1xf32>
    %sqrt3A_1560 = math.sqrt %broadcast_in_dim3A_1559 : vector<1024x1xf32>
    %min3A_1561 = arith.constant 0.999989986 : f32
    %min3A_1562 = vector.broadcast %min3A_1561 : f32 to vector<1024x1xf32>
    %min3A_1563 = arith.minimumf %sqrt3A_1560, %min3A_1562 : vector<1024x1xf32>
    %swap3A_1564 = arith.constant 0 : index
    %swap3A_1565 = arith.constant 81 : index
    %swap3A_1566 = vector.load %arg1[%swap3A_1564, %swap3A_1565] : memref<1024x128xf32, #tpu.memory_space<vmem>>, vector<1024x1xf32>
    tpu.vector_store %arg1[%swap3A_1564, %swap3A_1565], %min3A_1563 {strides = array<i32>} : memref<1024x128xf32, #tpu.memory_space<vmem>>, vector<1024x1xf32>,
    %get3A_1567 = arith.constant 1 : index
    %get3A_1568 = arith.constant 2048 : index
    %get3A_1569 = arith.constant 0 : index
    %get3A_1570 = vector.load %arg2[%get3A_1567, %get3A_1568, %get3A_1569] : memref<3x8192x128xf32, #tpu.memory_space<vmem>>, vector<1x1024x128xf32>
    %get3A_1571 = vector.shape_cast %get3A_1570 : vector<1x1024x128xf32> to vector<1024x128xf32>
    %mul3A_1572 = arith.mulf %get3A_1571, %get3A_1571 : vector<1024x128xf32>
    %reduce_sum3A_1573 = arith.constant dense<0.000000e+00> : vector<1024xf32>
    %reduce_sum3A_1574 = vector.multi_reduction <add>, %mul3A_1572, %reduce_sum3A_1573 [1] : vector<1024x128xf32> to vector<1024xf32>
    %broadcast_in_dim3A_1575 = vector.shape_cast %reduce_sum3A_1574 : vector<1024xf32> to vector<1024x1xf32>
    %sqrt3A_1576 = math.sqrt %broadcast_in_dim3A_1575 : vector<1024x1xf32>
    %min3A_1577 = arith.constant 0.999989986 : f32
    %min3A_1578 = vector.broadcast %min3A_1577 : f32 to vector<1024x1xf32>
    %min3A_1579 = arith.minimumf %sqrt3A_1576, %min3A_1578 : vector<1024x1xf32>
    %swap3A_1580 = arith.constant 0 : index
    %swap3A_1581 = arith.constant 82 : index
    %swap3A_1582 = vector.load %arg1[%swap3A_1580, %swap3A_1581] : memref<1024x128xf32, #tpu.memory_space<vmem>>, vector<1024x1xf32>
    tpu.vector_store %arg1[%swap3A_1580, %swap3A_1581], %min3A_1579 {strides = array<i32>} : memref<1024x128xf32, #tpu.memory_space<vmem>>, vector<1024x1xf32>,
    %get3A_1583 = arith.constant 1 : index
    %get3A_1584 = arith.constant 3072 : index
    %get3A_1585 = arith.constant 0 : index
    %get3A_1586 = vector.load %arg2[%get3A_1583, %get3A_1584, %get3A_1585] : memref<3x8192x128xf32, #tpu.memory_space<vmem>>, vector<1x1024x128xf32>
    %get3A_1587 = vector.shape_cast %get3A_1586 : vector<1x1024x128xf32> to vector<1024x128xf32>
    %mul3A_1588 = arith.mulf %get3A_1587, %get3A_1587 : vector<1024x128xf32>
    %reduce_sum3A_1589 = arith.constant dense<0.000000e+00> : vector<1024xf32>
    %reduce_sum3A_1590 = vector.multi_reduction <add>, %mul3A_1588, %reduce_sum3A_1589 [1] : vector<1024x128xf32> to vector<1024xf32>
    %broadcast_in_dim3A_1591 = vector.shape_cast %reduce_sum3A_1590 : vector<1024xf32> to vector<1024x1xf32>
    %sqrt3A_1592 = math.sqrt %broadcast_in_dim3A_1591 : vector<1024x1xf32>
    %min3A_1593 = arith.constant 0.999989986 : f32
    %min3A_1594 = vector.broadcast %min3A_1593 : f32 to vector<1024x1xf32>
    %min3A_1595 = arith.minimumf %sqrt3A_1592, %min3A_1594 : vector<1024x1xf32>
    %swap3A_1596 = arith.constant 0 : index
    %swap3A_1597 = arith.constant 83 : index
    %swap3A_1598 = vector.load %arg1[%swap3A_1596, %swap3A_1597] : memref<1024x128xf32, #tpu.memory_space<vmem>>, vector<1024x1xf32>
    tpu.vector_store %arg1[%swap3A_1596, %swap3A_1597], %min3A_1595 {strides = array<i32>} : memref<1024x128xf32, #tpu.memory_space<vmem>>, vector<1024x1xf32>,
    %get3A_1599 = arith.constant 1 : index
    %get3A_1600 = arith.constant 4096 : index
    %get3A_1601 = arith.constant 0 : index
    %get3A_1602 = vector.load %arg2[%get3A_1599, %get3A_1600, %get3A_1601] : memref<3x8192x128xf32, #tpu.memory_space<vmem>>, vector<1x1024x128xf32>
    %get3A_1603 = vector.shape_cast %get3A_1602 : vector<1x1024x128xf32> to vector<1024x128xf32>
    %mul3A_1604 = arith.mulf %get3A_1603, %get3A_1603 : vector<1024x128xf32>
    %reduce_sum3A_1605 = arith.constant dense<0.000000e+00> : vector<1024xf32>
    %reduce_sum3A_1606 = vector.multi_reduction <add>, %mul3A_1604, %reduce_sum3A_1605 [1] : vector<1024x128xf32> to vector<1024xf32>
    %broadcast_in_dim3A_1607 = vector.shape_cast %reduce_sum3A_1606 : vector<1024xf32> to vector<1024x1xf32>
    %sqrt3A_1608 = math.sqrt %broadcast_in_dim3A_1607 : vector<1024x1xf32>
    %min3A_1609 = arith.constant 0.999989986 : f32
    %min3A_1610 = vector.broadcast %min3A_1609 : f32 to vector<1024x1xf32>
    %min3A_1611 = arith.minimumf %sqrt3A_1608, %min3A_1610 : vector<1024x1xf32>
    %swap3A_1612 = arith.constant 0 : index
    %swap3A_1613 = arith.constant 84 : index
    %swap3A_1614 = vector.load %arg1[%swap3A_1612, %swap3A_1613] : memref<1024x128xf32, #tpu.memory_space<vmem>>, vector<1024x1xf32>
    tpu.vector_store %arg1[%swap3A_1612, %swap3A_1613], %min3A_1611 {strides = array<i32>} : memref<1024x128xf32, #tpu.memory_space<vmem>>, vector<1024x1xf32>,
    %get3A_1615 = arith.constant 1 : index
    %get3A_1616 = arith.constant 5120 : index
    %get3A_1617 = arith.constant 0 : index
    %get3A_1618 = vector.load %arg2[%get3A_1615, %get3A_1616, %get3A_1617] : memref<3x8192x128xf32, #tpu.memory_space<vmem>>, vector<1x1024x128xf32>
    %get3A_1619 = vector.shape_cast %get3A_1618 : vector<1x1024x128xf32> to vector<1024x128xf32>
    %mul3A_1620 = arith.mulf %get3A_1619, %get3A_1619 : vector<1024x128xf32>
    %reduce_sum3A_1621 = arith.constant dense<0.000000e+00> : vector<1024xf32>
    %reduce_sum3A_1622 = vector.multi_reduction <add>, %mul3A_1620, %reduce_sum3A_1621 [1] : vector<1024x128xf32> to vector<1024xf32>
    %broadcast_in_dim3A_1623 = vector.shape_cast %reduce_sum3A_1622 : vector<1024xf32> to vector<1024x1xf32>
    %sqrt3A_1624 = math.sqrt %broadcast_in_dim3A_1623 : vector<1024x1xf32>
    %min3A_1625 = arith.constant 0.999989986 : f32
    %min3A_1626 = vector.broadcast %min3A_1625 : f32 to vector<1024x1xf32>
    %min3A_1627 = arith.minimumf %sqrt3A_1624, %min3A_1626 : vector<1024x1xf32>
    %swap3A_1628 = arith.constant 0 : index
    %swap3A_1629 = arith.constant 85 : index
    %swap3A_1630 = vector.load %arg1[%swap3A_1628, %swap3A_1629] : memref<1024x128xf32, #tpu.memory_space<vmem>>, vector<1024x1xf32>
    tpu.vector_store %arg1[%swap3A_1628, %swap3A_1629], %min3A_1627 {strides = array<i32>} : memref<1024x128xf32, #tpu.memory_space<vmem>>, vector<1024x1xf32>,
    %get3A_1631 = arith.constant 1 : index
    %get3A_1632 = arith.constant 6144 : index
    %get3A_1633 = arith.constant 0 : index
    %get3A_1634 = vector.load %arg2[%get3A_1631, %get3A_1632, %get3A_1633] : memref<3x8192x128xf32, #tpu.memory_space<vmem>>, vector<1x1024x128xf32>
    %get3A_1635 = vector.shape_cast %get3A_1634 : vector<1x1024x128xf32> to vector<1024x128xf32>
    %mul3A_1636 = arith.mulf %get3A_1635, %get3A_1635 : vector<1024x128xf32>
    %reduce_sum3A_1637 = arith.constant dense<0.000000e+00> : vector<1024xf32>
    %reduce_sum3A_1638 = vector.multi_reduction <add>, %mul3A_1636, %reduce_sum3A_1637 [1] : vector<1024x128xf32> to vector<1024xf32>
    %broadcast_in_dim3A_1639 = vector.shape_cast %reduce_sum3A_1638 : vector<1024xf32> to vector<1024x1xf32>
    %sqrt3A_1640 = math.sqrt %broadcast_in_dim3A_1639 : vector<1024x1xf32>
    %min3A_1641 = arith.constant 0.999989986 : f32
    %min3A_1642 = vector.broadcast %min3A_1641 : f32 to vector<1024x1xf32>
    %min3A_1643 = arith.minimumf %sqrt3A_1640, %min3A_1642 : vector<1024x1xf32>
    %swap3A_1644 = arith.constant 0 : index
    %swap3A_1645 = arith.constant 86 : index
    %swap3A_1646 = vector.load %arg1[%swap3A_1644, %swap3A_1645] : memref<1024x128xf32, #tpu.memory_space<vmem>>, vector<1024x1xf32>
    tpu.vector_store %arg1[%swap3A_1644, %swap3A_1645], %min3A_1643 {strides = array<i32>} : memref<1024x128xf32, #tpu.memory_space<vmem>>, vector<1024x1xf32>,
    %get3A_1647 = arith.constant 1 : index
    %get3A_1648 = arith.constant 7168 : index
    %get3A_1649 = arith.constant 0 : index
    %get3A_1650 = vector.load %arg2[%get3A_1647, %get3A_1648, %get3A_1649] : memref<3x8192x128xf32, #tpu.memory_space<vmem>>, vector<1x1024x128xf32>
    %get3A_1651 = vector.shape_cast %get3A_1650 : vector<1x1024x128xf32> to vector<1024x128xf32>
    %mul3A_1652 = arith.mulf %get3A_1651, %get3A_1651 : vector<1024x128xf32>
    %reduce_sum3A_1653 = arith.constant dense<0.000000e+00> : vector<1024xf32>
    %reduce_sum3A_1654 = vector.multi_reduction <add>, %mul3A_1652, %reduce_sum3A_1653 [1] : vector<1024x128xf32> to vector<1024xf32>
    %broadcast_in_dim3A_1655 = vector.shape_cast %reduce_sum3A_1654 : vector<1024xf32> to vector<1024x1xf32>
    %sqrt3A_1656 = math.sqrt %broadcast_in_dim3A_1655 : vector<1024x1xf32>
    %min3A_1657 = arith.constant 0.999989986 : f32
    %min3A_1658 = vector.broadcast %min3A_1657 : f32 to vector<1024x1xf32>
    %min3A_1659 = arith.minimumf %sqrt3A_1656, %min3A_1658 : vector<1024x1xf32>
    %swap3A_1660 = arith.constant 0 : index
    %swap3A_1661 = arith.constant 87 : index
    %swap3A_1662 = vector.load %arg1[%swap3A_1660, %swap3A_1661] : memref<1024x128xf32, #tpu.memory_space<vmem>>, vector<1024x1xf32>
    tpu.vector_store %arg1[%swap3A_1660, %swap3A_1661], %min3A_1659 {strides = array<i32>} : memref<1024x128xf32, #tpu.memory_space<vmem>>, vector<1024x1xf32>,
    %dma_wait3A_1663 = arith.constant 2 : i32
    %dma_wait3A_1664 = arith.constant 2 : i32
    %dma_wait3A_1665 = tpu.memref_slice %arg3[%dma_wait3A_1664] : memref<3x!tpu.dma_semaphore, #tpu.memory_space<semaphore_mem>> -> memref<1x!tpu.dma_semaphore, #tpu.memory_space<semaphore_mem>>
    %dma_wait3A_1666 = tpu.memref_squeeze %dma_wait3A_1665 : memref<1x!tpu.dma_semaphore, #tpu.memory_space<semaphore_mem>> -> memref<!tpu.dma_semaphore, #tpu.memory_space<semaphore_mem>>
    %dma_wait3A_1667 = arith.constant 0 : i32
    %dma_wait3A_1668 = arith.constant 0 : i32
    %dma_wait3A_1669 = tpu.memref_slice %arg2[%dma_wait3A_1663, %dma_wait3A_1667, %dma_wait3A_1668] : memref<3x8192x128xf32, #tpu.memory_space<vmem>> -> memref<1x8192x128xf32, #tpu.memory_space<vmem>>
    %dma_wait3A_1670 = tpu.memref_squeeze %dma_wait3A_1669 : memref<1x8192x128xf32, #tpu.memory_space<vmem>> -> memref<8192x128xf32, #tpu.memory_space<vmem>>
    %dma_wait3A_1671 = arith.constant 90112 : i32
    %dma_wait3A_1672 = arith.constant 0 : i32
    %dma_wait3A_1673 = tpu.memref_slice %arg0[%dma_wait3A_1671, %dma_wait3A_1672] : memref<100000x128xf32, #tpu.memory_space<any>> -> memref<8192x128xf32, #tpu.memory_space<any>>
    tpu.wait_dma2 semaphore(%dma_wait3A_1666 : memref<!tpu.dma_semaphore, #tpu.memory_space<semaphore_mem>>) src(%dma_wait3A_1673 : memref<8192x128xf32, #tpu.memory_space<any>>) dst(%dma_wait3A_1670 : memref<8192x128xf32, #tpu.memory_space<vmem>>)
    %get3A_1674 = arith.constant 2 : index
    %get3A_1675 = arith.constant 0 : index
    %get3A_1676 = arith.constant 0 : index
    %get3A_1677 = vector.load %arg2[%get3A_1674, %get3A_1675, %get3A_1676] : memref<3x8192x128xf32, #tpu.memory_space<vmem>>, vector<1x1024x128xf32>
    %get3A_1678 = vector.shape_cast %get3A_1677 : vector<1x1024x128xf32> to vector<1024x128xf32>
    %mul3A_1679 = arith.mulf %get3A_1678, %get3A_1678 : vector<1024x128xf32>
    %reduce_sum3A_1680 = arith.constant dense<0.000000e+00> : vector<1024xf32>
    %reduce_sum3A_1681 = vector.multi_reduction <add>, %mul3A_1679, %reduce_sum3A_1680 [1] : vector<1024x128xf32> to vector<1024xf32>
    %broadcast_in_dim3A_1682 = vector.shape_cast %reduce_sum3A_1681 : vector<1024xf32> to vector<1024x1xf32>
    %sqrt3A_1683 = math.sqrt %broadcast_in_dim3A_1682 : vector<1024x1xf32>
    %min3A_1684 = arith.constant 0.999989986 : f32
    %min3A_1685 = vector.broadcast %min3A_1684 : f32 to vector<1024x1xf32>
    %min3A_1686 = arith.minimumf %sqrt3A_1683, %min3A_1685 : vector<1024x1xf32>
    %swap3A_1687 = arith.constant 0 : index
    %swap3A_1688 = arith.constant 88 : index
    %swap3A_1689 = vector.load %arg1[%swap3A_1687, %swap3A_1688] : memref<1024x128xf32, #tpu.memory_space<vmem>>, vector<1024x1xf32>
    tpu.vector_store %arg1[%swap3A_1687, %swap3A_1688], %min3A_1686 {strides = array<i32>} : memref<1024x128xf32, #tpu.memory_space<vmem>>, vector<1024x1xf32>,
    %get3A_1690 = arith.constant 2 : index
    %get3A_1691 = arith.constant 1024 : index
    %get3A_1692 = arith.constant 0 : index
    %get3A_1693 = vector.load %arg2[%get3A_1690, %get3A_1691, %get3A_1692] : memref<3x8192x128xf32, #tpu.memory_space<vmem>>, vector<1x1024x128xf32>
    %get3A_1694 = vector.shape_cast %get3A_1693 : vector<1x1024x128xf32> to vector<1024x128xf32>
    %mul3A_1695 = arith.mulf %get3A_1694, %get3A_1694 : vector<1024x128xf32>
    %reduce_sum3A_1696 = arith.constant dense<0.000000e+00> : vector<1024xf32>
    %reduce_sum3A_1697 = vector.multi_reduction <add>, %mul3A_1695, %reduce_sum3A_1696 [1] : vector<1024x128xf32> to vector<1024xf32>
    %broadcast_in_dim3A_1698 = vector.shape_cast %reduce_sum3A_1697 : vector<1024xf32> to vector<1024x1xf32>
    %sqrt3A_1699 = math.sqrt %broadcast_in_dim3A_1698 : vector<1024x1xf32>
    %min3A_1700 = arith.constant 0.999989986 : f32
    %min3A_1701 = vector.broadcast %min3A_1700 : f32 to vector<1024x1xf32>
    %min3A_1702 = arith.minimumf %sqrt3A_1699, %min3A_1701 : vector<1024x1xf32>
    %swap3A_1703 = arith.constant 0 : index
    %swap3A_1704 = arith.constant 89 : index
    %swap3A_1705 = vector.load %arg1[%swap3A_1703, %swap3A_1704] : memref<1024x128xf32, #tpu.memory_space<vmem>>, vector<1024x1xf32>
    tpu.vector_store %arg1[%swap3A_1703, %swap3A_1704], %min3A_1702 {strides = array<i32>} : memref<1024x128xf32, #tpu.memory_space<vmem>>, vector<1024x1xf32>,
    %get3A_1706 = arith.constant 2 : index
    %get3A_1707 = arith.constant 2048 : index
    %get3A_1708 = arith.constant 0 : index
    %get3A_1709 = vector.load %arg2[%get3A_1706, %get3A_1707, %get3A_1708] : memref<3x8192x128xf32, #tpu.memory_space<vmem>>, vector<1x1024x128xf32>
    %get3A_1710 = vector.shape_cast %get3A_1709 : vector<1x1024x128xf32> to vector<1024x128xf32>
    %mul3A_1711 = arith.mulf %get3A_1710, %get3A_1710 : vector<1024x128xf32>
    %reduce_sum3A_1712 = arith.constant dense<0.000000e+00> : vector<1024xf32>
    %reduce_sum3A_1713 = vector.multi_reduction <add>, %mul3A_1711, %reduce_sum3A_1712 [1] : vector<1024x128xf32> to vector<1024xf32>
    %broadcast_in_dim3A_1714 = vector.shape_cast %reduce_sum3A_1713 : vector<1024xf32> to vector<1024x1xf32>
    %sqrt3A_1715 = math.sqrt %broadcast_in_dim3A_1714 : vector<1024x1xf32>
    %min3A_1716 = arith.constant 0.999989986 : f32
    %min3A_1717 = vector.broadcast %min3A_1716 : f32 to vector<1024x1xf32>
    %min3A_1718 = arith.minimumf %sqrt3A_1715, %min3A_1717 : vector<1024x1xf32>
    %swap3A_1719 = arith.constant 0 : index
    %swap3A_1720 = arith.constant 90 : index
    %swap3A_1721 = vector.load %arg1[%swap3A_1719, %swap3A_1720] : memref<1024x128xf32, #tpu.memory_space<vmem>>, vector<1024x1xf32>
    tpu.vector_store %arg1[%swap3A_1719, %swap3A_1720], %min3A_1718 {strides = array<i32>} : memref<1024x128xf32, #tpu.memory_space<vmem>>, vector<1024x1xf32>,
    %get3A_1722 = arith.constant 2 : index
    %get3A_1723 = arith.constant 3072 : index
    %get3A_1724 = arith.constant 0 : index
    %get3A_1725 = vector.load %arg2[%get3A_1722, %get3A_1723, %get3A_1724] : memref<3x8192x128xf32, #tpu.memory_space<vmem>>, vector<1x1024x128xf32>
    %get3A_1726 = vector.shape_cast %get3A_1725 : vector<1x1024x128xf32> to vector<1024x128xf32>
    %mul3A_1727 = arith.mulf %get3A_1726, %get3A_1726 : vector<1024x128xf32>
    %reduce_sum3A_1728 = arith.constant dense<0.000000e+00> : vector<1024xf32>
    %reduce_sum3A_1729 = vector.multi_reduction <add>, %mul3A_1727, %reduce_sum3A_1728 [1] : vector<1024x128xf32> to vector<1024xf32>
    %broadcast_in_dim3A_1730 = vector.shape_cast %reduce_sum3A_1729 : vector<1024xf32> to vector<1024x1xf32>
    %sqrt3A_1731 = math.sqrt %broadcast_in_dim3A_1730 : vector<1024x1xf32>
    %min3A_1732 = arith.constant 0.999989986 : f32
    %min3A_1733 = vector.broadcast %min3A_1732 : f32 to vector<1024x1xf32>
    %min3A_1734 = arith.minimumf %sqrt3A_1731, %min3A_1733 : vector<1024x1xf32>
    %swap3A_1735 = arith.constant 0 : index
    %swap3A_1736 = arith.constant 91 : index
    %swap3A_1737 = vector.load %arg1[%swap3A_1735, %swap3A_1736] : memref<1024x128xf32, #tpu.memory_space<vmem>>, vector<1024x1xf32>
    tpu.vector_store %arg1[%swap3A_1735, %swap3A_1736], %min3A_1734 {strides = array<i32>} : memref<1024x128xf32, #tpu.memory_space<vmem>>, vector<1024x1xf32>,
    %get3A_1738 = arith.constant 2 : index
    %get3A_1739 = arith.constant 4096 : index
    %get3A_1740 = arith.constant 0 : index
    %get3A_1741 = vector.load %arg2[%get3A_1738, %get3A_1739, %get3A_1740] : memref<3x8192x128xf32, #tpu.memory_space<vmem>>, vector<1x1024x128xf32>
    %get3A_1742 = vector.shape_cast %get3A_1741 : vector<1x1024x128xf32> to vector<1024x128xf32>
    %mul3A_1743 = arith.mulf %get3A_1742, %get3A_1742 : vector<1024x128xf32>
    %reduce_sum3A_1744 = arith.constant dense<0.000000e+00> : vector<1024xf32>
    %reduce_sum3A_1745 = vector.multi_reduction <add>, %mul3A_1743, %reduce_sum3A_1744 [1] : vector<1024x128xf32> to vector<1024xf32>
    %broadcast_in_dim3A_1746 = vector.shape_cast %reduce_sum3A_1745 : vector<1024xf32> to vector<1024x1xf32>
    %sqrt3A_1747 = math.sqrt %broadcast_in_dim3A_1746 : vector<1024x1xf32>
    %min3A_1748 = arith.constant 0.999989986 : f32
    %min3A_1749 = vector.broadcast %min3A_1748 : f32 to vector<1024x1xf32>
    %min3A_1750 = arith.minimumf %sqrt3A_1747, %min3A_1749 : vector<1024x1xf32>
    %swap3A_1751 = arith.constant 0 : index
    %swap3A_1752 = arith.constant 92 : index
    %swap3A_1753 = vector.load %arg1[%swap3A_1751, %swap3A_1752] : memref<1024x128xf32, #tpu.memory_space<vmem>>, vector<1024x1xf32>
    tpu.vector_store %arg1[%swap3A_1751, %swap3A_1752], %min3A_1750 {strides = array<i32>} : memref<1024x128xf32, #tpu.memory_space<vmem>>, vector<1024x1xf32>,
    %get3A_1754 = arith.constant 2 : index
    %get3A_1755 = arith.constant 5120 : index
    %get3A_1756 = arith.constant 0 : index
    %get3A_1757 = vector.load %arg2[%get3A_1754, %get3A_1755, %get3A_1756] : memref<3x8192x128xf32, #tpu.memory_space<vmem>>, vector<1x1024x128xf32>
    %get3A_1758 = vector.shape_cast %get3A_1757 : vector<1x1024x128xf32> to vector<1024x128xf32>
    %mul3A_1759 = arith.mulf %get3A_1758, %get3A_1758 : vector<1024x128xf32>
    %reduce_sum3A_1760 = arith.constant dense<0.000000e+00> : vector<1024xf32>
    %reduce_sum3A_1761 = vector.multi_reduction <add>, %mul3A_1759, %reduce_sum3A_1760 [1] : vector<1024x128xf32> to vector<1024xf32>
    %broadcast_in_dim3A_1762 = vector.shape_cast %reduce_sum3A_1761 : vector<1024xf32> to vector<1024x1xf32>
    %sqrt3A_1763 = math.sqrt %broadcast_in_dim3A_1762 : vector<1024x1xf32>
    %min3A_1764 = arith.constant 0.999989986 : f32
    %min3A_1765 = vector.broadcast %min3A_1764 : f32 to vector<1024x1xf32>
    %min3A_1766 = arith.minimumf %sqrt3A_1763, %min3A_1765 : vector<1024x1xf32>
    %swap3A_1767 = arith.constant 0 : index
    %swap3A_1768 = arith.constant 93 : index
    %swap3A_1769 = vector.load %arg1[%swap3A_1767, %swap3A_1768] : memref<1024x128xf32, #tpu.memory_space<vmem>>, vector<1024x1xf32>
    tpu.vector_store %arg1[%swap3A_1767, %swap3A_1768], %min3A_1766 {strides = array<i32>} : memref<1024x128xf32, #tpu.memory_space<vmem>>, vector<1024x1xf32>,
    %get3A_1770 = arith.constant 2 : index
    %get3A_1771 = arith.constant 6144 : index
    %get3A_1772 = arith.constant 0 : index
    %get3A_1773 = vector.load %arg2[%get3A_1770, %get3A_1771, %get3A_1772] : memref<3x8192x128xf32, #tpu.memory_space<vmem>>, vector<1x1024x128xf32>
    %get3A_1774 = vector.shape_cast %get3A_1773 : vector<1x1024x128xf32> to vector<1024x128xf32>
    %mul3A_1775 = arith.mulf %get3A_1774, %get3A_1774 : vector<1024x128xf32>
    %reduce_sum3A_1776 = arith.constant dense<0.000000e+00> : vector<1024xf32>
    %reduce_sum3A_1777 = vector.multi_reduction <add>, %mul3A_1775, %reduce_sum3A_1776 [1] : vector<1024x128xf32> to vector<1024xf32>
    %broadcast_in_dim3A_1778 = vector.shape_cast %reduce_sum3A_1777 : vector<1024xf32> to vector<1024x1xf32>
    %sqrt3A_1779 = math.sqrt %broadcast_in_dim3A_1778 : vector<1024x1xf32>
    %min3A_1780 = arith.constant 0.999989986 : f32
    %min3A_1781 = vector.broadcast %min3A_1780 : f32 to vector<1024x1xf32>
    %min3A_1782 = arith.minimumf %sqrt3A_1779, %min3A_1781 : vector<1024x1xf32>
    %swap3A_1783 = arith.constant 0 : index
    %swap3A_1784 = arith.constant 94 : index
    %swap3A_1785 = vector.load %arg1[%swap3A_1783, %swap3A_1784] : memref<1024x128xf32, #tpu.memory_space<vmem>>, vector<1024x1xf32>
    tpu.vector_store %arg1[%swap3A_1783, %swap3A_1784], %min3A_1782 {strides = array<i32>} : memref<1024x128xf32, #tpu.memory_space<vmem>>, vector<1024x1xf32>,
    %get3A_1786 = arith.constant 2 : index
    %get3A_1787 = arith.constant 7168 : index
    %get3A_1788 = arith.constant 0 : index
    %get3A_1789 = vector.load %arg2[%get3A_1786, %get3A_1787, %get3A_1788] : memref<3x8192x128xf32, #tpu.memory_space<vmem>>, vector<1x1024x128xf32>
    %get3A_1790 = vector.shape_cast %get3A_1789 : vector<1x1024x128xf32> to vector<1024x128xf32>
    %mul3A_1791 = arith.mulf %get3A_1790, %get3A_1790 : vector<1024x128xf32>
    %reduce_sum3A_1792 = arith.constant dense<0.000000e+00> : vector<1024xf32>
    %reduce_sum3A_1793 = vector.multi_reduction <add>, %mul3A_1791, %reduce_sum3A_1792 [1] : vector<1024x128xf32> to vector<1024xf32>
    %broadcast_in_dim3A_1794 = vector.shape_cast %reduce_sum3A_1793 : vector<1024xf32> to vector<1024x1xf32>
    %sqrt3A_1795 = math.sqrt %broadcast_in_dim3A_1794 : vector<1024x1xf32>
    %min3A_1796 = arith.constant 0.999989986 : f32
    %min3A_1797 = vector.broadcast %min3A_1796 : f32 to vector<1024x1xf32>
    %min3A_1798 = arith.minimumf %sqrt3A_1795, %min3A_1797 : vector<1024x1xf32>
    %swap3A_1799 = arith.constant 0 : index
    %swap3A_1800 = arith.constant 95 : index
    %swap3A_1801 = vector.load %arg1[%swap3A_1799, %swap3A_1800] : memref<1024x128xf32, #tpu.memory_space<vmem>>, vector<1024x1xf32>
    tpu.vector_store %arg1[%swap3A_1799, %swap3A_1800], %min3A_1798 {strides = array<i32>} : memref<1024x128xf32, #tpu.memory_space<vmem>>, vector<1024x1xf32>,
    %dma_wait3A_1802 = arith.constant 0 : i32
    %dma_wait3A_1803 = arith.constant 0 : i32
    %dma_wait3A_1804 = tpu.memref_slice %arg3[%dma_wait3A_1803] : memref<3x!tpu.dma_semaphore, #tpu.memory_space<semaphore_mem>> -> memref<1x!tpu.dma_semaphore, #tpu.memory_space<semaphore_mem>>
    %dma_wait3A_1805 = tpu.memref_squeeze %dma_wait3A_1804 : memref<1x!tpu.dma_semaphore, #tpu.memory_space<semaphore_mem>> -> memref<!tpu.dma_semaphore, #tpu.memory_space<semaphore_mem>>
    %dma_wait3A_1806 = arith.constant 0 : i32
    %dma_wait3A_1807 = arith.constant 0 : i32
    %dma_wait3A_1808 = tpu.memref_slice %arg2[%dma_wait3A_1802, %dma_wait3A_1806, %dma_wait3A_1807] : memref<3x8192x128xf32, #tpu.memory_space<vmem>> -> memref<1x1696x128xf32, #tpu.memory_space<vmem>>
    %dma_wait3A_1809 = tpu.memref_squeeze %dma_wait3A_1808 : memref<1x1696x128xf32, #tpu.memory_space<vmem>> -> memref<1696x128xf32, #tpu.memory_space<vmem>>
    %dma_wait3A_1810 = arith.constant 98304 : i32
    %dma_wait3A_1811 = arith.constant 0 : i32
    %dma_wait3A_1812 = tpu.memref_slice %arg0[%dma_wait3A_1810, %dma_wait3A_1811] : memref<100000x128xf32, #tpu.memory_space<any>> -> memref<1696x128xf32, #tpu.memory_space<any>>
    tpu.wait_dma2 semaphore(%dma_wait3A_1805 : memref<!tpu.dma_semaphore, #tpu.memory_space<semaphore_mem>>) src(%dma_wait3A_1812 : memref<1696x128xf32, #tpu.memory_space<any>>) dst(%dma_wait3A_1809 : memref<1696x128xf32, #tpu.memory_space<vmem>>)
    %get3A_1813 = arith.constant 0 : index
    %get3A_1814 = arith.constant 0 : index
    %get3A_1815 = arith.constant 0 : index
    %get3A_1816 = vector.load %arg2[%get3A_1813, %get3A_1814, %get3A_1815] : memref<3x8192x128xf32, #tpu.memory_space<vmem>>, vector<1x1024x128xf32>
    %get3A_1817 = vector.shape_cast %get3A_1816 : vector<1x1024x128xf32> to vector<1024x128xf32>
    %mul3A_1818 = arith.mulf %get3A_1817, %get3A_1817 : vector<1024x128xf32>
    %reduce_sum3A_1819 = arith.constant dense<0.000000e+00> : vector<1024xf32>
    %reduce_sum3A_1820 = vector.multi_reduction <add>, %mul3A_1818, %reduce_sum3A_1819 [1] : vector<1024x128xf32> to vector<1024xf32>
    %broadcast_in_dim3A_1821 = vector.shape_cast %reduce_sum3A_1820 : vector<1024xf32> to vector<1024x1xf32>
    %sqrt3A_1822 = math.sqrt %broadcast_in_dim3A_1821 : vector<1024x1xf32>
    %min3A_1823 = arith.constant 0.999989986 : f32
    %min3A_1824 = vector.broadcast %min3A_1823 : f32 to vector<1024x1xf32>
    %min3A_1825 = arith.minimumf %sqrt3A_1822, %min3A_1824 : vector<1024x1xf32>
    %swap3A_1826 = arith.constant 0 : index
    %swap3A_1827 = arith.constant 96 : index
    %swap3A_1828 = vector.load %arg1[%swap3A_1826, %swap3A_1827] : memref<1024x128xf32, #tpu.memory_space<vmem>>, vector<1024x1xf32>
    tpu.vector_store %arg1[%swap3A_1826, %swap3A_1827], %min3A_1825 {strides = array<i32>} : memref<1024x128xf32, #tpu.memory_space<vmem>>, vector<1024x1xf32>,
    %get3A_1829 = arith.constant 0 : index
    %get3A_1830 = arith.constant 1024 : index
    %get3A_1831 = arith.constant 0 : index
    %get3A_1832 = vector.load %arg2[%get3A_1829, %get3A_1830, %get3A_1831] : memref<3x8192x128xf32, #tpu.memory_space<vmem>>, vector<1x672x128xf32>
    %get3A_1833 = vector.shape_cast %get3A_1832 : vector<1x672x128xf32> to vector<672x128xf32>
    %mul3A_1834 = arith.mulf %get3A_1833, %get3A_1833 : vector<672x128xf32>
    %reduce_sum3A_1835 = arith.constant dense<0.000000e+00> : vector<672xf32>
    %reduce_sum3A_1836 = vector.multi_reduction <add>, %mul3A_1834, %reduce_sum3A_1835 [1] : vector<672x128xf32> to vector<672xf32>
    %broadcast_in_dim3A_1837 = vector.shape_cast %reduce_sum3A_1836 : vector<672xf32> to vector<672x1xf32>
    %sqrt3A_1838 = math.sqrt %broadcast_in_dim3A_1837 : vector<672x1xf32>
    %min3A_1839 = arith.constant 0.999989986 : f32
    %min3A_1840 = vector.broadcast %min3A_1839 : f32 to vector<672x1xf32>
    %min3A_1841 = arith.minimumf %sqrt3A_1838, %min3A_1840 : vector<672x1xf32>
    %swap3A_1842 = arith.constant 0 : index
    %swap3A_1843 = arith.constant 97 : index
    %swap3A_1844 = vector.load %arg1[%swap3A_1842, %swap3A_1843] : memref<1024x128xf32, #tpu.memory_space<vmem>>, vector<672x1xf32>
    tpu.vector_store %arg1[%swap3A_1842, %swap3A_1843], %min3A_1841 {strides = array<i32>} : memref<1024x128xf32, #tpu.memory_space<vmem>>, vector<672x1xf32>,
    return
  }
}

</mosaic_0001>

<sc_bundles>
// kernel: kernel.4.cloned.1.call-start
scs
__scs_entry_jumppad:
0x0: {  	(pc) =	sbr.rel $0x88, $3  }
0x1: {  	(tag) =	ssettag $0x0;
	lr =	simm.s32 $0x1  }
0x2: {  	[smem:$0x3F9E] =	sst lr;
	_ =	strace $0xD0000000  }
0x3: {  	_ = 	snop  }
0x4: {  	_ = 	snop  }
0x5: {  	_ = 	snop  }
0x6: {  	_ = 	snop  }
0x7: {  	_ = 	snop  }
__scs_overlays_trampoline_lowered:
0x8: {  	[smem:$0x3FAD] =	sst s0  }
0x9: {  	[smem:$0x3FAE] =	sst s1  }
0xa: {  	[smem:$0x3FAF] =	sst s2  }
0xb: {  	[smem:$0x3FB0] =	sst s3  }
0xc: {  	[smem:$0x3FB1] =	sst s4  }
0xd: {  	[smem:$0x3FB2] =	sst s5  }
0xe: {  	[smem:$0x3FB3] =	sst s6  }
0xf: {  	[smem:$0x3FB4] =	sst s7  }
0x10: {  	[smem:$0x3FB5] =	sst s8  }
0x11: {  	[smem:$0x3FB6] =	sst s9;
	s0 =	simm.s32 @!p0 $0x0  }
0x12: {  	s1 =	sld [smem:$0x3F9C];
	s0 =	simm.s32 @p0 $0x1  }
0x13: {  	[smem:$0x3FB7] =	sst s0;
	s0 =	simm.s32 @!p1 $0x0  }
0x14: {  	s2 =	sld [smem:$0x3F9B];
	s0 =	simm.s32 @p1 $0x1  }
0x15: {  	[smem:$0x3FB8] =	sst s0;
	s0 =	simm.s32 @!p2 $0x0  }
0x16: {  	s3 =	sld [smem:$0x3FDB];
	s0 =	simm.s32 @p2 $0x1  }
0x17: {  	s4 =	simm.s32 $0x1BF5;
	[smem:$0x3FBA] =	sst s0  }
0x18: {  	s0 =	sld [smem:$0x3F9D];
	_ =	swait.ge [sflag:s4], $0x0  }
0x19: {  	s7 =	sld [smem:$0x3F9E]  }
0x1a: {  	s8 =	sadd.s32 $0xFFFFE003, lr  }
0x1b: {  	s9 =	sadd.s32 $0xFFFFFEF7, lr;
	s5 =	simm.s32 $0xFFFFFFFF;
	p2 =	slt.u32 s8, $0xFFFFF086  }
0x1c: {  	p1 =	slt.u32 s9, $0xF7A;
	s5 =	simm.s32 @!p2 $0x0  }
0x1d: {  	s5 =	simm.s32 @p1 $0x1;
	p0 =	seq.s32 s7, s2  }
0x1e: {  	s7 =	smul.u32 @!p0 $0xF7A, s2;
	p2 =	seq.s32 @!p0 s5, $0x0  }
0x1f: {  	s9 =	smul.u32 $0xF7A, s1;
	s8 =	simm.s32 @!p0 $0x1BF5;
	p2 =	por !p2, p0  }
0x20: {  	[sflag:s8] =	ssyncset.s32 @!p0 $0xFFFFF086;
	s6 =	sadd.s32 @!p0 s3, s7;
	s7 =	simm.s32 @!p0 $0x108  }
0x21: {  	s3 =	sadd.s32 s3, s9;
	s6 =	sadd.s32 @!p0 $0x88, s6;
	s7 =	simm.s32 @p2 $0x1082  }
0x22: {  	[simem:s7], [sflag:s8] =	dma.local @!p0 [hbm:s6], $0xF7A  }
0x23: {  	s9 =	sor.u32 $0xD0000000, s2;
	s6 =	simm.s32 $0x108;
	_ =	swait.ge @!p0 [sflag:s8], $0x0  }
0x24: {  	s3 =	sadd.s32 $0x88, s3;
	s6 =	simm.s32 @!p1 $0x1082;
	[sflag:s4] =	ssyncset.s32 $0xFFFFF086  }
0x25: {  	[simem:s6], [sflag:s4] =	dma.local [hbm:s3], $0xF7A  }
0x26: {  	[smem:$0x3F9E] =	sst s1;
	(tag) =	ssettag s2;
	_ =	strace s9  }
0x27: {  	s1 =	sld [smem:$0x3FAE]  }
0x28: {  	s2 =	sld [smem:$0x3FAF]  }
0x29: {  	s4 =	sld [smem:$0x3FB1]  }
0x2a: {  	p0 =	seq.s32 s5, $0x0;
	s5 =	sld [smem:$0x3FB2]  }
0x2b: {  	s6 =	sld [smem:$0x3FB3]  }
0x2c: {  	s7 =	sld [smem:$0x3FB4]  }
0x2d: {  	s3 =	simm.s32 $0x108;
	s8 =	sld [smem:$0x3FB5]  }
0x2e: {  	s3 =	simm.s32 @!p0 $0x1082;
	s9 =	sld [smem:$0x3FB6]  }
0x2f: {  	lr =	sadd.s32 s0, s3;
	s0 =	sld [smem:$0x3FAD]  }
0x30: {  	s3 =	sld [smem:$0x3FB0]  }
0x31: {  	[smem:$0x3FB9] =	sst s10  }
0x32: {  	s10 =	sld [smem:$0x3FB7];
	_ =	sdelay $0x3  }
0x33: {  	p0 =	seq.s32 s10, $0x1;
	s10 =	sld [smem:$0x3FB9];
	_ =	sdelay $0x3  }
0x34: {  	[smem:$0x3FB9] =	sst s10  }
0x35: {  	s10 =	sld [smem:$0x3FB8];
	_ =	sdelay $0x3  }
0x36: {  	p1 =	seq.s32 s10, $0x1;
	s10 =	sld [smem:$0x3FB9];
	_ =	sdelay $0x3  }
0x37: {  	[smem:$0x3FB9] =	sst s10  }
0x38: {  	s10 =	sld [smem:$0x3FBA]  }
0x39: {  	_ = 	snop;
	(pc) =	sbr.ind lr, $3  }
0x3a: {  	_ = 	snop  }
0x3b: {  	_ = 	snop  }
0x3c: {  	p2 =	seq.s32 s10, $0x1;
	s10 =	sld [smem:$0x3FB9]  }
0x3d: {  	_ =	shalt  }
0x3e: {  	_ =	shalt  }
0x3f: {  	_ =	shalt  }
0x40: {  	_ =	shalt  }
0x41: {  	_ =	shalt  }
0x42: {  	_ =	shalt  }
0x43: {  	_ =	shalt  }
0x44: {  	_ =	shalt  }
0x45: {  	_ =	shalt  }
0x46: {  	_ =	shalt  }
0x47: {  	_ =	shalt  }
0x48: {  	_ =	shalt  }
0x49: {  	_ =	shalt  }
0x4a: {  	_ =	shalt  }
0x4b: {  	_ =	shalt  }
0x4c: {  	_ =	shalt  }
0x4d: {  	_ =	shalt  }
0x4e: {  	_ =	shalt  }
0x4f: {  	_ =	shalt  }
0x50: {  	_ =	shalt  }
0x51: {  	_ =	shalt  }
0x52: {  	_ =	shalt  }
0x53: {  	_ =	shalt  }
0x54: {  	_ =	shalt  }
0x55: {  	_ =	shalt  }
0x56: {  	_ =	shalt  }
0x57: {  	_ =	shalt  }
0x58: {  	_ =	shalt  }
0x59: {  	_ =	shalt  }
0x5a: {  	_ =	shalt  }
0x5b: {  	_ =	shalt  }
0x5c: {  	_ =	shalt  }
0x5d: {  	_ =	shalt  }
0x5e: {  	_ =	shalt  }
0x5f: {  	_ =	shalt  }
0x60: {  	_ =	shalt  }
0x61: {  	_ =	shalt  }
0x62: {  	_ =	shalt  }
0x63: {  	_ =	shalt  }
0x64: {  	_ =	shalt  }
0x65: {  	_ =	shalt  }
0x66: {  	_ =	shalt  }
0x67: {  	_ =	shalt  }
0x68: {  	_ =	shalt  }
0x69: {  	_ =	shalt  }
0x6a: {  	_ =	shalt  }
0x6b: {  	_ =	shalt  }
0x6c: {  	_ =	shalt  }
0x6d: {  	_ =	shalt  }
0x6e: {  	_ =	shalt  }
0x6f: {  	_ =	shalt  }
0x70: {  	_ =	shalt  }
0x71: {  	_ =	shalt  }
0x72: {  	_ =	shalt  }
0x73: {  	_ =	shalt  }
0x74: {  	_ =	shalt  }
0x75: {  	_ =	shalt  }
0x76: {  	_ =	shalt  }
0x77: {  	_ =	shalt  }
0x78: {  	_ =	shalt  }
0x79: {  	_ =	shalt  }
0x7a: {  	_ =	shalt  }
0x7b: {  	_ =	shalt  }
0x7c: {  	_ =	shalt  }
0x7d: {  	_ =	shalt  }
0x7e: {  	_ =	shalt  }
0x7f: {  	_ =	shalt  }
0x80: {  	_ =	shalt  }
0x81: {  	_ =	shalt  }
0x82: {  	_ =	shalt  }
0x83: {  	_ =	shalt  }
0x84: {  	_ =	shalt  }
0x85: {  	_ =	shalt  }
0x86: {  	_ =	shalt  }
0x87: {  	_ =	shalt  }
.Lfunc_end0:
.L_simem_size_0:
called_computation_lowered:
.L_overlay_start_0:
0x88: {  	s2 =	sld [smem:$0x3FD9]  }
0x89: {  	s3 =	sld [smem:$0x3FFE];
	_ =	sdelay $0x1  }
0x8a: {  	s1 =	srdreg.scid  }
0x8b: {  	s0 =	sand.u32 $0x1, s1  }
0x8c: {  	s16 =	sshll.u32 s0, $0xA;
	s2 =	sadd.s32 s3, s2  }
0x8d: {  	s2 =	sadd.s32 s2, s16  }
0x8e: {  	[smem:$0x3FC5] =	sst s2  }
0x8f: {  	_ = 	snop  }
0x90: {  	(tm) =	ssettm $0x1  }
0x91: {  	s17 =	sld [smem:$0x3FFB];
	_ =	sdelay $0x3  }
0x92: {  	_ =	strace s17  }
0x93: {  	s2 =	sld [smem:$0x3FFC];
	_ =	sdelay $0x3  }
0x94: {  	_ =	strace s2  }
0x95: {  	s2 =	sld [smem:$0x3FFD];
	_ =	sdelay $0x3  }
0x96: {  	_ =	strace s2  }
0x97: {  	_ =	strace $0x8FFFFFFF  }
0x98: {  	s18 =	sld [smem:$0x3FDB];
	_ =	sdelay $0x1  }
0x99: {  	s19 =	simm.s32 $_scs_section_size  }
0x9a: {  	s4 =	simm.s32 $_size__tile_overlayer_lowered;
	s5 =	simm.s32 $_tile_overlayer_lowered  }
0x9b: {  	s22 =	simm.s32 $0x1BFF;
	s21 =	sshll.u32 s5, $0x1;
	s2 =	sadd.s32 s19, s18  }
0x9c: {  	s6 =	simm.s32 $0x0;
	s20 =	sshll.u32 s4, $0x1;
	s4 =	sadd.s32 s21, s2  }
0x9d: {  	[timem:s6], [sflag:s22] =	dma.local [hbm:s4], s20  }
0x9e: {  	_ =	swait.ge [sflag:s22], s20  }
0x9f: {  	s3 =	ssub.s32 $0x0, s20;
	[sflag:s22] =	ssyncset.done $0x0  }
0xa0: {  	[sflag:s22] =	ssyncadd.s32 s3;
	_ =	sdelay $0x1  }
0xa1: {  	s23 =	simm.s32 $0x1B8B  }
0xa2: {  	_ =	swait.ge [sflag:s23], $0x1  }
0xa3: {  	[sflag:s23] =	ssyncset.done $0x0  }
0xa4: {  	s25 =	simm.s32 $0x1B8E;
	s24 =	sld [smem:$0x3FFE];
	[sflag:s23] =	ssyncadd.s32 $0xFFFFFFFF  }
0xa5: {  	s26 =	simm.s32 $execute0_lowered;
	[smem:$0x3FD2] =	sst s25  }
0xa6: {  	s4 =	sshll.u32 s26, $0x1;
	_ =	strace $0x80000046;
	[dreg:$0x1] =	wrdreg $0xFFFFFFFF  }
0xa7: {  	s28 =	simm.s32 $_size_execute0_lowered;
	s2 =	sadd.s32 s2, s4;
	[dreg:$0x0] =	wrdreg $0x0  }
0xa8: {  	s4 =	sshll.u32 s28, $0x1;
	[dreg:$0x2] =	wrdreg s2  }
0xa9: {  	[dreg:$0x3] =	wrdreg s4  }
0xaa: {  	[dreg:$0x4] =	wrdreg $0xC0  }
0xab: {  	_ =	task [dreg:s6], $0x5FFFF  }
0xac: {  	[dreg:$0x1] =	wrdreg $0xFFFFFFFF  }
0xad: {  	[dreg:$0x0] =	wrdreg $0x60  }
0xae: {  	[dreg:$0x2] =	wrdreg s24  }
0xaf: {  	[dreg:$0x3] =	wrdreg $0x9  }
0xb0: {  	_ =	task.clear_ibuf [dreg:s6], $0x4FFFF;
	_ =	strace $0x90000046  }
0xb1: {  	s29 =	simm.s32 $0x9;
	_ =	strace $0x80000048  }
0xb2: {  	_ =	swait.ge [sflag:s29], $0x1  }
0xb3: {  	[sflag:s29] =	ssyncadd.s32 $0xFFFFFFFF  }
0xb4: {  	_ =	strace $0x90000048  }
0xb5: {  	_ =	sfence  }
0xb6: {  	s30 =	sld [smem:$0x0];
	_ =	sdelay $0x2  }
0xb7: {  	s31 =	sshll.u32 s1, $0xD;
	s1 =	sshrl.u32 s1, $0x2  }
0xb8: {  	s3 =	sand.u32 $0x4000, s31;
	s1 =	sadd.s32 s1, s30  }
0xb9: {  	s0 =	sor.u32 s3, s0;
	s1 =	sshll.u32 s1, $0x11  }
0xba: {  	s0 =	sor.u32 s1, s0  }
0xbb: {  	s0 =	sadd.s32 $0x8F2B, s0  }
0xbc: {  	[sflag:s0] =	ssyncadd.remote.s32 $0x1  }
0xbd: {  	_ =	sfence.sel $0xFFFF  }
0xbe: {  	[dreg:$0x0] =	wrdreg $0xFFFFFFFF;
	(pc) =	sbr.abs _section_cstart, $3  }
0xbf: {  	[dreg:$0x1] =	wrdreg $0xFFFFFFFF  }
0xc0: {  	_ =	task.clear_ibuf [dreg:s6], $0x2FFFF;
	_ =	strace $0x9FFFFFFF  }
0xc1: {  	(tm) =	ssettm $0x7FFFFFFF  }
tec
execute0_lowered:
.L_overlay_start_1:
0x0: {  	(tag) =	ssettag $0x1  }
0x1: {  	s1 =	srdreg.scid  }
0x2: {  	s0 =	stileid.u32;
	s4 =	rddreg [dreg:$0x0]  }
0x3: {  	s2 =	simm.s32 $0x0;
	s12 =	simm.s32 $0x1D900;
	s13 =	simm.s32 $0x0  }
0x4: {  	s5 =	sand.u32 $0x1, s1;
	s3 =	sshll.u32 s0, $0x1;
	s1 =	rddreg [dreg:$0x1]  }
0x5: {  	[smem:$0x7FF] =	sst s2;
	s9 =	smul.u32 $0x1900, s0;
	s6 =	sor.u32 s5, s3  }
0x6: {  	_ =	strace $0x80000047;
	s3 =	sadd.s32 $0x6600, s4;
	s8 =	ssub.s32 $0x2, s5  }
0x7: {  	s7 =	smul.u32 $0x320, s6;
	s6 =	sshll.u32 s6, $0x1;
	s10 =	sshrl.u32 s8, $0x1  }
0x8: {  	v0 =	vlaneseq.u32;
	s11 =	smul.u32 $0xC80, s5;
	s30 =	sadd.s32 s6, s4;
	s31 =	ssub.s32 s8, s10  }
0x9: {  	v0 =	vmul.u32 $0xFFFFFFFF, v0;
	s8 =	simm.s32 $0x70;
	s10 =	simm.s32 $0x1;
	s7 =	sadd.s32 s7, s4  }
0xa: {  	s5 =	sadd.s32 $0xA600, s30;
	s6 =	smax.u32 s31, $0x1;
	s4 =	sadd.s32 $0x200, s7  }
0xb: {  	v0 =	vadd.s32 $0x1869F, v0;
	s7 =	sadd.s32 s11, s9;
	s9 =	simm.s32 $0x80;
	s11 =	simm.s32 $0x1C000  }
.LBB2_1:
0xc: {  	[tilespmem:s2], [sflag:$0x1] =	stream.strided.gather [hbm4b:s3+s8], $0x1C000, s9, s8, $0x38;
	[tilespmem:$0x1D910] =	vst v63  }
0xd: {  	_ =	swait.ge [sflag:s10], $0x1C000  }
0xe: {  	[sflag:s10] =	ssyncset.done $0x0  }
0xf: {  	[sflag:s10] =	ssyncadd.s32 $0xFFFE4000  }
0x10: {  	[tilespmem:s11], [sflag:$0x1] =	stream.linear.gather [hbm4b:s4+s2], $0x1900, $0x38;
	[tilespmem:$0x1D910] =	vst v63  }
0x11: {  	_ =	swait.ge [sflag:s10], $0x1900  }
0x12: {  	[sflag:s10] =	ssyncset.done $0x0  }
0x13: {  	s15 =	simm.s32 $0x1CCF0;
	[sflag:s10] =	ssyncadd.s32 $0xFFFFE700  }
0x14: {  	v7 =	vld [tilespmem:s15+$0x0]  }
0x15: {  	v8 =	vld [tilespmem:s15+$0xFFFFFFF0]  }
0x16: {  	v9 =	vld [tilespmem:s15+$0xFFFFF380]  }
0x17: {  	v10 =	vld [tilespmem:s15+$0xFFFFFFE0]  }
0x18: {  	v11 =	vld [tilespmem:s15+$0xFFFFF370]  }
0x19: {  	s14 =	sadd.s32 $0x0, s7;
	v12 =	vld [tilespmem:s15+$0xFFFFFFD0]  }
0x1a: {  	v5 =	vimm.f32 $0.0e+00;
	s16 =	sadd.s32 $0x60, s14;
	s17 =	sadd.s32 $0x40, s14;
	v13 =	vld [tilespmem:s15+$0xFFFFF360]  }
0x1b: {  	v6 =	vmov s14;
	s30 =	sadd.s32 $0x50, s14;
	s18 =	sadd.s32 $0x10, s14;
	s19 =	sadd.s32 $0x30, s14;
	v1 =	vmov s16;
	v3 =	vmov s17;
	v14 =	vld [tilespmem:s15+$0xFFFFFFC0]  }
0x1c: {  	s31 =	sadd.s32 $0x20, s14;
	v2 =	vmov s30;
	v15 =	vmov s18;
	v4 =	vmov s19;
	v17 =	vld [tilespmem:s15+$0xFFFFF350]  }
0x1d: {  	vm1 =	vlt.u32 v6, v0;
	v6 =	vmov s31;
	vm0 =	vlt.u32 v15, v0;
	v18 =	vld [tilespmem:s15+$0xFFFFFFB0]  }
0x1e: {  	v19 =	vld [tilespmem:s15+$0xFFFFF340];
	v20 =	vshrl.u32 v8, $0xA;
	v21 =	vand.u32 $0x3FF, v7;
	v7 =	vshrl.u32 v7, $0xA  }
0x1f: {  	v23 =	vld [tilespmem:s15+$0xFFFFFFA0];
	v26 =	vand.u32 $0x3FF, v8;
	v27 =	vand.u32 $0x3FF, v9;
	v28 =	vshrl.u32 v9, $0xA  }
0x20: {  	v30 =	vld [tilespmem:s15+$0xFFFFF330];
	v9 =	vand.u32 $0x3FF, v10;
	v8 =	vshrl.u32 v10, $0xA;
	v46 =	vshrl.u32 v11, $0xA  }
0x21: {  	v31 =	vld [tilespmem:s15+$0xFFFFFF90];
	v10 =	vshrl.u32 v12, $0xA;
	v34 =	vshrl.u32 v13, $0xA;
	v35 =	vand.u32 $0x3FF, v11  }
0x22: {  	v16 =	vshrl.u32 v14, $0xA;
	v15 =	vand.u32 $0x3FF, v12;
	v36 =	vand.u32 $0x3FF, v13  }
0x23: {  	v22 =	vand.u32 $0x3FF, v14;
	v37 =	vand.u32 $0x3FF, v17;
	v44 =	vshrl.u32 v17, $0xA  }
0x24: {  	v25 =	vand.u32 $0x3FF, v18;
	v24 =	vshrl.u32 v18, $0xA;
	v41 =	vshrl.u32 v19, $0xA  }
0x25: {  	v11 =	vld [tilespmem:s15+$0xFFFFF320];
	v38 =	vshrl.u32 v23, $0xA;
	v29 =	vshrl.u32 v30, $0xA;
	v42 =	vand.u32 $0x3FF, v19  }
0x26: {  	v12 =	vld [tilespmem:s15+$0xFFFFF310];
	v32 =	vshrl.u32 v31, $0xA;
	v39 =	vand.u32 $0x3FF, v23;
	v30 =	vand.u32 $0x3FF, v30  }
0x27: {  	v40 =	vand.u32 $0x3FF, v31;
	v14 =	vand.u32 $0x7, v28;
	v13 =	vmul.u32 $0x70, v21  }
0x28: {  	v17 =	vand.u32 $0x7, v8;
	v18 =	vand.u32 $0x3FFFF8, v20;
	v19 =	vand.u32 $0x3FFFF8, v28  }
0x29: {  	v23 =	vand.u32 $0x7, v46;
	v21 =	vmul.u32 $0x70, v27;
	v28 =	vand.u32 $0x7, v34  }
0x2a: {  	v27 =	vand.u32 $0x3FFFF8, v46;
	v33 =	vand.u32 $0x3FF, v11;
	v31 =	vshrl.u32 v11, $0xA  }
0x2b: {  	v45 =	vand.u32 $0x3FF, v12;
	v43 =	vshrl.u32 v12, $0xA;
	v11 =	vand.u32 $0x3FFFF8, v7  }
0x2c: {  	s16 =	simm.s32 $0x80;
	v12 =	vand.u32 $0x7, v20;
	v20 =	vmul.u32 $0x70, v26;
	v26 =	vand.u32 $0x7, v10  }
.LBB2_2:
0x2d: {  	p0 =	sne.s32 s16, $0xC00;
	v46 =	vand.u32 $0x7, v16;
	v34 =	vand.u32 $0x3FFFF8, v34;
	v35 =	vmul.u32 $0x70, v35  }
0x2e: {  	v47 =	vand.u32 $0x7, v44;
	v44 =	vand.u32 $0x3FFFF8, v44;
	v36 =	vmul.u32 $0x70, v36  }
0x2f: {  	v48 =	vand.u32 $0x7, v24;
	v49 =	vand.u32 $0x7, v41;
	v37 =	vmul.u32 $0x70, v37  }
0x30: {  	v50 =	vand.u32 $0x7, v38;
	v51 =	vand.u32 $0x7, v29;
	v41 =	vand.u32 $0x3FFFF8, v41  }
0x31: {  	v52 =	vand.u32 $0x7, v32;
	v38 =	vand.u32 $0x3FFFF8, v38;
	v42 =	vmul.u32 $0x70, v42  }
0x32: {  	v45 =	vmul.u32 $0x70, v45;
	v53 =	vand.u32 $0x7, v31;
	v39 =	vmul.u32 $0x70, v39  }
0x33: {  	v54 =	vand.u32 $0x3FFFF8, v43;
	v40 =	vmul.u32 $0x70, v40;
	v32 =	vand.u32 $0x3FFFF8, v32  }
0x34: {  	v43 =	vand.u32 $0x7, v43;
	v33 =	vmul.u32 $0x70, v33;
	v45 =	vadd.s32 v54, v45  }
0x35: {  	v31 =	vand.u32 $0x3FFFF8, v31;
	v32 =	vadd.s32 v32, v40;
	v43 =	vor.u32 v43, v45  }
0x36: {  	v30 =	vmul.u32 $0x70, v30;
	v31 =	vadd.s32 v31, v33;
	v32 =	vor.u32 v52, v32  }
0x37: {  	v29 =	vand.u32 $0x3FFFF8, v29;
	v33 =	vadd.s32 v38, v39;
	v31 =	vor.u32 v53, v31  }
0x38: {  	v25 =	vmul.u32 $0x70, v25;
	v29 =	vadd.s32 v29, v30;
	v33 =	vor.u32 v50, v33  }
0x39: {  	v24 =	vand.u32 $0x3FFFF8, v24;
	v30 =	vadd.s32 v41, v42;
	v29 =	vor.u32 v51, v29  }
0x3a: {  	v22 =	vmul.u32 $0x70, v22;
	v24 =	vadd.s32 v24, v25;
	v25 =	vor.u32 v49, v30;
	v38 =	vld.idx.msk [tilespmem:v43+s2+$0x0], $0xffff  }
0x3b: {  	v16 =	vand.u32 $0x3FFFF8, v16;
	v24 =	vor.u32 v48, v24;
	v30 =	vld.idx.msk [tilespmem:v32+s2+$0x0], $0xffff;
	v32 =	vadd.s32 v44, v37  }
0x3c: {  	v15 =	vmul.u32 $0x70, v15;
	v16 =	vadd.s32 v16, v22;
	v31 =	vld.idx.msk [tilespmem:v31+s2+$0x0], $0xffff;
	v22 =	vor.u32 v47, v32  }
0x3d: {  	v10 =	vand.u32 $0x3FFFF8, v10;
	v16 =	vor.u32 v46, v16;
	v32 =	vld.idx.msk [tilespmem:v33+s2+$0x0], $0xffff;
	v33 =	vadd.s32 v34, v36  }
0x3e: {  	v9 =	vmul.u32 $0x70, v9;
	v10 =	vadd.s32 v10, v15;
	v29 =	vld.idx.msk [tilespmem:v29+s2+$0x0], $0xffff;
	v15 =	vor.u32 v28, v33  }
0x3f: {  	v8 =	vand.u32 $0x3FFFF8, v8;
	v10 =	vor.u32 v26, v10;
	v26 =	vadd.s32 v27, v35;
	v25 =	vld.idx.msk [tilespmem:v25+s2+$0x0], $0xffff  }
0x40: {  	v8 =	vadd.s32 v8, v9;
	v9 =	vor.u32 v23, v26;
	v27 =	vadd.f32 $1.999999960e-02, v38;
	v24 =	vld.idx.msk [tilespmem:v24+s2+$0x0], $0xffff  }
0x41: {  	v8 =	vor.u32 v17, v8;
	v17 =	vadd.s32 v18, v20;
	v18 =	vadd.s32 v19, v21;
	v22 =	vld.idx.msk [tilespmem:v22+s2+$0x0], $0xffff  }
0x42: {  	v14 =	vor.u32 v14, v18;
	v19 =	vsub.f32 v27, v30;
	v20 =	vadd.f32 $1.999999960e-02, v31;
	v16 =	vld.idx.msk [tilespmem:v16+s2+$0x0], $0xffff  }
0x43: {  	v7 =	vand.u32 $0x7, v7;
	v11 =	vadd.s32 v11, v13;
	v12 =	vor.u32 v12, v17;
	v15 =	vld.idx.msk [tilespmem:v15+s2+$0x0], $0xffff  }
0x44: {  	v13 =	vmax.f32 v19, $0.0e+00;
	v17 =	vsub.f32 v20, v32;
	v18 =	vadd.f32 $1.999999960e-02, v29;
	v10 =	vld.idx.msk [tilespmem:v10+s2+$0x0], $0xffff  }
0x45: {  	v7 =	vor.u32 v7, v11;
	v13 =	vnsel vm1, $0x0, v13;
	v19 =	vadd.f32 $1.999999960e-02, v25;
	v9 =	vld.idx.msk [tilespmem:v9+s2+$0x0], $0xffff  }
0x46: {  	v5 =	vadd.f32 v13, v5;
	v11 =	vmax.f32 v17, $0.0e+00;
	v13 =	vsub.f32 v18, v24;
	v8 =	vld.idx.msk [tilespmem:v8+s2+$0x0], $0xffff  }
0x47: {  	v11 =	vnsel vm0, $0x0, v11;
	vm0 =	vlt.u32 v6, v0;
	v6 =	vadd.f32 $1.999999960e-02, v22;
	v14 =	vld.idx.msk [tilespmem:v14+s2+$0x0], $0xffff  }
0x48: {  	v5 =	vadd.f32 v11, v5;
	v11 =	vmax.f32 v13, $0.0e+00;
	v13 =	vsub.f32 v19, v16;
	v12 =	vld.idx.msk [tilespmem:v12+s2+$0x0], $0xffff  }
0x49: {  	v11 =	vnsel vm0, $0x0, v11;
	vm0 =	vlt.u32 v4, v0;
	v4 =	vadd.f32 $1.999999960e-02, v15  }
0x4a: {  	v5 =	vadd.f32 v11, v5;
	v11 =	vmax.f32 v13, $0.0e+00;
	v6 =	vsub.f32 v6, v10;
	v7 =	vld.idx.msk [tilespmem:v7+s2+$0x0], $0xffff  }
0x4b: {  	s15 =	sadd.s32 $0x80, s15;
	v10 =	vnsel vm0, $0x0, v11;
	vm0 =	vlt.u32 v3, v0;
	v3 =	vadd.f32 $1.999999960e-02, v9  }
0x4c: {  	v5 =	vadd.f32 v10, v5;
	v6 =	vmax.f32 v6, $0.0e+00;
	v4 =	vsub.f32 v4, v8;
	v9 =	vld [tilespmem:s15+$0x0]  }
0x4d: {  	v6 =	vnsel vm0, $0x0, v6;
	vm0 =	vlt.u32 v2, v0;
	v2 =	vadd.f32 $1.999999960e-02, v14;
	v8 =	vld [tilespmem:s15+$0xFFFFFFF0]  }
0x4e: {  	s17 =	sadd.s32 s16, s7;
	v5 =	vadd.f32 v6, v5;
	v4 =	vmax.f32 v4, $0.0e+00;
	v3 =	vsub.f32 v3, v12;
	v10 =	vld [tilespmem:s15+$0xFFFFF380]  }
0x4f: {  	v6 =	vmov s17;
	v4 =	vnsel vm0, $0x0, v4;
	vm0 =	vlt.u32 v1, v0;
	v11 =	vld [tilespmem:s15+$0xFFFFFFE0]  }
0x50: {  	s19 =	sadd.s32 $0x70, s14;
	s18 =	sadd.s32 $0x60, s17;
	s14 =	smov.u32 s17;
	v4 =	vadd.f32 v4, v5;
	v3 =	vmax.f32 v3, $0.0e+00;
	v2 =	vsub.f32 v2, v7;
	v12 =	vld [tilespmem:s15+$0xFFFFF370]  }
0x51: {  	v1 =	vmov s18;
	v5 =	vmov s19;
	v3 =	vnsel vm0, $0x0, v3;
	v13 =	vld [tilespmem:s15+$0xFFFFFFD0]  }
0x52: {  	s17 =	sadd.s32 $0x40, s14;
	s18 =	sadd.s32 $0x50, s14;
	vm0 =	vlt.u32 v5, v0;
	v7 =	vadd.f32 v3, v4;
	v4 =	vmax.f32 v2, $0.0e+00;
	v14 =	vld [tilespmem:s15+$0xFFFFF360]  }
0x53: {  	s20 =	sadd.s32 $0x30, s14;
	s19 =	sadd.s32 $0x10, s14;
	v3 =	vmov s17;
	v2 =	vmov s18;
	v5 =	vnsel vm0, $0x0, v4;
	v17 =	vld [tilespmem:s15+$0xFFFFFFC0]  }
0x54: {  	v15 =	vmov s19;
	s17 =	sadd.s32 $0x20, s14;
	v4 =	vmov s20;
	v5 =	vadd.f32 v5, v7;
	v18 =	vld [tilespmem:s15+$0xFFFFF350]  }
0x55: {  	vm1 =	vlt.u32 v6, v0;
	vm0 =	vlt.u32 v15, v0;
	v6 =	vmov s17;
	v19 =	vld [tilespmem:s15+$0xFFFFFFB0]  }
0x56: {  	v23 =	vand.u32 $0x3FF, v9;
	v21 =	vshrl.u32 v8, $0xA;
	v7 =	vshrl.u32 v9, $0xA;
	v20 =	vld [tilespmem:s15+$0xFFFFF340]  }
0x57: {  	v27 =	vand.u32 $0x3FF, v8;
	v28 =	vand.u32 $0x3FF, v10;
	v46 =	vshrl.u32 v10, $0xA;
	v26 =	vld [tilespmem:s15+$0xFFFFFFA0]  }
0x58: {  	v9 =	vand.u32 $0x3FF, v11;
	v8 =	vshrl.u32 v11, $0xA;
	v47 =	vshrl.u32 v12, $0xA;
	v30 =	vld [tilespmem:s15+$0xFFFFF330]  }
0x59: {  	v35 =	vand.u32 $0x3FF, v12;
	v10 =	vshrl.u32 v13, $0xA;
	v34 =	vshrl.u32 v14, $0xA;
	v11 =	vld [tilespmem:s15+$0xFFFFFF90]  }
0x5a: {  	v15 =	vand.u32 $0x3FF, v13;
	v36 =	vand.u32 $0x3FF, v14;
	v16 =	vshrl.u32 v17, $0xA;
	v12 =	vld [tilespmem:s15+$0xFFFFF320]  }
0x5b: {  	v22 =	vand.u32 $0x3FF, v17;
	v37 =	vand.u32 $0x3FF, v18;
	v44 =	vshrl.u32 v18, $0xA;
	v13 =	vld [tilespmem:s15+$0xFFFFF310]  }
0x5c: {  	v25 =	vand.u32 $0x3FF, v19;
	v24 =	vshrl.u32 v19, $0xA;
	v41 =	vshrl.u32 v20, $0xA  }
0x5d: {  	v42 =	vand.u32 $0x3FF, v20;
	v38 =	vshrl.u32 v26, $0xA;
	v29 =	vshrl.u32 v30, $0xA  }
0x5e: {  	v39 =	vand.u32 $0x3FF, v26;
	v30 =	vand.u32 $0x3FF, v30;
	v32 =	vshrl.u32 v11, $0xA  }
0x5f: {  	v40 =	vand.u32 $0x3FF, v11;
	v33 =	vand.u32 $0x3FF, v12;
	v31 =	vshrl.u32 v12, $0xA  }
.Ltmp0:
0x60: {  	v11 =	vand.u32 $0x3FFFF8, v7;
	v45 =	vand.u32 $0x3FF, v13;
	v43 =	vshrl.u32 v13, $0xA;
	(pc) =	sbr.rel @p0 .LBB2_2-.Ltmp0, $4  }
0x61: {  	v14 =	vand.u32 $0x7, v46;
	v12 =	vand.u32 $0x7, v21;
	v13 =	vmul.u32 $0x70, v23  }
0x62: {  	v17 =	vand.u32 $0x7, v8;
	v18 =	vand.u32 $0x3FFFF8, v21;
	v19 =	vand.u32 $0x3FFFF8, v46  }
0x63: {  	v20 =	vmul.u32 $0x70, v27;
	v21 =	vmul.u32 $0x70, v28;
	v23 =	vand.u32 $0x7, v47  }
0x64: {  	s16 =	sadd.s32 $0x80, s16;
	v27 =	vand.u32 $0x3FFFF8, v47;
	v26 =	vand.u32 $0x7, v10;
	v28 =	vand.u32 $0x7, v34  }
0x65: {  	v46 =	vand.u32 $0x7, v16;
	v34 =	vand.u32 $0x3FFFF8, v34;
	v35 =	vmul.u32 $0x70, v35  }
0x66: {  	v47 =	vand.u32 $0x7, v44;
	v44 =	vand.u32 $0x3FFFF8, v44;
	v36 =	vmul.u32 $0x70, v36  }
0x67: {  	v48 =	vand.u32 $0x7, v24;
	v49 =	vand.u32 $0x7, v41;
	v37 =	vmul.u32 $0x70, v37  }
0x68: {  	v50 =	vand.u32 $0x7, v38;
	v51 =	vand.u32 $0x7, v29;
	v61 =	vand.u32 $0x3FFFF8, v41  }
0x69: {  	v52 =	vand.u32 $0x7, v32;
	v62 =	vand.u32 $0x3FFFF8, v38;
	v42 =	vmul.u32 $0x70, v42  }
0x6a: {  	v45 =	vmul.u32 $0x70, v45;
	v53 =	vand.u32 $0x7, v31;
	v39 =	vmul.u32 $0x70, v39  }
0x6b: {  	v54 =	vand.u32 $0x3FFFF8, v43;
	v40 =	vmul.u32 $0x70, v40;
	v63 =	vand.u32 $0x3FFFF8, v32  }
0x6c: {  	v55 =	vand.u32 $0x7, v43;
	v33 =	vmul.u32 $0x70, v33;
	v56 =	vand.u32 $0x3FFFF8, v31  }
0x6d: {  	v30 =	vmul.u32 $0x70, v30;
	v58 =	vand.u32 $0x3FFFF8, v29;
	v45 =	vadd.s32 v54, v45  }
0x6e: {  	v25 =	vmul.u32 $0x70, v25;
	v32 =	vadd.s32 v63, v40;
	v43 =	vor.u32 v55, v45  }
0x6f: {  	v59 =	vand.u32 $0x3FFFF8, v24;
	v31 =	vadd.s32 v56, v33;
	v32 =	vor.u32 v52, v32  }
0x70: {  	v22 =	vmul.u32 $0x70, v22;
	v57 =	vadd.s32 v62, v39;
	v31 =	vor.u32 v53, v31  }
0x71: {  	v15 =	vmul.u32 $0x70, v15;
	v29 =	vadd.s32 v58, v30;
	v33 =	vor.u32 v50, v57  }
0x72: {  	v10 =	vand.u32 $0x3FFFF8, v10;
	v60 =	vadd.s32 v61, v42;
	v29 =	vor.u32 v51, v29  }
0x73: {  	v9 =	vmul.u32 $0x70, v9;
	v24 =	vadd.s32 v59, v25;
	v61 =	vor.u32 v49, v60;
	v62 =	vld.idx.msk [tilespmem:v43+s2+$0x0], $0xffff  }
0x74: {  	v63 =	vand.u32 $0x3FFFF8, v16;
	v37 =	vadd.s32 v44, v37;
	v24 =	vor.u32 v48, v24;
	v32 =	vld.idx.msk [tilespmem:v32+s2+$0x0], $0xffff  }
0x75: {  	v8 =	vand.u32 $0x3FFFF8, v8;
	v16 =	vadd.s32 v63, v22;
	v38 =	vor.u32 v47, v37;
	v31 =	vld.idx.msk [tilespmem:v31+s2+$0x0], $0xffff  }
0x76: {  	v7 =	vand.u32 $0x7, v7;
	v34 =	vadd.s32 v34, v36;
	v16 =	vor.u32 v46, v16;
	v33 =	vld.idx.msk [tilespmem:v33+s2+$0x0], $0xffff  }
0x77: {  	v10 =	vadd.s32 v10, v15;
	v41 =	vadd.s32 v27, v35;
	v39 =	vor.u32 v28, v34;
	v40 =	vld.idx.msk [tilespmem:v29+s2+$0x0], $0xffff  }
0x78: {  	v8 =	vadd.s32 v8, v9;
	v10 =	vor.u32 v26, v10;
	v25 =	vld.idx.msk [tilespmem:v61+s2+$0x0], $0xffff;
	v42 =	vadd.f32 $1.999999960e-02, v62  }
0x79: {  	v8 =	vor.u32 v17, v8;
	v45 =	vadd.s32 v18, v20;
	v46 =	vadd.s32 v19, v21;
	v44 =	vld.idx.msk [tilespmem:v24+s2+$0x0], $0xffff  }
0x7a: {  	v43 =	vor.u32 v23, v41;
	v47 =	vld.idx.msk [tilespmem:v38+s2+$0x0], $0xffff;
	v49 =	vadd.f32 $1.999999960e-02, v31;
	v48 =	vsub.f32 v42, v32  }
0x7b: {  	v11 =	vadd.s32 v11, v13;
	v12 =	vor.u32 v12, v45;
	v14 =	vor.u32 v14, v46;
	v16 =	vld.idx.msk [tilespmem:v16+s2+$0x0], $0xffff  }
0x7c: {  	v50 =	vld.idx.msk [tilespmem:v39+s2+$0x0], $0xffff;
	v53 =	vadd.f32 $1.999999960e-02, v40;
	v52 =	vsub.f32 v49, v33;
	v51 =	vmax.f32 v48, $0.0e+00  }
0x7d: {  	v7 =	vor.u32 v7, v11;
	v10 =	vld.idx.msk [tilespmem:v10+s2+$0x0], $0xffff;
	v54 =	vadd.f32 $1.999999960e-02, v25;
	v15 =	vnsel vm1, $0x0, v51  }
0x7e: {  	v8 =	vld.idx.msk [tilespmem:v8+s2+$0x0], $0xffff;
	v56 =	vsub.f32 v53, v44;
	v55 =	vmax.f32 v52, $0.0e+00;
	v5 =	vadd.f32 v15, v5  }
0x7f: {  	vm10 =	vlt.u32 v6, v0;
	v9 =	vld.idx.msk [tilespmem:v43+s2+$0x0], $0xffff;
	v57 =	vadd.f32 $1.999999960e-02, v47;
	v11 =	vnsel vm0, $0x0, v55  }
0x80: {  	v14 =	vld.idx.msk [tilespmem:v14+s2+$0x0], $0xffff;
	v59 =	vsub.f32 v54, v16;
	v58 =	vmax.f32 v56, $0.0e+00;
	v5 =	vadd.f32 v11, v5  }
0x81: {  	vm11 =	vlt.u32 v4, v0;
	v12 =	vld.idx.msk [tilespmem:v12+s2+$0x0], $0xffff;
	v60 =	vadd.f32 $1.999999960e-02, v50;
	v11 =	vnsel vm10, $0x0, v58  }
0x82: {  	v6 =	vsub.f32 v57, v10;
	v61 =	vmax.f32 v59, $0.0e+00;
	v5 =	vadd.f32 v11, v5  }
0x83: {  	vm12 =	vlt.u32 v3, v0;
	v7 =	vld.idx.msk [tilespmem:v7+s2+$0x0], $0xffff;
	v4 =	vsub.f32 v60, v8;
	v62 =	vnsel vm11, $0x0, v61  }
0x84: {  	v6 =	vmax.f32 v6, $0.0e+00;
	v3 =	vadd.f32 $1.999999960e-02, v9;
	v5 =	vadd.f32 v62, v5  }
0x85: {  	vm13 =	vlt.u32 v2, v0;
	v2 =	vadd.f32 $1.999999960e-02, v14;
	v6 =	vnsel vm12, $0x0, v6  }
0x86: {  	v4 =	vmax.f32 v4, $0.0e+00;
	v3 =	vsub.f32 v3, v12;
	v5 =	vadd.f32 v6, v5  }
0x87: {  	vm14 =	vlt.u32 v1, v0;
	v4 =	vnsel vm13, $0x0, v4  }
0x88: {  	s14 =	sadd.s32 $0x70, s14;
	v2 =	vsub.f32 v2, v7;
	v3 =	vmax.f32 v3, $0.0e+00;
	v1 =	vadd.f32 v4, v5  }
0x89: {  	v63 =	vmov s14;
	v3 =	vnsel vm14, $0x0, v3  }
0x8a: {  	vm15 =	vlt.u32 v63, v0;
	v2 =	vmax.f32 v2, $0.0e+00;
	v1 =	vadd.f32 v3, v1  }
0x8b: {  	v2 =	vnsel vm15, $0x0, v2  }
0x8c: {  	s13 =	sadd.s32 $0x1, s13;
	v1 =	vadd.f32 v2, v1  }
0x8d: {  	p0 =	sne.s32 s13, s6  }
.Ltmp1:
0x8e: {  	[tilespmem:$0x1D900] =	vst v1;
	(pc) =	sbr.rel @p0 .LBB2_1-.Ltmp1, $4  }
0x8f: {  	[hbm4b:s5+s2] =	stream.linear.scatter [tilespmem:s12], [sflag:$0x1], $0x10, $0x38;
	[tilespmem:$0x1D910] =	vst v63  }
0x90: {  	_ =	swait.ge [sflag:s10], $0x10  }
0x91: {  	[sflag:s10] =	ssyncset.done $0x0  }
0x92: {  	[sflag:s10] =	ssyncadd.s32 $0xFFFFFFF0  }
0x93: {  	_ =	sfence.sel $0x180000  }
0x94: {  	[bflag:$0x0] =	sbarrier.arrive $0xFFFF  }
0x95: {  	p0 =	sne.s32 s0, $0x0;
	_ =	strace $0x90000047  }
0x96: {  	s0 =	sadd.s32 @!p0 $0x100000, s1;
	[bflag:$0x2] =	sbarrier.arrive $0xFFFF  }
0x97: {  	[sflag:s0] =	ssyncadd.tile.s32 @!p0 $0x1;
	_ =	shalt  }
.Lfunc_end2:
_tile_overlayer_lowered:
.L_overlay_start_2:
0x98: {  	(tag) =	ssettag $0x2  }
0x99: {  	s0 =	rddreg [dreg:$0x0];
	s2 =	stileid.u32  }
0x9a: {  	s1 =	rddreg [dreg:$0x1];
	p0 =	sne.s32 s2, $0x0  }
0x9b: {  	s3 =	rddreg [dreg:$0x2];
	[bflag:$0x3] =	sbarrier.arrive $0xFFFF;
	s2 =	simm.s32 @!p0 $0x1C01  }
0x9c: {  	[timem:s3], [sflag:s2] =	dma.local @!p0 [hbm:s0], s1  }
0x9d: {  	s0 =	simm.s32 @!p0 $0x1  }
0x9e: {  	_ =	swait.ge @!p0 [sflag:s0], s1  }
0x9f: {  	s1 =	ssub.s32 @!p0 $0x0, s1;
	[sflag:s0] =	ssyncset.done @!p0 $0x0  }
0xa0: {  	[sflag:s0] =	ssyncadd.s32 @!p0 s1  }
0xa1: {  	[bflag:$0x3] =	sbarrier.arrive $0xFFFF  }
0xa2: {  	_ =	shalt  }

</sc_bundles>
